<compile_context>
chip_gen: v7x
topology: tpu7x:2x2x1
jax: 0.10.2.dev20260603
libtpu: 0.0.44.dev20260713+nightly
codegen_flags: <defaults>
</compile_context>

<pallas_src>
import functools
import math

import jax
import jax.numpy as jnp
from jax import lax
from jax.experimental import pallas as pl
from jax.experimental.pallas import tpu as pltpu
from jax.experimental.pallas import tpu_sc as plsc

D_EMB = 64
SCALE = math.sqrt(D_EMB)
IDXW = 128
K = 2
CHUNK = K * IDXW
NBUF = 4


def _make_gather(B):
    info = plsc.get_sparse_core_info()
    nc, ns = info.num_cores, info.num_subcores
    nw = nc * ns
    b_per_w = B // nw
    idx_rows = b_per_w // IDXW
    n_chunks = b_per_w // CHUNK
    assert b_per_w % CHUNK == 0 and n_chunks % NBUF == 0

    mesh = plsc.VectorSubcoreMesh(core_axis_name="c", subcore_axis_name="s")

    @functools.partial(
        pl.kernel,
        mesh=mesh,
        out_type=jax.ShapeDtypeStruct((B, D_EMB), jnp.float32),
        scratch_types=(
            [pltpu.VMEM((idx_rows, IDXW), jnp.int32)]
            + [pltpu.VMEM((CHUNK, D_EMB), jnp.float32)] * NBUF
            + [pltpu.SemaphoreType.DMA] * (2 * NBUF)
        ),
        compiler_params=pltpu.CompilerParams(use_tc_tiling_on_sc=False),
    )
    def body(x_hbm, table_hbm, out_hbm, idx_v, *bufs):
        rows = bufs[:NBUF]
        gsem = bufs[NBUF:2 * NBUF]
        ssem = bufs[2 * NBUF:]
        wid = lax.axis_index("s") * nc + lax.axis_index("c")

        pltpu.sync_copy(
            x_hbm.at[pl.ds(pl.multiple_of(wid * idx_rows, 8), idx_rows)],
            idx_v)

        def fire_gather(chunk, b):
            for k in range(K):
                pltpu.async_copy(
                    table_hbm.at[idx_v.at[chunk * K + k]],
                    rows[b].at[pl.ds(k * IDXW, IDXW)],
                    gsem[b])

        def drain_gather(b):
            pltpu.make_async_copy(
                out_hbm.at[pl.ds(0, CHUNK)], rows[b], gsem[b]).wait()

        def drain_scatter(b):
            pltpu.make_async_copy(
                rows[b], out_hbm.at[pl.ds(0, CHUNK)], ssem[b]).wait()

        for b in range(NBUF - 1):
            fire_gather(b, b)

        def outer(gg, carry):
            for i in range(NBUF):
                c = gg * NBUF + i
                b = i
                bp = (i - 1) % NBUF
                cn = c + NBUF - 1

                @pl.when(cn < n_chunks)
                def _fire():
                    if i == 0:
                        @pl.when(c >= 1)
                        def _w():
                            drain_scatter(bp)
                    else:
                        drain_scatter(bp)
                    fire_gather(cn, bp)

                drain_gather(b)

                def scale8(t, cc):
                    r0 = t * 8
                    for rr in range(8):
                        for seg in range(D_EMB // 16):
                            sl = pl.ds(seg * 16, 16)
                            rows[b][r0 + rr, sl] = rows[b][r0 + rr, sl] * SCALE
                    return cc

                lax.fori_loop(0, CHUNK // 8, scale8, 0)

                out_base = pl.multiple_of(wid * b_per_w + c * CHUNK, CHUNK)
                pltpu.async_copy(
                    rows[b], out_hbm.at[pl.ds(out_base, CHUNK)], ssem[b])
            return carry

        lax.fori_loop(0, n_chunks // NBUF, outer, 0)

        for b in range(NBUF):
            drain_scatter(b)

    return body


def kernel(x, table):
    B = x.shape[0] * x.shape[1]
    x2d = x.reshape(B // IDXW, IDXW).astype(jnp.int32)
    out = _make_gather(B)(x2d, table)
    return out.reshape(x.shape[0], x.shape[1], D_EMB)

# --- scband reference (transcript-rebuilt; emitter-appended) ---
"""Pipeline reference for scband-input-embeddings-31267361914956 (READ-ONLY COPY).

The authoritative reference and input builder live on the scoring server;
editing this copy changes nothing except your own understanding.
"""

import jax, jax.numpy as jnp
import numpy as np
import math

D_EMBED = 64
VOCAB_SIZE = 1000000

def setup_inputs(seed: int = 0) -> dict:
    key = jax.random.key(seed)
    k_idx, k_tab = jax.random.split(key)
    x = jax.random.randint(k_idx, (4096, 200), 0, VOCAB_SIZE, dtype=jnp.int64 if jax.config.jax_enable_x64 else jnp.int32)
    table = jax.random.normal(k_tab, (VOCAB_SIZE, D_EMBED), dtype=jnp.float32)
    return {"x": x, "table": table}

def reference(x, table):
    # InputEmbeddings.forward: self.embedding(x) * sqrt(d_embed)
    emb = jnp.take(table, x, axis=0)
    return emb * math.sqrt(D_EMBED)

if __name__ == "__main__":
    import jax
    _d = setup_inputs()
    print(jax.jit(kernel)(*tuple(_d.values())))

</pallas_src>

<mosaic_0001>
#map = affine_map<(d0, d1) -> (0, 0)>
module attributes {stable_mosaic.version = 14 : i64} {
  func.func @body(%arg0: i32, %arg1: i32, %arg2: memref<6400x128xi32, #tpu.memory_space<hbm>>, %arg3: memref<1000000x64xf32, #tpu.memory_space<hbm>>, %arg4: memref<819200x64xf32, #tpu.memory_space<hbm>>, %arg5: memref<200x128xi32, #tpu.memory_space<vmem>>, %arg6: memref<256x64xf32, #tpu.memory_space<vmem>>, %arg7: memref<256x64xf32, #tpu.memory_space<vmem>>, %arg8: memref<256x64xf32, #tpu.memory_space<vmem>>, %arg9: memref<256x64xf32, #tpu.memory_space<vmem>>, %arg10: memref<!tpu.dma_semaphore, #tpu.memory_space<semaphore_mem>>, %arg11: memref<!tpu.dma_semaphore, #tpu.memory_space<semaphore_mem>>, %arg12: memref<!tpu.dma_semaphore, #tpu.memory_space<semaphore_mem>>, %arg13: memref<!tpu.dma_semaphore, #tpu.memory_space<semaphore_mem>>, %arg14: memref<!tpu.dma_semaphore, #tpu.memory_space<semaphore_mem>>, %arg15: memref<!tpu.dma_semaphore, #tpu.memory_space<semaphore_mem>>, %arg16: memref<!tpu.dma_semaphore, #tpu.memory_space<semaphore_mem>>, %arg17: memref<!tpu.dma_semaphore, #tpu.memory_space<semaphore_mem>>) attributes {dimension_semantics = [#tpu.dimension_semantics<core_parallel>, #tpu.dimension_semantics<subcore_parallel>], iteration_bounds = array<i64: 2, 16>, scalar_prefetch = 0 : i64, scratch_operands = 13 : i64, tpu.core_type = #tpu.core_type<sc_vector_subcore>, window_params = [{transform_indices = #map}, {transform_indices = #map}, {transform_indices = #map}]} {
    %mul3A = arith.constant 2 : i32
    %mul3A_0 = arith.muli %arg1, %mul3A : i32
    %add3A = arith.addi %mul3A_0, %arg0 : i32
    %mul3A_1 = arith.constant 200 : i32
    %mul3A_2 = arith.muli %add3A, %mul3A_1 : i32
    %multiple_of3A = tpu.assume_multiple %mul3A_2, 8 : i32
    "tpu.region"() ({
      %run_scoped3A = tpu.sem_alloc : memref<!tpu.dma_semaphore, #tpu.memory_space<semaphore_mem>>
      %dma_start3A_90 = arith.constant 0 : i32
      %dma_start3A_91 = tpu.memref_slice %arg2[%multiple_of3A, %dma_start3A_90] : memref<6400x128xi32, #tpu.memory_space<hbm>> -> memref<200x128xi32, #tpu.memory_space<hbm>>
      %dma_start3A_92 = arith.constant 0 : i32
      %dma_start3A_93 = tpu.memref_slice %arg2[%multiple_of3A, %dma_start3A_92] : memref<6400x128xi32, #tpu.memory_space<hbm>> -> memref<200x128xi32, #tpu.memory_space<hbm>>
      tpu.enqueue_dma source(%dma_start3A_93 : memref<200x128xi32, #tpu.memory_space<hbm>>) target(%arg5 : memref<200x128xi32, #tpu.memory_space<vmem>>) target_semaphore(%run_scoped3A : memref<!tpu.dma_semaphore, #tpu.memory_space<semaphore_mem>>)
      %dma_wait3A_94 = arith.constant 0 : i32
      %dma_wait3A_95 = tpu.memref_slice %arg2[%multiple_of3A, %dma_wait3A_94] : memref<6400x128xi32, #tpu.memory_space<hbm>> -> memref<200x128xi32, #tpu.memory_space<hbm>>
      %dma_wait3A_96 = arith.constant 0 : i32
      %dma_wait3A_97 = tpu.memref_slice %arg2[%multiple_of3A, %dma_wait3A_96] : memref<6400x128xi32, #tpu.memory_space<hbm>> -> memref<200x128xi32, #tpu.memory_space<hbm>>
      tpu.wait_dma2 semaphore(%run_scoped3A : memref<!tpu.dma_semaphore, #tpu.memory_space<semaphore_mem>>) src(%dma_wait3A_97 : memref<200x128xi32, #tpu.memory_space<hbm>>) dst(%arg5 : memref<200x128xi32, #tpu.memory_space<vmem>>)
      tpu.yield
    }) : () -> ()
    %dma_start3A = arith.constant 0 : i32
    %dma_start3A_3 = arith.constant 0 : i32
    %dma_start3A_4 = arith.constant 0 : i32
    %dma_start3A_5 = tpu.memref_slice %arg6[%dma_start3A_3, %dma_start3A_4] : memref<256x64xf32, #tpu.memory_space<vmem>> -> memref<128x64xf32, #tpu.memory_space<vmem>>
    %dma_start3A_6 = arith.constant 0 : i32
    %dma_start3A_7 = tpu.memref_slice %arg5[%dma_start3A, %dma_start3A_6] : memref<200x128xi32, #tpu.memory_space<vmem>> -> memref<1x128xi32, #tpu.memory_space<vmem>>
    %dma_start3A_8 = tpu.memref_squeeze %dma_start3A_7 : memref<1x128xi32, #tpu.memory_space<vmem>> -> memref<128xi32, #tpu.memory_space<vmem>>
    %dma_start3A_9 = arith.constant 0 : i32
    %dma_start3A_10 = arith.constant 0 : i32
    %dma_start3A_11 = tpu.memref_slice %arg3[%dma_start3A_9, %dma_start3A_10] : memref<1000000x64xf32, #tpu.memory_space<hbm>> -> memref<1000000x64xf32, #tpu.memory_space<hbm>>
    tpu.enqueue_indirect_dma source(%dma_start3A_11 : memref<1000000x64xf32, #tpu.memory_space<hbm>>) target(%dma_start3A_5 : memref<128x64xf32, #tpu.memory_space<vmem>>) offsets(%dma_start3A_8 : memref<128xi32, #tpu.memory_space<vmem>>) semaphore(%arg10 : memref<!tpu.dma_semaphore, #tpu.memory_space<semaphore_mem>>)
    %dma_start3A_12 = arith.constant 1 : i32
    %dma_start3A_13 = arith.constant 128 : i32
    %dma_start3A_14 = arith.constant 0 : i32
    %dma_start3A_15 = tpu.memref_slice %arg6[%dma_start3A_13, %dma_start3A_14] : memref<256x64xf32, #tpu.memory_space<vmem>> -> memref<128x64xf32, #tpu.memory_space<vmem>>
    %dma_start3A_16 = arith.constant 0 : i32
    %dma_start3A_17 = tpu.memref_slice %arg5[%dma_start3A_12, %dma_start3A_16] : memref<200x128xi32, #tpu.memory_space<vmem>> -> memref<1x128xi32, #tpu.memory_space<vmem>>
    %dma_start3A_18 = tpu.memref_squeeze %dma_start3A_17 : memref<1x128xi32, #tpu.memory_space<vmem>> -> memref<128xi32, #tpu.memory_space<vmem>>
    %dma_start3A_19 = arith.constant 0 : i32
    %dma_start3A_20 = arith.constant 0 : i32
    %dma_start3A_21 = tpu.memref_slice %arg3[%dma_start3A_19, %dma_start3A_20] : memref<1000000x64xf32, #tpu.memory_space<hbm>> -> memref<1000000x64xf32, #tpu.memory_space<hbm>>
    tpu.enqueue_indirect_dma source(%dma_start3A_21 : memref<1000000x64xf32, #tpu.memory_space<hbm>>) target(%dma_start3A_15 : memref<128x64xf32, #tpu.memory_space<vmem>>) offsets(%dma_start3A_18 : memref<128xi32, #tpu.memory_space<vmem>>) semaphore(%arg10 : memref<!tpu.dma_semaphore, #tpu.memory_space<semaphore_mem>>)
    %dma_start3A_22 = arith.constant 2 : i32
    %dma_start3A_23 = arith.constant 0 : i32
    %dma_start3A_24 = arith.constant 0 : i32
    %dma_start3A_25 = tpu.memref_slice %arg7[%dma_start3A_23, %dma_start3A_24] : memref<256x64xf32, #tpu.memory_space<vmem>> -> memref<128x64xf32, #tpu.memory_space<vmem>>
    %dma_start3A_26 = arith.constant 0 : i32
    %dma_start3A_27 = tpu.memref_slice %arg5[%dma_start3A_22, %dma_start3A_26] : memref<200x128xi32, #tpu.memory_space<vmem>> -> memref<1x128xi32, #tpu.memory_space<vmem>>
    %dma_start3A_28 = tpu.memref_squeeze %dma_start3A_27 : memref<1x128xi32, #tpu.memory_space<vmem>> -> memref<128xi32, #tpu.memory_space<vmem>>
    %dma_start3A_29 = arith.constant 0 : i32
    %dma_start3A_30 = arith.constant 0 : i32
    %dma_start3A_31 = tpu.memref_slice %arg3[%dma_start3A_29, %dma_start3A_30] : memref<1000000x64xf32, #tpu.memory_space<hbm>> -> memref<1000000x64xf32, #tpu.memory_space<hbm>>
    tpu.enqueue_indirect_dma source(%dma_start3A_31 : memref<1000000x64xf32, #tpu.memory_space<hbm>>) target(%dma_start3A_25 : memref<128x64xf32, #tpu.memory_space<vmem>>) offsets(%dma_start3A_28 : memref<128xi32, #tpu.memory_space<vmem>>) semaphore(%arg11 : memref<!tpu.dma_semaphore, #tpu.memory_space<semaphore_mem>>)
    %dma_start3A_32 = arith.constant 3 : i32
    %dma_start3A_33 = arith.constant 128 : i32
    %dma_start3A_34 = arith.constant 0 : i32
    %dma_start3A_35 = tpu.memref_slice %arg7[%dma_start3A_33, %dma_start3A_34] : memref<256x64xf32, #tpu.memory_space<vmem>> -> memref<128x64xf32, #tpu.memory_space<vmem>>
    %dma_start3A_36 = arith.constant 0 : i32
    %dma_start3A_37 = tpu.memref_slice %arg5[%dma_start3A_32, %dma_start3A_36] : memref<200x128xi32, #tpu.memory_space<vmem>> -> memref<1x128xi32, #tpu.memory_space<vmem>>
    %dma_start3A_38 = tpu.memref_squeeze %dma_start3A_37 : memref<1x128xi32, #tpu.memory_space<vmem>> -> memref<128xi32, #tpu.memory_space<vmem>>
    %dma_start3A_39 = arith.constant 0 : i32
    %dma_start3A_40 = arith.constant 0 : i32
    %dma_start3A_41 = tpu.memref_slice %arg3[%dma_start3A_39, %dma_start3A_40] : memref<1000000x64xf32, #tpu.memory_space<hbm>> -> memref<1000000x64xf32, #tpu.memory_space<hbm>>
    tpu.enqueue_indirect_dma source(%dma_start3A_41 : memref<1000000x64xf32, #tpu.memory_space<hbm>>) target(%dma_start3A_35 : memref<128x64xf32, #tpu.memory_space<vmem>>) offsets(%dma_start3A_38 : memref<128xi32, #tpu.memory_space<vmem>>) semaphore(%arg11 : memref<!tpu.dma_semaphore, #tpu.memory_space<semaphore_mem>>)
    %dma_start3A_42 = arith.constant 4 : i32
    %dma_start3A_43 = arith.constant 0 : i32
    %dma_start3A_44 = arith.constant 0 : i32
    %dma_start3A_45 = tpu.memref_slice %arg8[%dma_start3A_43, %dma_start3A_44] : memref<256x64xf32, #tpu.memory_space<vmem>> -> memref<128x64xf32, #tpu.memory_space<vmem>>
    %dma_start3A_46 = arith.constant 0 : i32
    %dma_start3A_47 = tpu.memref_slice %arg5[%dma_start3A_42, %dma_start3A_46] : memref<200x128xi32, #tpu.memory_space<vmem>> -> memref<1x128xi32, #tpu.memory_space<vmem>>
    %dma_start3A_48 = tpu.memref_squeeze %dma_start3A_47 : memref<1x128xi32, #tpu.memory_space<vmem>> -> memref<128xi32, #tpu.memory_space<vmem>>
    %dma_start3A_49 = arith.constant 0 : i32
    %dma_start3A_50 = arith.constant 0 : i32
    %dma_start3A_51 = tpu.memref_slice %arg3[%dma_start3A_49, %dma_start3A_50] : memref<1000000x64xf32, #tpu.memory_space<hbm>> -> memref<1000000x64xf32, #tpu.memory_space<hbm>>
    tpu.enqueue_indirect_dma source(%dma_start3A_51 : memref<1000000x64xf32, #tpu.memory_space<hbm>>) target(%dma_start3A_45 : memref<128x64xf32, #tpu.memory_space<vmem>>) offsets(%dma_start3A_48 : memref<128xi32, #tpu.memory_space<vmem>>) semaphore(%arg12 : memref<!tpu.dma_semaphore, #tpu.memory_space<semaphore_mem>>)
    %dma_start3A_52 = arith.constant 5 : i32
    %dma_start3A_53 = arith.constant 128 : i32
    %dma_start3A_54 = arith.constant 0 : i32
    %dma_start3A_55 = tpu.memref_slice %arg8[%dma_start3A_53, %dma_start3A_54] : memref<256x64xf32, #tpu.memory_space<vmem>> -> memref<128x64xf32, #tpu.memory_space<vmem>>
    %dma_start3A_56 = arith.constant 0 : i32
    %dma_start3A_57 = tpu.memref_slice %arg5[%dma_start3A_52, %dma_start3A_56] : memref<200x128xi32, #tpu.memory_space<vmem>> -> memref<1x128xi32, #tpu.memory_space<vmem>>
    %dma_start3A_58 = tpu.memref_squeeze %dma_start3A_57 : memref<1x128xi32, #tpu.memory_space<vmem>> -> memref<128xi32, #tpu.memory_space<vmem>>
    %dma_start3A_59 = arith.constant 0 : i32
    %dma_start3A_60 = arith.constant 0 : i32
    %dma_start3A_61 = tpu.memref_slice %arg3[%dma_start3A_59, %dma_start3A_60] : memref<1000000x64xf32, #tpu.memory_space<hbm>> -> memref<1000000x64xf32, #tpu.memory_space<hbm>>
    tpu.enqueue_indirect_dma source(%dma_start3A_61 : memref<1000000x64xf32, #tpu.memory_space<hbm>>) target(%dma_start3A_55 : memref<128x64xf32, #tpu.memory_space<vmem>>) offsets(%dma_start3A_58 : memref<128xi32, #tpu.memory_space<vmem>>) semaphore(%arg12 : memref<!tpu.dma_semaphore, #tpu.memory_space<semaphore_mem>>)
    %scan3A = arith.constant 0 : i32
    %scan3A_62 = arith.constant 0 : i32
    %scan3A_63 = arith.constant 25 : i32
    %scan3A_64 = arith.addi %scan3A_62, %scan3A_63 : i32
    %scan3A_65 = arith.constant 1 : i32
    scf.for %scan3A_90 = %scan3A_62 to %scan3A_64 step %scan3A_65  : i32 {
      %mul3A_91 = arith.constant 4 : i32
      %mul3A_92 = arith.muli %scan3A_90, %mul3A_91 : i32
      %add3A_93 = arith.constant 0 : i32
      %add3A_94 = arith.addi %mul3A_92, %add3A_93 : i32
      %add3A_95 = arith.constant 4 : i32
      %add3A_96 = arith.addi %add3A_94, %add3A_95 : i32
      %sub3A = arith.constant 1 : i32
      %sub3A_97 = arith.subi %add3A_96, %sub3A : i32
      %lt3A = arith.constant 100 : i32
      %lt3A_98 = arith.cmpi slt, %sub3A_97, %lt3A : i32
      %convert_element_type3A = arith.extui %lt3A_98 : i1 to i32
      %cond3A = arith.constant 0 : i32
      %cond3A_99 = arith.cmpi ne, %convert_element_type3A, %cond3A : i32
      scf.if %cond3A_99 {
        %ge3A = arith.constant 1 : i32
        %ge3A_227 = arith.cmpi sge, %add3A_94, %ge3A : i32
        %convert_element_type3A_228 = arith.extui %ge3A_227 : i1 to i32
        %cond3A_229 = arith.constant 0 : i32
        %cond3A_230 = arith.cmpi ne, %convert_element_type3A_228, %cond3A_229 : i32
        scf.if %cond3A_230 {
          %dma_wait3A_257 = arith.constant 0 : i32
          %dma_wait3A_258 = arith.constant 0 : i32
          %dma_wait3A_259 = tpu.memref_slice %arg4[%dma_wait3A_257, %dma_wait3A_258] : memref<819200x64xf32, #tpu.memory_space<hbm>> -> memref<256x64xf32, #tpu.memory_space<hbm>>
          %dma_wait3A_260 = arith.constant 0 : i32
          %dma_wait3A_261 = arith.constant 0 : i32
          %dma_wait3A_262 = tpu.memref_slice %arg4[%dma_wait3A_260, %dma_wait3A_261] : memref<819200x64xf32, #tpu.memory_space<hbm>> -> memref<256x64xf32, #tpu.memory_space<hbm>>
          tpu.wait_dma2 semaphore(%arg17 : memref<!tpu.dma_semaphore, #tpu.memory_space<semaphore_mem>>) src(%arg9 : memref<256x64xf32, #tpu.memory_space<vmem>>) dst(%dma_wait3A_262 : memref<256x64xf32, #tpu.memory_space<hbm>>)
        } else {
        }
        %mul3A_231 = arith.constant 2 : i32
        %mul3A_232 = arith.muli %sub3A_97, %mul3A_231 : i32
        %add3A_233 = arith.constant 0 : i32
        %add3A_234 = arith.addi %mul3A_232, %add3A_233 : i32
        %dma_start3A_235 = arith.constant 0 : i32
        %dma_start3A_236 = arith.constant 0 : i32
        %dma_start3A_237 = tpu.memref_slice %arg9[%dma_start3A_235, %dma_start3A_236] : memref<256x64xf32, #tpu.memory_space<vmem>> -> memref<128x64xf32, #tpu.memory_space<vmem>>
        %dma_start3A_238 = arith.constant 0 : i32
        %dma_start3A_239 = tpu.memref_slice %arg5[%add3A_234, %dma_start3A_238] : memref<200x128xi32, #tpu.memory_space<vmem>> -> memref<1x128xi32, #tpu.memory_space<vmem>>
        %dma_start3A_240 = tpu.memref_squeeze %dma_start3A_239 : memref<1x128xi32, #tpu.memory_space<vmem>> -> memref<128xi32, #tpu.memory_space<vmem>>
        %dma_start3A_241 = arith.constant 0 : i32
        %dma_start3A_242 = arith.constant 0 : i32
        %dma_start3A_243 = tpu.memref_slice %arg3[%dma_start3A_241, %dma_start3A_242] : memref<1000000x64xf32, #tpu.memory_space<hbm>> -> memref<1000000x64xf32, #tpu.memory_space<hbm>>
        tpu.enqueue_indirect_dma source(%dma_start3A_243 : memref<1000000x64xf32, #tpu.memory_space<hbm>>) target(%dma_start3A_237 : memref<128x64xf32, #tpu.memory_space<vmem>>) offsets(%dma_start3A_240 : memref<128xi32, #tpu.memory_space<vmem>>) semaphore(%arg13 : memref<!tpu.dma_semaphore, #tpu.memory_space<semaphore_mem>>)
        %mul3A_244 = arith.constant 2 : i32
        %mul3A_245 = arith.muli %sub3A_97, %mul3A_244 : i32
        %add3A_246 = arith.constant 1 : i32
        %add3A_247 = arith.addi %mul3A_245, %add3A_246 : i32
        %dma_start3A_248 = arith.constant 128 : i32
        %dma_start3A_249 = arith.constant 0 : i32
        %dma_start3A_250 = tpu.memref_slice %arg9[%dma_start3A_248, %dma_start3A_249] : memref<256x64xf32, #tpu.memory_space<vmem>> -> memref<128x64xf32, #tpu.memory_space<vmem>>
        %dma_start3A_251 = arith.constant 0 : i32
        %dma_start3A_252 = tpu.memref_slice %arg5[%add3A_247, %dma_start3A_251] : memref<200x128xi32, #tpu.memory_space<vmem>> -> memref<1x128xi32, #tpu.memory_space<vmem>>
        %dma_start3A_253 = tpu.memref_squeeze %dma_start3A_252 : memref<1x128xi32, #tpu.memory_space<vmem>> -> memref<128xi32, #tpu.memory_space<vmem>>
        %dma_start3A_254 = arith.constant 0 : i32
        %dma_start3A_255 = arith.constant 0 : i32
        %dma_start3A_256 = tpu.memref_slice %arg3[%dma_start3A_254, %dma_start3A_255] : memref<1000000x64xf32, #tpu.memory_space<hbm>> -> memref<1000000x64xf32, #tpu.memory_space<hbm>>
        tpu.enqueue_indirect_dma source(%dma_start3A_256 : memref<1000000x64xf32, #tpu.memory_space<hbm>>) target(%dma_start3A_250 : memref<128x64xf32, #tpu.memory_space<vmem>>) offsets(%dma_start3A_253 : memref<128xi32, #tpu.memory_space<vmem>>) semaphore(%arg13 : memref<!tpu.dma_semaphore, #tpu.memory_space<semaphore_mem>>)
      } else {
      }
      %dma_wait3A_100 = arith.constant 0 : i32
      %dma_wait3A_101 = arith.constant 0 : i32
      %dma_wait3A_102 = tpu.memref_slice %arg4[%dma_wait3A_100, %dma_wait3A_101] : memref<819200x64xf32, #tpu.memory_space<hbm>> -> memref<256x64xf32, #tpu.memory_space<hbm>>
      %dma_wait3A_103 = arith.constant 0 : i32
      %dma_wait3A_104 = arith.constant 0 : i32
      %dma_wait3A_105 = tpu.memref_slice %arg4[%dma_wait3A_103, %dma_wait3A_104] : memref<819200x64xf32, #tpu.memory_space<hbm>> -> memref<256x64xf32, #tpu.memory_space<hbm>>
      tpu.wait_dma2 semaphore(%arg10 : memref<!tpu.dma_semaphore, #tpu.memory_space<semaphore_mem>>) src(%dma_wait3A_105 : memref<256x64xf32, #tpu.memory_space<hbm>>) dst(%arg6 : memref<256x64xf32, #tpu.memory_space<vmem>>)
      %scan3A_106 = arith.constant 0 : i32
      %scan3A_107 = arith.constant 0 : i32
      %scan3A_108 = arith.constant 32 : i32
      %scan3A_109 = arith.addi %scan3A_107, %scan3A_108 : i32
      %scan3A_110 = arith.constant 1 : i32
      scf.for %scan3A_227 = %scan3A_107 to %scan3A_109 step %scan3A_110  : i32 {
        %mul3A_228 = arith.constant 8 : i32
        %mul3A_229 = arith.muli %scan3A_227, %mul3A_228 : i32
        %add3A_230 = arith.constant 0 : i32
        %add3A_231 = arith.addi %mul3A_229, %add3A_230 : i32
        %get3A = arith.index_cast %add3A_231 : i32 to index
        %get3A_232 = arith.constant 0 : index
        %get3A_233 = tpu.vector_load %arg6[%get3A, %get3A_232] {strides = array<i32>} : memref<256x64xf32, #tpu.memory_space<vmem>>, vector<1x16xf32>,
        %get3A_234 = vector.shape_cast %get3A_233 : vector<1x16xf32> to vector<16xf32>
        %mul3A_235 = arith.constant 8.000000e+00 : f32
        %mul3A_236 = vector.broadcast %mul3A_235 : f32 to vector<16xf32>
        %mul3A_237 = arith.mulf %get3A_234, %mul3A_236 : vector<16xf32>
        %add3A_238 = arith.constant 0 : i32
        %add3A_239 = arith.addi %mul3A_229, %add3A_238 : i32
        %swap3A = arith.index_cast %add3A_239 : i32 to index
        %swap3A_240 = arith.constant 0 : index
        %swap3A_241 = tpu.vector_load %arg6[%swap3A, %swap3A_240] {strides = array<i32>} : memref<256x64xf32, #tpu.memory_space<vmem>>, vector<1x16xf32>,
        %swap3A_242 = vector.shape_cast %swap3A_241 : vector<1x16xf32> to vector<16xf32>
        %swap3A_243 = vector.shape_cast %mul3A_237 : vector<16xf32> to vector<1x16xf32>
        tpu.vector_store %arg6[%swap3A, %swap3A_240], %swap3A_243 {strides = array<i32>} : memref<256x64xf32, #tpu.memory_space<vmem>>, vector<1x16xf32>,
        %add3A_244 = arith.constant 0 : i32
        %add3A_245 = arith.addi %mul3A_229, %add3A_244 : i32
        %get3A_246 = arith.index_cast %add3A_245 : i32 to index
        %get3A_247 = arith.constant 16 : index
        %get3A_248 = tpu.vector_load %arg6[%get3A_246, %get3A_247] {strides = array<i32>} : memref<256x64xf32, #tpu.memory_space<vmem>>, vector<1x16xf32>,
        %get3A_249 = vector.shape_cast %get3A_248 : vector<1x16xf32> to vector<16xf32>
        %mul3A_250 = arith.constant 8.000000e+00 : f32
        %mul3A_251 = vector.broadcast %mul3A_250 : f32 to vector<16xf32>
        %mul3A_252 = arith.mulf %get3A_249, %mul3A_251 : vector<16xf32>
        %add3A_253 = arith.constant 0 : i32
        %add3A_254 = arith.addi %mul3A_229, %add3A_253 : i32
        %swap3A_255 = arith.index_cast %add3A_254 : i32 to index
        %swap3A_256 = arith.constant 16 : index
        %swap3A_257 = tpu.vector_load %arg6[%swap3A_255, %swap3A_256] {strides = array<i32>} : memref<256x64xf32, #tpu.memory_space<vmem>>, vector<1x16xf32>,
        %swap3A_258 = vector.shape_cast %swap3A_257 : vector<1x16xf32> to vector<16xf32>
        %swap3A_259 = vector.shape_cast %mul3A_252 : vector<16xf32> to vector<1x16xf32>
        tpu.vector_store %arg6[%swap3A_255, %swap3A_256], %swap3A_259 {strides = array<i32>} : memref<256x64xf32, #tpu.memory_space<vmem>>, vector<1x16xf32>,
        %add3A_260 = arith.constant 0 : i32
        %add3A_261 = arith.addi %mul3A_229, %add3A_260 : i32
        %get3A_262 = arith.index_cast %add3A_261 : i32 to index
        %get3A_263 = arith.constant 32 : index
        %get3A_264 = tpu.vector_load %arg6[%get3A_262, %get3A_263] {strides = array<i32>} : memref<256x64xf32, #tpu.memory_space<vmem>>, vector<1x16xf32>,
        %get3A_265 = vector.shape_cast %get3A_264 : vector<1x16xf32> to vector<16xf32>
        %mul3A_266 = arith.constant 8.000000e+00 : f32
        %mul3A_267 = vector.broadcast %mul3A_266 : f32 to vector<16xf32>
        %mul3A_268 = arith.mulf %get3A_265, %mul3A_267 : vector<16xf32>
        %add3A_269 = arith.constant 0 : i32
        %add3A_270 = arith.addi %mul3A_229, %add3A_269 : i32
        %swap3A_271 = arith.index_cast %add3A_270 : i32 to index
        %swap3A_272 = arith.constant 32 : index
        %swap3A_273 = tpu.vector_load %arg6[%swap3A_271, %swap3A_272] {strides = array<i32>} : memref<256x64xf32, #tpu.memory_space<vmem>>, vector<1x16xf32>,
        %swap3A_274 = vector.shape_cast %swap3A_273 : vector<1x16xf32> to vector<16xf32>
        %swap3A_275 = vector.shape_cast %mul3A_268 : vector<16xf32> to vector<1x16xf32>
        tpu.vector_store %arg6[%swap3A_271, %swap3A_272], %swap3A_275 {strides = array<i32>} : memref<256x64xf32, #tpu.memory_space<vmem>>, vector<1x16xf32>,
        %add3A_276 = arith.constant 0 : i32
        %add3A_277 = arith.addi %mul3A_229, %add3A_276 : i32
        %get3A_278 = arith.index_cast %add3A_277 : i32 to index
        %get3A_279 = arith.constant 48 : index
        %get3A_280 = tpu.vector_load %arg6[%get3A_278, %get3A_279] {strides = array<i32>} : memref<256x64xf32, #tpu.memory_space<vmem>>, vector<1x16xf32>,
        %get3A_281 = vector.shape_cast %get3A_280 : vector<1x16xf32> to vector<16xf32>
        %mul3A_282 = arith.constant 8.000000e+00 : f32
        %mul3A_283 = vector.broadcast %mul3A_282 : f32 to vector<16xf32>
        %mul3A_284 = arith.mulf %get3A_281, %mul3A_283 : vector<16xf32>
        %add3A_285 = arith.constant 0 : i32
        %add3A_286 = arith.addi %mul3A_229, %add3A_285 : i32
        %swap3A_287 = arith.index_cast %add3A_286 : i32 to index
        %swap3A_288 = arith.constant 48 : index
        %swap3A_289 = tpu.vector_load %arg6[%swap3A_287, %swap3A_288] {strides = array<i32>} : memref<256x64xf32, #tpu.memory_space<vmem>>, vector<1x16xf32>,
        %swap3A_290 = vector.shape_cast %swap3A_289 : vector<1x16xf32> to vector<16xf32>
        %swap3A_291 = vector.shape_cast %mul3A_284 : vector<16xf32> to vector<1x16xf32>
        tpu.vector_store %arg6[%swap3A_287, %swap3A_288], %swap3A_291 {strides = array<i32>} : memref<256x64xf32, #tpu.memory_space<vmem>>, vector<1x16xf32>,
        %add3A_292 = arith.constant 1 : i32
        %add3A_293 = arith.addi %mul3A_229, %add3A_292 : i32
        %get3A_294 = arith.index_cast %add3A_293 : i32 to index
        %get3A_295 = arith.constant 0 : index
        %get3A_296 = tpu.vector_load %arg6[%get3A_294, %get3A_295] {strides = array<i32>} : memref<256x64xf32, #tpu.memory_space<vmem>>, vector<1x16xf32>,
        %get3A_297 = vector.shape_cast %get3A_296 : vector<1x16xf32> to vector<16xf32>
        %mul3A_298 = arith.constant 8.000000e+00 : f32
        %mul3A_299 = vector.broadcast %mul3A_298 : f32 to vector<16xf32>
        %mul3A_300 = arith.mulf %get3A_297, %mul3A_299 : vector<16xf32>
        %add3A_301 = arith.constant 1 : i32
        %add3A_302 = arith.addi %mul3A_229, %add3A_301 : i32
        %swap3A_303 = arith.index_cast %add3A_302 : i32 to index
        %swap3A_304 = arith.constant 0 : index
        %swap3A_305 = tpu.vector_load %arg6[%swap3A_303, %swap3A_304] {strides = array<i32>} : memref<256x64xf32, #tpu.memory_space<vmem>>, vector<1x16xf32>,
        %swap3A_306 = vector.shape_cast %swap3A_305 : vector<1x16xf32> to vector<16xf32>
        %swap3A_307 = vector.shape_cast %mul3A_300 : vector<16xf32> to vector<1x16xf32>
        tpu.vector_store %arg6[%swap3A_303, %swap3A_304], %swap3A_307 {strides = array<i32>} : memref<256x64xf32, #tpu.memory_space<vmem>>, vector<1x16xf32>,
        %add3A_308 = arith.constant 1 : i32
        %add3A_309 = arith.addi %mul3A_229, %add3A_308 : i32
        %get3A_310 = arith.index_cast %add3A_309 : i32 to index
        %get3A_311 = arith.constant 16 : index
        %get3A_312 = tpu.vector_load %arg6[%get3A_310, %get3A_311] {strides = array<i32>} : memref<256x64xf32, #tpu.memory_space<vmem>>, vector<1x16xf32>,
        %get3A_313 = vector.shape_cast %get3A_312 : vector<1x16xf32> to vector<16xf32>
        %mul3A_314 = arith.constant 8.000000e+00 : f32
        %mul3A_315 = vector.broadcast %mul3A_314 : f32 to vector<16xf32>
        %mul3A_316 = arith.mulf %get3A_313, %mul3A_315 : vector<16xf32>
        %add3A_317 = arith.constant 1 : i32
        %add3A_318 = arith.addi %mul3A_229, %add3A_317 : i32
        %swap3A_319 = arith.index_cast %add3A_318 : i32 to index
        %swap3A_320 = arith.constant 16 : index
        %swap3A_321 = tpu.vector_load %arg6[%swap3A_319, %swap3A_320] {strides = array<i32>} : memref<256x64xf32, #tpu.memory_space<vmem>>, vector<1x16xf32>,
        %swap3A_322 = vector.shape_cast %swap3A_321 : vector<1x16xf32> to vector<16xf32>
        %swap3A_323 = vector.shape_cast %mul3A_316 : vector<16xf32> to vector<1x16xf32>
        tpu.vector_store %arg6[%swap3A_319, %swap3A_320], %swap3A_323 {strides = array<i32>} : memref<256x64xf32, #tpu.memory_space<vmem>>, vector<1x16xf32>,
        %add3A_324 = arith.constant 1 : i32
        %add3A_325 = arith.addi %mul3A_229, %add3A_324 : i32
        %get3A_326 = arith.index_cast %add3A_325 : i32 to index
        %get3A_327 = arith.constant 32 : index
        %get3A_328 = tpu.vector_load %arg6[%get3A_326, %get3A_327] {strides = array<i32>} : memref<256x64xf32, #tpu.memory_space<vmem>>, vector<1x16xf32>,
        %get3A_329 = vector.shape_cast %get3A_328 : vector<1x16xf32> to vector<16xf32>
        %mul3A_330 = arith.constant 8.000000e+00 : f32
        %mul3A_331 = vector.broadcast %mul3A_330 : f32 to vector<16xf32>
        %mul3A_332 = arith.mulf %get3A_329, %mul3A_331 : vector<16xf32>
        %add3A_333 = arith.constant 1 : i32
        %add3A_334 = arith.addi %mul3A_229, %add3A_333 : i32
        %swap3A_335 = arith.index_cast %add3A_334 : i32 to index
        %swap3A_336 = arith.constant 32 : index
        %swap3A_337 = tpu.vector_load %arg6[%swap3A_335, %swap3A_336] {strides = array<i32>} : memref<256x64xf32, #tpu.memory_space<vmem>>, vector<1x16xf32>,
        %swap3A_338 = vector.shape_cast %swap3A_337 : vector<1x16xf32> to vector<16xf32>
        %swap3A_339 = vector.shape_cast %mul3A_332 : vector<16xf32> to vector<1x16xf32>
        tpu.vector_store %arg6[%swap3A_335, %swap3A_336], %swap3A_339 {strides = array<i32>} : memref<256x64xf32, #tpu.memory_space<vmem>>, vector<1x16xf32>,
        %add3A_340 = arith.constant 1 : i32
        %add3A_341 = arith.addi %mul3A_229, %add3A_340 : i32
        %get3A_342 = arith.index_cast %add3A_341 : i32 to index
        %get3A_343 = arith.constant 48 : index
        %get3A_344 = tpu.vector_load %arg6[%get3A_342, %get3A_343] {strides = array<i32>} : memref<256x64xf32, #tpu.memory_space<vmem>>, vector<1x16xf32>,
        %get3A_345 = vector.shape_cast %get3A_344 : vector<1x16xf32> to vector<16xf32>
        %mul3A_346 = arith.constant 8.000000e+00 : f32
        %mul3A_347 = vector.broadcast %mul3A_346 : f32 to vector<16xf32>
        %mul3A_348 = arith.mulf %get3A_345, %mul3A_347 : vector<16xf32>
        %add3A_349 = arith.constant 1 : i32
        %add3A_350 = arith.addi %mul3A_229, %add3A_349 : i32
        %swap3A_351 = arith.index_cast %add3A_350 : i32 to index
        %swap3A_352 = arith.constant 48 : index
        %swap3A_353 = tpu.vector_load %arg6[%swap3A_351, %swap3A_352] {strides = array<i32>} : memref<256x64xf32, #tpu.memory_space<vmem>>, vector<1x16xf32>,
        %swap3A_354 = vector.shape_cast %swap3A_353 : vector<1x16xf32> to vector<16xf32>
        %swap3A_355 = vector.shape_cast %mul3A_348 : vector<16xf32> to vector<1x16xf32>
        tpu.vector_store %arg6[%swap3A_351, %swap3A_352], %swap3A_355 {strides = array<i32>} : memref<256x64xf32, #tpu.memory_space<vmem>>, vector<1x16xf32>,
        %add3A_356 = arith.constant 2 : i32
        %add3A_357 = arith.addi %mul3A_229, %add3A_356 : i32
        %get3A_358 = arith.index_cast %add3A_357 : i32 to index
        %get3A_359 = arith.constant 0 : index
        %get3A_360 = tpu.vector_load %arg6[%get3A_358, %get3A_359] {strides = array<i32>} : memref<256x64xf32, #tpu.memory_space<vmem>>, vector<1x16xf32>,
        %get3A_361 = vector.shape_cast %get3A_360 : vector<1x16xf32> to vector<16xf32>
        %mul3A_362 = arith.constant 8.000000e+00 : f32
        %mul3A_363 = vector.broadcast %mul3A_362 : f32 to vector<16xf32>
        %mul3A_364 = arith.mulf %get3A_361, %mul3A_363 : vector<16xf32>
        %add3A_365 = arith.constant 2 : i32
        %add3A_366 = arith.addi %mul3A_229, %add3A_365 : i32
        %swap3A_367 = arith.index_cast %add3A_366 : i32 to index
        %swap3A_368 = arith.constant 0 : index
        %swap3A_369 = tpu.vector_load %arg6[%swap3A_367, %swap3A_368] {strides = array<i32>} : memref<256x64xf32, #tpu.memory_space<vmem>>, vector<1x16xf32>,
        %swap3A_370 = vector.shape_cast %swap3A_369 : vector<1x16xf32> to vector<16xf32>
        %swap3A_371 = vector.shape_cast %mul3A_364 : vector<16xf32> to vector<1x16xf32>
        tpu.vector_store %arg6[%swap3A_367, %swap3A_368], %swap3A_371 {strides = array<i32>} : memref<256x64xf32, #tpu.memory_space<vmem>>, vector<1x16xf32>,
        %add3A_372 = arith.constant 2 : i32
        %add3A_373 = arith.addi %mul3A_229, %add3A_372 : i32
        %get3A_374 = arith.index_cast %add3A_373 : i32 to index
        %get3A_375 = arith.constant 16 : index
        %get3A_376 = tpu.vector_load %arg6[%get3A_374, %get3A_375] {strides = array<i32>} : memref<256x64xf32, #tpu.memory_space<vmem>>, vector<1x16xf32>,
        %get3A_377 = vector.shape_cast %get3A_376 : vector<1x16xf32> to vector<16xf32>
        %mul3A_378 = arith.constant 8.000000e+00 : f32
        %mul3A_379 = vector.broadcast %mul3A_378 : f32 to vector<16xf32>
        %mul3A_380 = arith.mulf %get3A_377, %mul3A_379 : vector<16xf32>
        %add3A_381 = arith.constant 2 : i32
        %add3A_382 = arith.addi %mul3A_229, %add3A_381 : i32
        %swap3A_383 = arith.index_cast %add3A_382 : i32 to index
        %swap3A_384 = arith.constant 16 : index
        %swap3A_385 = tpu.vector_load %arg6[%swap3A_383, %swap3A_384] {strides = array<i32>} : memref<256x64xf32, #tpu.memory_space<vmem>>, vector<1x16xf32>,
        %swap3A_386 = vector.shape_cast %swap3A_385 : vector<1x16xf32> to vector<16xf32>
        %swap3A_387 = vector.shape_cast %mul3A_380 : vector<16xf32> to vector<1x16xf32>
        tpu.vector_store %arg6[%swap3A_383, %swap3A_384], %swap3A_387 {strides = array<i32>} : memref<256x64xf32, #tpu.memory_space<vmem>>, vector<1x16xf32>,
        %add3A_388 = arith.constant 2 : i32
        %add3A_389 = arith.addi %mul3A_229, %add3A_388 : i32
        %get3A_390 = arith.index_cast %add3A_389 : i32 to index
        %get3A_391 = arith.constant 32 : index
        %get3A_392 = tpu.vector_load %arg6[%get3A_390, %get3A_391] {strides = array<i32>} : memref<256x64xf32, #tpu.memory_space<vmem>>, vector<1x16xf32>,
        %get3A_393 = vector.shape_cast %get3A_392 : vector<1x16xf32> to vector<16xf32>
        %mul3A_394 = arith.constant 8.000000e+00 : f32
        %mul3A_395 = vector.broadcast %mul3A_394 : f32 to vector<16xf32>
        %mul3A_396 = arith.mulf %get3A_393, %mul3A_395 : vector<16xf32>
        %add3A_397 = arith.constant 2 : i32
        %add3A_398 = arith.addi %mul3A_229, %add3A_397 : i32
        %swap3A_399 = arith.index_cast %add3A_398 : i32 to index
        %swap3A_400 = arith.constant 32 : index
        %swap3A_401 = tpu.vector_load %arg6[%swap3A_399, %swap3A_400] {strides = array<i32>} : memref<256x64xf32, #tpu.memory_space<vmem>>, vector<1x16xf32>,
        %swap3A_402 = vector.shape_cast %swap3A_401 : vector<1x16xf32> to vector<16xf32>
        %swap3A_403 = vector.shape_cast %mul3A_396 : vector<16xf32> to vector<1x16xf32>
        tpu.vector_store %arg6[%swap3A_399, %swap3A_400], %swap3A_403 {strides = array<i32>} : memref<256x64xf32, #tpu.memory_space<vmem>>, vector<1x16xf32>,
        %add3A_404 = arith.constant 2 : i32
        %add3A_405 = arith.addi %mul3A_229, %add3A_404 : i32
        %get3A_406 = arith.index_cast %add3A_405 : i32 to index
        %get3A_407 = arith.constant 48 : index
        %get3A_408 = tpu.vector_load %arg6[%get3A_406, %get3A_407] {strides = array<i32>} : memref<256x64xf32, #tpu.memory_space<vmem>>, vector<1x16xf32>,
        %get3A_409 = vector.shape_cast %get3A_408 : vector<1x16xf32> to vector<16xf32>
        %mul3A_410 = arith.constant 8.000000e+00 : f32
        %mul3A_411 = vector.broadcast %mul3A_410 : f32 to vector<16xf32>
        %mul3A_412 = arith.mulf %get3A_409, %mul3A_411 : vector<16xf32>
        %add3A_413 = arith.constant 2 : i32
        %add3A_414 = arith.addi %mul3A_229, %add3A_413 : i32
        %swap3A_415 = arith.index_cast %add3A_414 : i32 to index
        %swap3A_416 = arith.constant 48 : index
        %swap3A_417 = tpu.vector_load %arg6[%swap3A_415, %swap3A_416] {strides = array<i32>} : memref<256x64xf32, #tpu.memory_space<vmem>>, vector<1x16xf32>,
        %swap3A_418 = vector.shape_cast %swap3A_417 : vector<1x16xf32> to vector<16xf32>
        %swap3A_419 = vector.shape_cast %mul3A_412 : vector<16xf32> to vector<1x16xf32>
        tpu.vector_store %arg6[%swap3A_415, %swap3A_416], %swap3A_419 {strides = array<i32>} : memref<256x64xf32, #tpu.memory_space<vmem>>, vector<1x16xf32>,
        %add3A_420 = arith.constant 3 : i32
        %add3A_421 = arith.addi %mul3A_229, %add3A_420 : i32
        %get3A_422 = arith.index_cast %add3A_421 : i32 to index
        %get3A_423 = arith.constant 0 : index
        %get3A_424 = tpu.vector_load %arg6[%get3A_422, %get3A_423] {strides = array<i32>} : memref<256x64xf32, #tpu.memory_space<vmem>>, vector<1x16xf32>,
        %get3A_425 = vector.shape_cast %get3A_424 : vector<1x16xf32> to vector<16xf32>
        %mul3A_426 = arith.constant 8.000000e+00 : f32
        %mul3A_427 = vector.broadcast %mul3A_426 : f32 to vector<16xf32>
        %mul3A_428 = arith.mulf %get3A_425, %mul3A_427 : vector<16xf32>
        %add3A_429 = arith.constant 3 : i32
        %add3A_430 = arith.addi %mul3A_229, %add3A_429 : i32
        %swap3A_431 = arith.index_cast %add3A_430 : i32 to index
        %swap3A_432 = arith.constant 0 : index
        %swap3A_433 = tpu.vector_load %arg6[%swap3A_431, %swap3A_432] {strides = array<i32>} : memref<256x64xf32, #tpu.memory_space<vmem>>, vector<1x16xf32>,
        %swap3A_434 = vector.shape_cast %swap3A_433 : vector<1x16xf32> to vector<16xf32>
        %swap3A_435 = vector.shape_cast %mul3A_428 : vector<16xf32> to vector<1x16xf32>
        tpu.vector_store %arg6[%swap3A_431, %swap3A_432], %swap3A_435 {strides = array<i32>} : memref<256x64xf32, #tpu.memory_space<vmem>>, vector<1x16xf32>,
        %add3A_436 = arith.constant 3 : i32
        %add3A_437 = arith.addi %mul3A_229, %add3A_436 : i32
        %get3A_438 = arith.index_cast %add3A_437 : i32 to index
        %get3A_439 = arith.constant 16 : index
        %get3A_440 = tpu.vector_load %arg6[%get3A_438, %get3A_439] {strides = array<i32>} : memref<256x64xf32, #tpu.memory_space<vmem>>, vector<1x16xf32>,
        %get3A_441 = vector.shape_cast %get3A_440 : vector<1x16xf32> to vector<16xf32>
        %mul3A_442 = arith.constant 8.000000e+00 : f32
        %mul3A_443 = vector.broadcast %mul3A_442 : f32 to vector<16xf32>
        %mul3A_444 = arith.mulf %get3A_441, %mul3A_443 : vector<16xf32>
        %add3A_445 = arith.constant 3 : i32
        %add3A_446 = arith.addi %mul3A_229, %add3A_445 : i32
        %swap3A_447 = arith.index_cast %add3A_446 : i32 to index
        %swap3A_448 = arith.constant 16 : index
        %swap3A_449 = tpu.vector_load %arg6[%swap3A_447, %swap3A_448] {strides = array<i32>} : memref<256x64xf32, #tpu.memory_space<vmem>>, vector<1x16xf32>,
        %swap3A_450 = vector.shape_cast %swap3A_449 : vector<1x16xf32> to vector<16xf32>
        %swap3A_451 = vector.shape_cast %mul3A_444 : vector<16xf32> to vector<1x16xf32>
        tpu.vector_store %arg6[%swap3A_447, %swap3A_448], %swap3A_451 {strides = array<i32>} : memref<256x64xf32, #tpu.memory_space<vmem>>, vector<1x16xf32>,
        %add3A_452 = arith.constant 3 : i32
        %add3A_453 = arith.addi %mul3A_229, %add3A_452 : i32
        %get3A_454 = arith.index_cast %add3A_453 : i32 to index
        %get3A_455 = arith.constant 32 : index
        %get3A_456 = tpu.vector_load %arg6[%get3A_454, %get3A_455] {strides = array<i32>} : memref<256x64xf32, #tpu.memory_space<vmem>>, vector<1x16xf32>,
        %get3A_457 = vector.shape_cast %get3A_456 : vector<1x16xf32> to vector<16xf32>
        %mul3A_458 = arith.constant 8.000000e+00 : f32
        %mul3A_459 = vector.broadcast %mul3A_458 : f32 to vector<16xf32>
        %mul3A_460 = arith.mulf %get3A_457, %mul3A_459 : vector<16xf32>
        %add3A_461 = arith.constant 3 : i32
        %add3A_462 = arith.addi %mul3A_229, %add3A_461 : i32
        %swap3A_463 = arith.index_cast %add3A_462 : i32 to index
        %swap3A_464 = arith.constant 32 : index
        %swap3A_465 = tpu.vector_load %arg6[%swap3A_463, %swap3A_464] {strides = array<i32>} : memref<256x64xf32, #tpu.memory_space<vmem>>, vector<1x16xf32>,
        %swap3A_466 = vector.shape_cast %swap3A_465 : vector<1x16xf32> to vector<16xf32>
        %swap3A_467 = vector.shape_cast %mul3A_460 : vector<16xf32> to vector<1x16xf32>
        tpu.vector_store %arg6[%swap3A_463, %swap3A_464], %swap3A_467 {strides = array<i32>} : memref<256x64xf32, #tpu.memory_space<vmem>>, vector<1x16xf32>,
        %add3A_468 = arith.constant 3 : i32
        %add3A_469 = arith.addi %mul3A_229, %add3A_468 : i32
        %get3A_470 = arith.index_cast %add3A_469 : i32 to index
        %get3A_471 = arith.constant 48 : index
        %get3A_472 = tpu.vector_load %arg6[%get3A_470, %get3A_471] {strides = array<i32>} : memref<256x64xf32, #tpu.memory_space<vmem>>, vector<1x16xf32>,
        %get3A_473 = vector.shape_cast %get3A_472 : vector<1x16xf32> to vector<16xf32>
        %mul3A_474 = arith.constant 8.000000e+00 : f32
        %mul3A_475 = vector.broadcast %mul3A_474 : f32 to vector<16xf32>
        %mul3A_476 = arith.mulf %get3A_473, %mul3A_475 : vector<16xf32>
        %add3A_477 = arith.constant 3 : i32
        %add3A_478 = arith.addi %mul3A_229, %add3A_477 : i32
        %swap3A_479 = arith.index_cast %add3A_478 : i32 to index
        %swap3A_480 = arith.constant 48 : index
        %swap3A_481 = tpu.vector_load %arg6[%swap3A_479, %swap3A_480] {strides = array<i32>} : memref<256x64xf32, #tpu.memory_space<vmem>>, vector<1x16xf32>,
        %swap3A_482 = vector.shape_cast %swap3A_481 : vector<1x16xf32> to vector<16xf32>
        %swap3A_483 = vector.shape_cast %mul3A_476 : vector<16xf32> to vector<1x16xf32>
        tpu.vector_store %arg6[%swap3A_479, %swap3A_480], %swap3A_483 {strides = array<i32>} : memref<256x64xf32, #tpu.memory_space<vmem>>, vector<1x16xf32>,
        %add3A_484 = arith.constant 4 : i32
        %add3A_485 = arith.addi %mul3A_229, %add3A_484 : i32
        %get3A_486 = arith.index_cast %add3A_485 : i32 to index
        %get3A_487 = arith.constant 0 : index
        %get3A_488 = tpu.vector_load %arg6[%get3A_486, %get3A_487] {strides = array<i32>} : memref<256x64xf32, #tpu.memory_space<vmem>>, vector<1x16xf32>,
        %get3A_489 = vector.shape_cast %get3A_488 : vector<1x16xf32> to vector<16xf32>
        %mul3A_490 = arith.constant 8.000000e+00 : f32
        %mul3A_491 = vector.broadcast %mul3A_490 : f32 to vector<16xf32>
        %mul3A_492 = arith.mulf %get3A_489, %mul3A_491 : vector<16xf32>
        %add3A_493 = arith.constant 4 : i32
        %add3A_494 = arith.addi %mul3A_229, %add3A_493 : i32
        %swap3A_495 = arith.index_cast %add3A_494 : i32 to index
        %swap3A_496 = arith.constant 0 : index
        %swap3A_497 = tpu.vector_load %arg6[%swap3A_495, %swap3A_496] {strides = array<i32>} : memref<256x64xf32, #tpu.memory_space<vmem>>, vector<1x16xf32>,
        %swap3A_498 = vector.shape_cast %swap3A_497 : vector<1x16xf32> to vector<16xf32>
        %swap3A_499 = vector.shape_cast %mul3A_492 : vector<16xf32> to vector<1x16xf32>
        tpu.vector_store %arg6[%swap3A_495, %swap3A_496], %swap3A_499 {strides = array<i32>} : memref<256x64xf32, #tpu.memory_space<vmem>>, vector<1x16xf32>,
        %add3A_500 = arith.constant 4 : i32
        %add3A_501 = arith.addi %mul3A_229, %add3A_500 : i32
        %get3A_502 = arith.index_cast %add3A_501 : i32 to index
        %get3A_503 = arith.constant 16 : index
        %get3A_504 = tpu.vector_load %arg6[%get3A_502, %get3A_503] {strides = array<i32>} : memref<256x64xf32, #tpu.memory_space<vmem>>, vector<1x16xf32>,
        %get3A_505 = vector.shape_cast %get3A_504 : vector<1x16xf32> to vector<16xf32>
        %mul3A_506 = arith.constant 8.000000e+00 : f32
        %mul3A_507 = vector.broadcast %mul3A_506 : f32 to vector<16xf32>
        %mul3A_508 = arith.mulf %get3A_505, %mul3A_507 : vector<16xf32>
        %add3A_509 = arith.constant 4 : i32
        %add3A_510 = arith.addi %mul3A_229, %add3A_509 : i32
        %swap3A_511 = arith.index_cast %add3A_510 : i32 to index
        %swap3A_512 = arith.constant 16 : index
        %swap3A_513 = tpu.vector_load %arg6[%swap3A_511, %swap3A_512] {strides = array<i32>} : memref<256x64xf32, #tpu.memory_space<vmem>>, vector<1x16xf32>,
        %swap3A_514 = vector.shape_cast %swap3A_513 : vector<1x16xf32> to vector<16xf32>
        %swap3A_515 = vector.shape_cast %mul3A_508 : vector<16xf32> to vector<1x16xf32>
        tpu.vector_store %arg6[%swap3A_511, %swap3A_512], %swap3A_515 {strides = array<i32>} : memref<256x64xf32, #tpu.memory_space<vmem>>, vector<1x16xf32>,
        %add3A_516 = arith.constant 4 : i32
        %add3A_517 = arith.addi %mul3A_229, %add3A_516 : i32
        %get3A_518 = arith.index_cast %add3A_517 : i32 to index
        %get3A_519 = arith.constant 32 : index
        %get3A_520 = tpu.vector_load %arg6[%get3A_518, %get3A_519] {strides = array<i32>} : memref<256x64xf32, #tpu.memory_space<vmem>>, vector<1x16xf32>,
        %get3A_521 = vector.shape_cast %get3A_520 : vector<1x16xf32> to vector<16xf32>
        %mul3A_522 = arith.constant 8.000000e+00 : f32
        %mul3A_523 = vector.broadcast %mul3A_522 : f32 to vector<16xf32>
        %mul3A_524 = arith.mulf %get3A_521, %mul3A_523 : vector<16xf32>
        %add3A_525 = arith.constant 4 : i32
        %add3A_526 = arith.addi %mul3A_229, %add3A_525 : i32
        %swap3A_527 = arith.index_cast %add3A_526 : i32 to index
        %swap3A_528 = arith.constant 32 : index
        %swap3A_529 = tpu.vector_load %arg6[%swap3A_527, %swap3A_528] {strides = array<i32>} : memref<256x64xf32, #tpu.memory_space<vmem>>, vector<1x16xf32>,
        %swap3A_530 = vector.shape_cast %swap3A_529 : vector<1x16xf32> to vector<16xf32>
        %swap3A_531 = vector.shape_cast %mul3A_524 : vector<16xf32> to vector<1x16xf32>
        tpu.vector_store %arg6[%swap3A_527, %swap3A_528], %swap3A_531 {strides = array<i32>} : memref<256x64xf32, #tpu.memory_space<vmem>>, vector<1x16xf32>,
        %add3A_532 = arith.constant 4 : i32
        %add3A_533 = arith.addi %mul3A_229, %add3A_532 : i32
        %get3A_534 = arith.index_cast %add3A_533 : i32 to index
        %get3A_535 = arith.constant 48 : index
        %get3A_536 = tpu.vector_load %arg6[%get3A_534, %get3A_535] {strides = array<i32>} : memref<256x64xf32, #tpu.memory_space<vmem>>, vector<1x16xf32>,
        %get3A_537 = vector.shape_cast %get3A_536 : vector<1x16xf32> to vector<16xf32>
        %mul3A_538 = arith.constant 8.000000e+00 : f32
        %mul3A_539 = vector.broadcast %mul3A_538 : f32 to vector<16xf32>
        %mul3A_540 = arith.mulf %get3A_537, %mul3A_539 : vector<16xf32>
        %add3A_541 = arith.constant 4 : i32
        %add3A_542 = arith.addi %mul3A_229, %add3A_541 : i32
        %swap3A_543 = arith.index_cast %add3A_542 : i32 to index
        %swap3A_544 = arith.constant 48 : index
        %swap3A_545 = tpu.vector_load %arg6[%swap3A_543, %swap3A_544] {strides = array<i32>} : memref<256x64xf32, #tpu.memory_space<vmem>>, vector<1x16xf32>,
        %swap3A_546 = vector.shape_cast %swap3A_545 : vector<1x16xf32> to vector<16xf32>
        %swap3A_547 = vector.shape_cast %mul3A_540 : vector<16xf32> to vector<1x16xf32>
        tpu.vector_store %arg6[%swap3A_543, %swap3A_544], %swap3A_547 {strides = array<i32>} : memref<256x64xf32, #tpu.memory_space<vmem>>, vector<1x16xf32>,
        %add3A_548 = arith.constant 5 : i32
        %add3A_549 = arith.addi %mul3A_229, %add3A_548 : i32
        %get3A_550 = arith.index_cast %add3A_549 : i32 to index
        %get3A_551 = arith.constant 0 : index
        %get3A_552 = tpu.vector_load %arg6[%get3A_550, %get3A_551] {strides = array<i32>} : memref<256x64xf32, #tpu.memory_space<vmem>>, vector<1x16xf32>,
        %get3A_553 = vector.shape_cast %get3A_552 : vector<1x16xf32> to vector<16xf32>
        %mul3A_554 = arith.constant 8.000000e+00 : f32
        %mul3A_555 = vector.broadcast %mul3A_554 : f32 to vector<16xf32>
        %mul3A_556 = arith.mulf %get3A_553, %mul3A_555 : vector<16xf32>
        %add3A_557 = arith.constant 5 : i32
        %add3A_558 = arith.addi %mul3A_229, %add3A_557 : i32
        %swap3A_559 = arith.index_cast %add3A_558 : i32 to index
        %swap3A_560 = arith.constant 0 : index
        %swap3A_561 = tpu.vector_load %arg6[%swap3A_559, %swap3A_560] {strides = array<i32>} : memref<256x64xf32, #tpu.memory_space<vmem>>, vector<1x16xf32>,
        %swap3A_562 = vector.shape_cast %swap3A_561 : vector<1x16xf32> to vector<16xf32>
        %swap3A_563 = vector.shape_cast %mul3A_556 : vector<16xf32> to vector<1x16xf32>
        tpu.vector_store %arg6[%swap3A_559, %swap3A_560], %swap3A_563 {strides = array<i32>} : memref<256x64xf32, #tpu.memory_space<vmem>>, vector<1x16xf32>,
        %add3A_564 = arith.constant 5 : i32
        %add3A_565 = arith.addi %mul3A_229, %add3A_564 : i32
        %get3A_566 = arith.index_cast %add3A_565 : i32 to index
        %get3A_567 = arith.constant 16 : index
        %get3A_568 = tpu.vector_load %arg6[%get3A_566, %get3A_567] {strides = array<i32>} : memref<256x64xf32, #tpu.memory_space<vmem>>, vector<1x16xf32>,
        %get3A_569 = vector.shape_cast %get3A_568 : vector<1x16xf32> to vector<16xf32>
        %mul3A_570 = arith.constant 8.000000e+00 : f32
        %mul3A_571 = vector.broadcast %mul3A_570 : f32 to vector<16xf32>
        %mul3A_572 = arith.mulf %get3A_569, %mul3A_571 : vector<16xf32>
        %add3A_573 = arith.constant 5 : i32
        %add3A_574 = arith.addi %mul3A_229, %add3A_573 : i32
        %swap3A_575 = arith.index_cast %add3A_574 : i32 to index
        %swap3A_576 = arith.constant 16 : index
        %swap3A_577 = tpu.vector_load %arg6[%swap3A_575, %swap3A_576] {strides = array<i32>} : memref<256x64xf32, #tpu.memory_space<vmem>>, vector<1x16xf32>,
        %swap3A_578 = vector.shape_cast %swap3A_577 : vector<1x16xf32> to vector<16xf32>
        %swap3A_579 = vector.shape_cast %mul3A_572 : vector<16xf32> to vector<1x16xf32>
        tpu.vector_store %arg6[%swap3A_575, %swap3A_576], %swap3A_579 {strides = array<i32>} : memref<256x64xf32, #tpu.memory_space<vmem>>, vector<1x16xf32>,
        %add3A_580 = arith.constant 5 : i32
        %add3A_581 = arith.addi %mul3A_229, %add3A_580 : i32
        %get3A_582 = arith.index_cast %add3A_581 : i32 to index
        %get3A_583 = arith.constant 32 : index
        %get3A_584 = tpu.vector_load %arg6[%get3A_582, %get3A_583] {strides = array<i32>} : memref<256x64xf32, #tpu.memory_space<vmem>>, vector<1x16xf32>,
        %get3A_585 = vector.shape_cast %get3A_584 : vector<1x16xf32> to vector<16xf32>
        %mul3A_586 = arith.constant 8.000000e+00 : f32
        %mul3A_587 = vector.broadcast %mul3A_586 : f32 to vector<16xf32>
        %mul3A_588 = arith.mulf %get3A_585, %mul3A_587 : vector<16xf32>
        %add3A_589 = arith.constant 5 : i32
        %add3A_590 = arith.addi %mul3A_229, %add3A_589 : i32
        %swap3A_591 = arith.index_cast %add3A_590 : i32 to index
        %swap3A_592 = arith.constant 32 : index
        %swap3A_593 = tpu.vector_load %arg6[%swap3A_591, %swap3A_592] {strides = array<i32>} : memref<256x64xf32, #tpu.memory_space<vmem>>, vector<1x16xf32>,
        %swap3A_594 = vector.shape_cast %swap3A_593 : vector<1x16xf32> to vector<16xf32>
        %swap3A_595 = vector.shape_cast %mul3A_588 : vector<16xf32> to vector<1x16xf32>
        tpu.vector_store %arg6[%swap3A_591, %swap3A_592], %swap3A_595 {strides = array<i32>} : memref<256x64xf32, #tpu.memory_space<vmem>>, vector<1x16xf32>,
        %add3A_596 = arith.constant 5 : i32
        %add3A_597 = arith.addi %mul3A_229, %add3A_596 : i32
        %get3A_598 = arith.index_cast %add3A_597 : i32 to index
        %get3A_599 = arith.constant 48 : index
        %get3A_600 = tpu.vector_load %arg6[%get3A_598, %get3A_599] {strides = array<i32>} : memref<256x64xf32, #tpu.memory_space<vmem>>, vector<1x16xf32>,
        %get3A_601 = vector.shape_cast %get3A_600 : vector<1x16xf32> to vector<16xf32>
        %mul3A_602 = arith.constant 8.000000e+00 : f32
        %mul3A_603 = vector.broadcast %mul3A_602 : f32 to vector<16xf32>
        %mul3A_604 = arith.mulf %get3A_601, %mul3A_603 : vector<16xf32>
        %add3A_605 = arith.constant 5 : i32
        %add3A_606 = arith.addi %mul3A_229, %add3A_605 : i32
        %swap3A_607 = arith.index_cast %add3A_606 : i32 to index
        %swap3A_608 = arith.constant 48 : index
        %swap3A_609 = tpu.vector_load %arg6[%swap3A_607, %swap3A_608] {strides = array<i32>} : memref<256x64xf32, #tpu.memory_space<vmem>>, vector<1x16xf32>,
        %swap3A_610 = vector.shape_cast %swap3A_609 : vector<1x16xf32> to vector<16xf32>
        %swap3A_611 = vector.shape_cast %mul3A_604 : vector<16xf32> to vector<1x16xf32>
        tpu.vector_store %arg6[%swap3A_607, %swap3A_608], %swap3A_611 {strides = array<i32>} : memref<256x64xf32, #tpu.memory_space<vmem>>, vector<1x16xf32>,
        %add3A_612 = arith.constant 6 : i32
        %add3A_613 = arith.addi %mul3A_229, %add3A_612 : i32
        %get3A_614 = arith.index_cast %add3A_613 : i32 to index
        %get3A_615 = arith.constant 0 : index
        %get3A_616 = tpu.vector_load %arg6[%get3A_614, %get3A_615] {strides = array<i32>} : memref<256x64xf32, #tpu.memory_space<vmem>>, vector<1x16xf32>,
        %get3A_617 = vector.shape_cast %get3A_616 : vector<1x16xf32> to vector<16xf32>
        %mul3A_618 = arith.constant 8.000000e+00 : f32
        %mul3A_619 = vector.broadcast %mul3A_618 : f32 to vector<16xf32>
        %mul3A_620 = arith.mulf %get3A_617, %mul3A_619 : vector<16xf32>
        %add3A_621 = arith.constant 6 : i32
        %add3A_622 = arith.addi %mul3A_229, %add3A_621 : i32
        %swap3A_623 = arith.index_cast %add3A_622 : i32 to index
        %swap3A_624 = arith.constant 0 : index
        %swap3A_625 = tpu.vector_load %arg6[%swap3A_623, %swap3A_624] {strides = array<i32>} : memref<256x64xf32, #tpu.memory_space<vmem>>, vector<1x16xf32>,
        %swap3A_626 = vector.shape_cast %swap3A_625 : vector<1x16xf32> to vector<16xf32>
        %swap3A_627 = vector.shape_cast %mul3A_620 : vector<16xf32> to vector<1x16xf32>
        tpu.vector_store %arg6[%swap3A_623, %swap3A_624], %swap3A_627 {strides = array<i32>} : memref<256x64xf32, #tpu.memory_space<vmem>>, vector<1x16xf32>,
        %add3A_628 = arith.constant 6 : i32
        %add3A_629 = arith.addi %mul3A_229, %add3A_628 : i32
        %get3A_630 = arith.index_cast %add3A_629 : i32 to index
        %get3A_631 = arith.constant 16 : index
        %get3A_632 = tpu.vector_load %arg6[%get3A_630, %get3A_631] {strides = array<i32>} : memref<256x64xf32, #tpu.memory_space<vmem>>, vector<1x16xf32>,
        %get3A_633 = vector.shape_cast %get3A_632 : vector<1x16xf32> to vector<16xf32>
        %mul3A_634 = arith.constant 8.000000e+00 : f32
        %mul3A_635 = vector.broadcast %mul3A_634 : f32 to vector<16xf32>
        %mul3A_636 = arith.mulf %get3A_633, %mul3A_635 : vector<16xf32>
        %add3A_637 = arith.constant 6 : i32
        %add3A_638 = arith.addi %mul3A_229, %add3A_637 : i32
        %swap3A_639 = arith.index_cast %add3A_638 : i32 to index
        %swap3A_640 = arith.constant 16 : index
        %swap3A_641 = tpu.vector_load %arg6[%swap3A_639, %swap3A_640] {strides = array<i32>} : memref<256x64xf32, #tpu.memory_space<vmem>>, vector<1x16xf32>,
        %swap3A_642 = vector.shape_cast %swap3A_641 : vector<1x16xf32> to vector<16xf32>
        %swap3A_643 = vector.shape_cast %mul3A_636 : vector<16xf32> to vector<1x16xf32>
        tpu.vector_store %arg6[%swap3A_639, %swap3A_640], %swap3A_643 {strides = array<i32>} : memref<256x64xf32, #tpu.memory_space<vmem>>, vector<1x16xf32>,
        %add3A_644 = arith.constant 6 : i32
        %add3A_645 = arith.addi %mul3A_229, %add3A_644 : i32
        %get3A_646 = arith.index_cast %add3A_645 : i32 to index
        %get3A_647 = arith.constant 32 : index
        %get3A_648 = tpu.vector_load %arg6[%get3A_646, %get3A_647] {strides = array<i32>} : memref<256x64xf32, #tpu.memory_space<vmem>>, vector<1x16xf32>,
        %get3A_649 = vector.shape_cast %get3A_648 : vector<1x16xf32> to vector<16xf32>
        %mul3A_650 = arith.constant 8.000000e+00 : f32
        %mul3A_651 = vector.broadcast %mul3A_650 : f32 to vector<16xf32>
        %mul3A_652 = arith.mulf %get3A_649, %mul3A_651 : vector<16xf32>
        %add3A_653 = arith.constant 6 : i32
        %add3A_654 = arith.addi %mul3A_229, %add3A_653 : i32
        %swap3A_655 = arith.index_cast %add3A_654 : i32 to index
        %swap3A_656 = arith.constant 32 : index
        %swap3A_657 = tpu.vector_load %arg6[%swap3A_655, %swap3A_656] {strides = array<i32>} : memref<256x64xf32, #tpu.memory_space<vmem>>, vector<1x16xf32>,
        %swap3A_658 = vector.shape_cast %swap3A_657 : vector<1x16xf32> to vector<16xf32>
        %swap3A_659 = vector.shape_cast %mul3A_652 : vector<16xf32> to vector<1x16xf32>
        tpu.vector_store %arg6[%swap3A_655, %swap3A_656], %swap3A_659 {strides = array<i32>} : memref<256x64xf32, #tpu.memory_space<vmem>>, vector<1x16xf32>,
        %add3A_660 = arith.constant 6 : i32
        %add3A_661 = arith.addi %mul3A_229, %add3A_660 : i32
        %get3A_662 = arith.index_cast %add3A_661 : i32 to index
        %get3A_663 = arith.constant 48 : index
        %get3A_664 = tpu.vector_load %arg6[%get3A_662, %get3A_663] {strides = array<i32>} : memref<256x64xf32, #tpu.memory_space<vmem>>, vector<1x16xf32>,
        %get3A_665 = vector.shape_cast %get3A_664 : vector<1x16xf32> to vector<16xf32>
        %mul3A_666 = arith.constant 8.000000e+00 : f32
        %mul3A_667 = vector.broadcast %mul3A_666 : f32 to vector<16xf32>
        %mul3A_668 = arith.mulf %get3A_665, %mul3A_667 : vector<16xf32>
        %add3A_669 = arith.constant 6 : i32
        %add3A_670 = arith.addi %mul3A_229, %add3A_669 : i32
        %swap3A_671 = arith.index_cast %add3A_670 : i32 to index
        %swap3A_672 = arith.constant 48 : index
        %swap3A_673 = tpu.vector_load %arg6[%swap3A_671, %swap3A_672] {strides = array<i32>} : memref<256x64xf32, #tpu.memory_space<vmem>>, vector<1x16xf32>,
        %swap3A_674 = vector.shape_cast %swap3A_673 : vector<1x16xf32> to vector<16xf32>
        %swap3A_675 = vector.shape_cast %mul3A_668 : vector<16xf32> to vector<1x16xf32>
        tpu.vector_store %arg6[%swap3A_671, %swap3A_672], %swap3A_675 {strides = array<i32>} : memref<256x64xf32, #tpu.memory_space<vmem>>, vector<1x16xf32>,
        %add3A_676 = arith.constant 7 : i32
        %add3A_677 = arith.addi %mul3A_229, %add3A_676 : i32
        %get3A_678 = arith.index_cast %add3A_677 : i32 to index
        %get3A_679 = arith.constant 0 : index
        %get3A_680 = tpu.vector_load %arg6[%get3A_678, %get3A_679] {strides = array<i32>} : memref<256x64xf32, #tpu.memory_space<vmem>>, vector<1x16xf32>,
        %get3A_681 = vector.shape_cast %get3A_680 : vector<1x16xf32> to vector<16xf32>
        %mul3A_682 = arith.constant 8.000000e+00 : f32
        %mul3A_683 = vector.broadcast %mul3A_682 : f32 to vector<16xf32>
        %mul3A_684 = arith.mulf %get3A_681, %mul3A_683 : vector<16xf32>
        %add3A_685 = arith.constant 7 : i32
        %add3A_686 = arith.addi %mul3A_229, %add3A_685 : i32
        %swap3A_687 = arith.index_cast %add3A_686 : i32 to index
        %swap3A_688 = arith.constant 0 : index
        %swap3A_689 = tpu.vector_load %arg6[%swap3A_687, %swap3A_688] {strides = array<i32>} : memref<256x64xf32, #tpu.memory_space<vmem>>, vector<1x16xf32>,
        %swap3A_690 = vector.shape_cast %swap3A_689 : vector<1x16xf32> to vector<16xf32>
        %swap3A_691 = vector.shape_cast %mul3A_684 : vector<16xf32> to vector<1x16xf32>
        tpu.vector_store %arg6[%swap3A_687, %swap3A_688], %swap3A_691 {strides = array<i32>} : memref<256x64xf32, #tpu.memory_space<vmem>>, vector<1x16xf32>,
        %add3A_692 = arith.constant 7 : i32
        %add3A_693 = arith.addi %mul3A_229, %add3A_692 : i32
        %get3A_694 = arith.index_cast %add3A_693 : i32 to index
        %get3A_695 = arith.constant 16 : index
        %get3A_696 = tpu.vector_load %arg6[%get3A_694, %get3A_695] {strides = array<i32>} : memref<256x64xf32, #tpu.memory_space<vmem>>, vector<1x16xf32>,
        %get3A_697 = vector.shape_cast %get3A_696 : vector<1x16xf32> to vector<16xf32>
        %mul3A_698 = arith.constant 8.000000e+00 : f32
        %mul3A_699 = vector.broadcast %mul3A_698 : f32 to vector<16xf32>
        %mul3A_700 = arith.mulf %get3A_697, %mul3A_699 : vector<16xf32>
        %add3A_701 = arith.constant 7 : i32
        %add3A_702 = arith.addi %mul3A_229, %add3A_701 : i32
        %swap3A_703 = arith.index_cast %add3A_702 : i32 to index
        %swap3A_704 = arith.constant 16 : index
        %swap3A_705 = tpu.vector_load %arg6[%swap3A_703, %swap3A_704] {strides = array<i32>} : memref<256x64xf32, #tpu.memory_space<vmem>>, vector<1x16xf32>,
        %swap3A_706 = vector.shape_cast %swap3A_705 : vector<1x16xf32> to vector<16xf32>
        %swap3A_707 = vector.shape_cast %mul3A_700 : vector<16xf32> to vector<1x16xf32>
        tpu.vector_store %arg6[%swap3A_703, %swap3A_704], %swap3A_707 {strides = array<i32>} : memref<256x64xf32, #tpu.memory_space<vmem>>, vector<1x16xf32>,
        %add3A_708 = arith.constant 7 : i32
        %add3A_709 = arith.addi %mul3A_229, %add3A_708 : i32
        %get3A_710 = arith.index_cast %add3A_709 : i32 to index
        %get3A_711 = arith.constant 32 : index
        %get3A_712 = tpu.vector_load %arg6[%get3A_710, %get3A_711] {strides = array<i32>} : memref<256x64xf32, #tpu.memory_space<vmem>>, vector<1x16xf32>,
        %get3A_713 = vector.shape_cast %get3A_712 : vector<1x16xf32> to vector<16xf32>
        %mul3A_714 = arith.constant 8.000000e+00 : f32
        %mul3A_715 = vector.broadcast %mul3A_714 : f32 to vector<16xf32>
        %mul3A_716 = arith.mulf %get3A_713, %mul3A_715 : vector<16xf32>
        %add3A_717 = arith.constant 7 : i32
        %add3A_718 = arith.addi %mul3A_229, %add3A_717 : i32
        %swap3A_719 = arith.index_cast %add3A_718 : i32 to index
        %swap3A_720 = arith.constant 32 : index
        %swap3A_721 = tpu.vector_load %arg6[%swap3A_719, %swap3A_720] {strides = array<i32>} : memref<256x64xf32, #tpu.memory_space<vmem>>, vector<1x16xf32>,
        %swap3A_722 = vector.shape_cast %swap3A_721 : vector<1x16xf32> to vector<16xf32>
        %swap3A_723 = vector.shape_cast %mul3A_716 : vector<16xf32> to vector<1x16xf32>
        tpu.vector_store %arg6[%swap3A_719, %swap3A_720], %swap3A_723 {strides = array<i32>} : memref<256x64xf32, #tpu.memory_space<vmem>>, vector<1x16xf32>,
        %add3A_724 = arith.constant 7 : i32
        %add3A_725 = arith.addi %mul3A_229, %add3A_724 : i32
        %get3A_726 = arith.index_cast %add3A_725 : i32 to index
        %get3A_727 = arith.constant 48 : index
        %get3A_728 = tpu.vector_load %arg6[%get3A_726, %get3A_727] {strides = array<i32>} : memref<256x64xf32, #tpu.memory_space<vmem>>, vector<1x16xf32>,
        %get3A_729 = vector.shape_cast %get3A_728 : vector<1x16xf32> to vector<16xf32>
        %mul3A_730 = arith.constant 8.000000e+00 : f32
        %mul3A_731 = vector.broadcast %mul3A_730 : f32 to vector<16xf32>
        %mul3A_732 = arith.mulf %get3A_729, %mul3A_731 : vector<16xf32>
        %add3A_733 = arith.constant 7 : i32
        %add3A_734 = arith.addi %mul3A_229, %add3A_733 : i32
        %swap3A_735 = arith.index_cast %add3A_734 : i32 to index
        %swap3A_736 = arith.constant 48 : index
        %swap3A_737 = tpu.vector_load %arg6[%swap3A_735, %swap3A_736] {strides = array<i32>} : memref<256x64xf32, #tpu.memory_space<vmem>>, vector<1x16xf32>,
        %swap3A_738 = vector.shape_cast %swap3A_737 : vector<1x16xf32> to vector<16xf32>
        %swap3A_739 = vector.shape_cast %mul3A_732 : vector<16xf32> to vector<1x16xf32>
        tpu.vector_store %arg6[%swap3A_735, %swap3A_736], %swap3A_739 {strides = array<i32>} : memref<256x64xf32, #tpu.memory_space<vmem>>, vector<1x16xf32>,
      }
      %scan3A_111 = arith.constant 32 : i32
      %mul3A_112 = arith.constant 25600 : i32
      %mul3A_113 = arith.muli %add3A, %mul3A_112 : i32
      %mul3A_114 = arith.constant 256 : i32
      %mul3A_115 = arith.muli %add3A_94, %mul3A_114 : i32
      %add3A_116 = arith.addi %mul3A_113, %mul3A_115 : i32
      %multiple_of3A_117 = tpu.assume_multiple %add3A_116, 256 : i32
      %dma_start3A_118 = arith.constant 0 : i32
      %dma_start3A_119 = tpu.memref_slice %arg4[%multiple_of3A_117, %dma_start3A_118] : memref<819200x64xf32, #tpu.memory_space<hbm>> -> memref<256x64xf32, #tpu.memory_space<hbm>>
      %dma_start3A_120 = arith.constant 0 : i32
      %dma_start3A_121 = tpu.memref_slice %arg4[%multiple_of3A_117, %dma_start3A_120] : memref<819200x64xf32, #tpu.memory_space<hbm>> -> memref<256x64xf32, #tpu.memory_space<hbm>>
      tpu.enqueue_dma source(%arg6 : memref<256x64xf32, #tpu.memory_space<vmem>>) target(%dma_start3A_121 : memref<256x64xf32, #tpu.memory_space<hbm>>) target_semaphore(%arg14 : memref<!tpu.dma_semaphore, #tpu.memory_space<semaphore_mem>>)
      %mul3A_122 = arith.constant 4 : i32
      %mul3A_123 = arith.muli %scan3A_90, %mul3A_122 : i32
      %add3A_124 = arith.constant 1 : i32
      %add3A_125 = arith.addi %mul3A_123, %add3A_124 : i32
      %add3A_126 = arith.constant 4 : i32
      %add3A_127 = arith.addi %add3A_125, %add3A_126 : i32
      %sub3A_128 = arith.constant 1 : i32
      %sub3A_129 = arith.subi %add3A_127, %sub3A_128 : i32
      %lt3A_130 = arith.constant 100 : i32
      %lt3A_131 = arith.cmpi slt, %sub3A_129, %lt3A_130 : i32
      %convert_element_type3A_132 = arith.extui %lt3A_131 : i1 to i32
      %cond3A_133 = arith.constant 0 : i32
      %cond3A_134 = arith.cmpi ne, %convert_element_type3A_132, %cond3A_133 : i32
      scf.if %cond3A_134 {
        %dma_wait3A_227 = arith.constant 0 : i32
        %dma_wait3A_228 = arith.constant 0 : i32
        %dma_wait3A_229 = tpu.memref_slice %arg4[%dma_wait3A_227, %dma_wait3A_228] : memref<819200x64xf32, #tpu.memory_space<hbm>> -> memref<256x64xf32, #tpu.memory_space<hbm>>
        %dma_wait3A_230 = arith.constant 0 : i32
        %dma_wait3A_231 = arith.constant 0 : i32
        %dma_wait3A_232 = tpu.memref_slice %arg4[%dma_wait3A_230, %dma_wait3A_231] : memref<819200x64xf32, #tpu.memory_space<hbm>> -> memref<256x64xf32, #tpu.memory_space<hbm>>
        tpu.wait_dma2 semaphore(%arg14 : memref<!tpu.dma_semaphore, #tpu.memory_space<semaphore_mem>>) src(%arg6 : memref<256x64xf32, #tpu.memory_space<vmem>>) dst(%dma_wait3A_232 : memref<256x64xf32, #tpu.memory_space<hbm>>)
        %mul3A_233 = arith.constant 2 : i32
        %mul3A_234 = arith.muli %sub3A_129, %mul3A_233 : i32
        %add3A_235 = arith.constant 0 : i32
        %add3A_236 = arith.addi %mul3A_234, %add3A_235 : i32
        %dma_start3A_237 = arith.constant 0 : i32
        %dma_start3A_238 = arith.constant 0 : i32
        %dma_start3A_239 = tpu.memref_slice %arg6[%dma_start3A_237, %dma_start3A_238] : memref<256x64xf32, #tpu.memory_space<vmem>> -> memref<128x64xf32, #tpu.memory_space<vmem>>
        %dma_start3A_240 = arith.constant 0 : i32
        %dma_start3A_241 = tpu.memref_slice %arg5[%add3A_236, %dma_start3A_240] : memref<200x128xi32, #tpu.memory_space<vmem>> -> memref<1x128xi32, #tpu.memory_space<vmem>>
        %dma_start3A_242 = tpu.memref_squeeze %dma_start3A_241 : memref<1x128xi32, #tpu.memory_space<vmem>> -> memref<128xi32, #tpu.memory_space<vmem>>
        %dma_start3A_243 = arith.constant 0 : i32
        %dma_start3A_244 = arith.constant 0 : i32
        %dma_start3A_245 = tpu.memref_slice %arg3[%dma_start3A_243, %dma_start3A_244] : memref<1000000x64xf32, #tpu.memory_space<hbm>> -> memref<1000000x64xf32, #tpu.memory_space<hbm>>
        tpu.enqueue_indirect_dma source(%dma_start3A_245 : memref<1000000x64xf32, #tpu.memory_space<hbm>>) target(%dma_start3A_239 : memref<128x64xf32, #tpu.memory_space<vmem>>) offsets(%dma_start3A_242 : memref<128xi32, #tpu.memory_space<vmem>>) semaphore(%arg10 : memref<!tpu.dma_semaphore, #tpu.memory_space<semaphore_mem>>)
        %mul3A_246 = arith.constant 2 : i32
        %mul3A_247 = arith.muli %sub3A_129, %mul3A_246 : i32
        %add3A_248 = arith.constant 1 : i32
        %add3A_249 = arith.addi %mul3A_247, %add3A_248 : i32
        %dma_start3A_250 = arith.constant 128 : i32
        %dma_start3A_251 = arith.constant 0 : i32
        %dma_start3A_252 = tpu.memref_slice %arg6[%dma_start3A_250, %dma_start3A_251] : memref<256x64xf32, #tpu.memory_space<vmem>> -> memref<128x64xf32, #tpu.memory_space<vmem>>
        %dma_start3A_253 = arith.constant 0 : i32
        %dma_start3A_254 = tpu.memref_slice %arg5[%add3A_249, %dma_start3A_253] : memref<200x128xi32, #tpu.memory_space<vmem>> -> memref<1x128xi32, #tpu.memory_space<vmem>>
        %dma_start3A_255 = tpu.memref_squeeze %dma_start3A_254 : memref<1x128xi32, #tpu.memory_space<vmem>> -> memref<128xi32, #tpu.memory_space<vmem>>
        %dma_start3A_256 = arith.constant 0 : i32
        %dma_start3A_257 = arith.constant 0 : i32
        %dma_start3A_258 = tpu.memref_slice %arg3[%dma_start3A_256, %dma_start3A_257] : memref<1000000x64xf32, #tpu.memory_space<hbm>> -> memref<1000000x64xf32, #tpu.memory_space<hbm>>
        tpu.enqueue_indirect_dma source(%dma_start3A_258 : memref<1000000x64xf32, #tpu.memory_space<hbm>>) target(%dma_start3A_252 : memref<128x64xf32, #tpu.memory_space<vmem>>) offsets(%dma_start3A_255 : memref<128xi32, #tpu.memory_space<vmem>>) semaphore(%arg10 : memref<!tpu.dma_semaphore, #tpu.memory_space<semaphore_mem>>)
      } else {
      }
      %dma_wait3A_135 = arith.constant 0 : i32
      %dma_wait3A_136 = arith.constant 0 : i32
      %dma_wait3A_137 = tpu.memref_slice %arg4[%dma_wait3A_135, %dma_wait3A_136] : memref<819200x64xf32, #tpu.memory_space<hbm>> -> memref<256x64xf32, #tpu.memory_space<hbm>>
      %dma_wait3A_138 = arith.constant 0 : i32
      %dma_wait3A_139 = arith.constant 0 : i32
      %dma_wait3A_140 = tpu.memref_slice %arg4[%dma_wait3A_138, %dma_wait3A_139] : memref<819200x64xf32, #tpu.memory_space<hbm>> -> memref<256x64xf32, #tpu.memory_space<hbm>>
      tpu.wait_dma2 semaphore(%arg11 : memref<!tpu.dma_semaphore, #tpu.memory_space<semaphore_mem>>) src(%dma_wait3A_140 : memref<256x64xf32, #tpu.memory_space<hbm>>) dst(%arg7 : memref<256x64xf32, #tpu.memory_space<vmem>>)
      %scan3A_141 = arith.constant 0 : i32
      %scan3A_142 = arith.constant 0 : i32
      %scan3A_143 = arith.constant 32 : i32
      %scan3A_144 = arith.addi %scan3A_142, %scan3A_143 : i32
      %scan3A_145 = arith.constant 1 : i32
      scf.for %scan3A_227 = %scan3A_142 to %scan3A_144 step %scan3A_145  : i32 {
        %mul3A_228 = arith.constant 8 : i32
        %mul3A_229 = arith.muli %scan3A_227, %mul3A_228 : i32
        %add3A_230 = arith.constant 0 : i32
        %add3A_231 = arith.addi %mul3A_229, %add3A_230 : i32
        %get3A = arith.index_cast %add3A_231 : i32 to index
        %get3A_232 = arith.constant 0 : index
        %get3A_233 = tpu.vector_load %arg7[%get3A, %get3A_232] {strides = array<i32>} : memref<256x64xf32, #tpu.memory_space<vmem>>, vector<1x16xf32>,
        %get3A_234 = vector.shape_cast %get3A_233 : vector<1x16xf32> to vector<16xf32>
        %mul3A_235 = arith.constant 8.000000e+00 : f32
        %mul3A_236 = vector.broadcast %mul3A_235 : f32 to vector<16xf32>
        %mul3A_237 = arith.mulf %get3A_234, %mul3A_236 : vector<16xf32>
        %add3A_238 = arith.constant 0 : i32
        %add3A_239 = arith.addi %mul3A_229, %add3A_238 : i32
        %swap3A = arith.index_cast %add3A_239 : i32 to index
        %swap3A_240 = arith.constant 0 : index
        %swap3A_241 = tpu.vector_load %arg7[%swap3A, %swap3A_240] {strides = array<i32>} : memref<256x64xf32, #tpu.memory_space<vmem>>, vector<1x16xf32>,
        %swap3A_242 = vector.shape_cast %swap3A_241 : vector<1x16xf32> to vector<16xf32>
        %swap3A_243 = vector.shape_cast %mul3A_237 : vector<16xf32> to vector<1x16xf32>
        tpu.vector_store %arg7[%swap3A, %swap3A_240], %swap3A_243 {strides = array<i32>} : memref<256x64xf32, #tpu.memory_space<vmem>>, vector<1x16xf32>,
        %add3A_244 = arith.constant 0 : i32
        %add3A_245 = arith.addi %mul3A_229, %add3A_244 : i32
        %get3A_246 = arith.index_cast %add3A_245 : i32 to index
        %get3A_247 = arith.constant 16 : index
        %get3A_248 = tpu.vector_load %arg7[%get3A_246, %get3A_247] {strides = array<i32>} : memref<256x64xf32, #tpu.memory_space<vmem>>, vector<1x16xf32>,
        %get3A_249 = vector.shape_cast %get3A_248 : vector<1x16xf32> to vector<16xf32>
        %mul3A_250 = arith.constant 8.000000e+00 : f32
        %mul3A_251 = vector.broadcast %mul3A_250 : f32 to vector<16xf32>
        %mul3A_252 = arith.mulf %get3A_249, %mul3A_251 : vector<16xf32>
        %add3A_253 = arith.constant 0 : i32
        %add3A_254 = arith.addi %mul3A_229, %add3A_253 : i32
        %swap3A_255 = arith.index_cast %add3A_254 : i32 to index
        %swap3A_256 = arith.constant 16 : index
        %swap3A_257 = tpu.vector_load %arg7[%swap3A_255, %swap3A_256] {strides = array<i32>} : memref<256x64xf32, #tpu.memory_space<vmem>>, vector<1x16xf32>,
        %swap3A_258 = vector.shape_cast %swap3A_257 : vector<1x16xf32> to vector<16xf32>
        %swap3A_259 = vector.shape_cast %mul3A_252 : vector<16xf32> to vector<1x16xf32>
        tpu.vector_store %arg7[%swap3A_255, %swap3A_256], %swap3A_259 {strides = array<i32>} : memref<256x64xf32, #tpu.memory_space<vmem>>, vector<1x16xf32>,
        %add3A_260 = arith.constant 0 : i32
        %add3A_261 = arith.addi %mul3A_229, %add3A_260 : i32
        %get3A_262 = arith.index_cast %add3A_261 : i32 to index
        %get3A_263 = arith.constant 32 : index
        %get3A_264 = tpu.vector_load %arg7[%get3A_262, %get3A_263] {strides = array<i32>} : memref<256x64xf32, #tpu.memory_space<vmem>>, vector<1x16xf32>,
        %get3A_265 = vector.shape_cast %get3A_264 : vector<1x16xf32> to vector<16xf32>
        %mul3A_266 = arith.constant 8.000000e+00 : f32
        %mul3A_267 = vector.broadcast %mul3A_266 : f32 to vector<16xf32>
        %mul3A_268 = arith.mulf %get3A_265, %mul3A_267 : vector<16xf32>
        %add3A_269 = arith.constant 0 : i32
        %add3A_270 = arith.addi %mul3A_229, %add3A_269 : i32
        %swap3A_271 = arith.index_cast %add3A_270 : i32 to index
        %swap3A_272 = arith.constant 32 : index
        %swap3A_273 = tpu.vector_load %arg7[%swap3A_271, %swap3A_272] {strides = array<i32>} : memref<256x64xf32, #tpu.memory_space<vmem>>, vector<1x16xf32>,
        %swap3A_274 = vector.shape_cast %swap3A_273 : vector<1x16xf32> to vector<16xf32>
        %swap3A_275 = vector.shape_cast %mul3A_268 : vector<16xf32> to vector<1x16xf32>
        tpu.vector_store %arg7[%swap3A_271, %swap3A_272], %swap3A_275 {strides = array<i32>} : memref<256x64xf32, #tpu.memory_space<vmem>>, vector<1x16xf32>,
        %add3A_276 = arith.constant 0 : i32
        %add3A_277 = arith.addi %mul3A_229, %add3A_276 : i32
        %get3A_278 = arith.index_cast %add3A_277 : i32 to index
        %get3A_279 = arith.constant 48 : index
        %get3A_280 = tpu.vector_load %arg7[%get3A_278, %get3A_279] {strides = array<i32>} : memref<256x64xf32, #tpu.memory_space<vmem>>, vector<1x16xf32>,
        %get3A_281 = vector.shape_cast %get3A_280 : vector<1x16xf32> to vector<16xf32>
        %mul3A_282 = arith.constant 8.000000e+00 : f32
        %mul3A_283 = vector.broadcast %mul3A_282 : f32 to vector<16xf32>
        %mul3A_284 = arith.mulf %get3A_281, %mul3A_283 : vector<16xf32>
        %add3A_285 = arith.constant 0 : i32
        %add3A_286 = arith.addi %mul3A_229, %add3A_285 : i32
        %swap3A_287 = arith.index_cast %add3A_286 : i32 to index
        %swap3A_288 = arith.constant 48 : index
        %swap3A_289 = tpu.vector_load %arg7[%swap3A_287, %swap3A_288] {strides = array<i32>} : memref<256x64xf32, #tpu.memory_space<vmem>>, vector<1x16xf32>,
        %swap3A_290 = vector.shape_cast %swap3A_289 : vector<1x16xf32> to vector<16xf32>
        %swap3A_291 = vector.shape_cast %mul3A_284 : vector<16xf32> to vector<1x16xf32>
        tpu.vector_store %arg7[%swap3A_287, %swap3A_288], %swap3A_291 {strides = array<i32>} : memref<256x64xf32, #tpu.memory_space<vmem>>, vector<1x16xf32>,
        %add3A_292 = arith.constant 1 : i32
        %add3A_293 = arith.addi %mul3A_229, %add3A_292 : i32
        %get3A_294 = arith.index_cast %add3A_293 : i32 to index
        %get3A_295 = arith.constant 0 : index
        %get3A_296 = tpu.vector_load %arg7[%get3A_294, %get3A_295] {strides = array<i32>} : memref<256x64xf32, #tpu.memory_space<vmem>>, vector<1x16xf32>,
        %get3A_297 = vector.shape_cast %get3A_296 : vector<1x16xf32> to vector<16xf32>
        %mul3A_298 = arith.constant 8.000000e+00 : f32
        %mul3A_299 = vector.broadcast %mul3A_298 : f32 to vector<16xf32>
        %mul3A_300 = arith.mulf %get3A_297, %mul3A_299 : vector<16xf32>
        %add3A_301 = arith.constant 1 : i32
        %add3A_302 = arith.addi %mul3A_229, %add3A_301 : i32
        %swap3A_303 = arith.index_cast %add3A_302 : i32 to index
        %swap3A_304 = arith.constant 0 : index
        %swap3A_305 = tpu.vector_load %arg7[%swap3A_303, %swap3A_304] {strides = array<i32>} : memref<256x64xf32, #tpu.memory_space<vmem>>, vector<1x16xf32>,
        %swap3A_306 = vector.shape_cast %swap3A_305 : vector<1x16xf32> to vector<16xf32>
        %swap3A_307 = vector.shape_cast %mul3A_300 : vector<16xf32> to vector<1x16xf32>
        tpu.vector_store %arg7[%swap3A_303, %swap3A_304], %swap3A_307 {strides = array<i32>} : memref<256x64xf32, #tpu.memory_space<vmem>>, vector<1x16xf32>,
        %add3A_308 = arith.constant 1 : i32
        %add3A_309 = arith.addi %mul3A_229, %add3A_308 : i32
        %get3A_310 = arith.index_cast %add3A_309 : i32 to index
        %get3A_311 = arith.constant 16 : index
        %get3A_312 = tpu.vector_load %arg7[%get3A_310, %get3A_311] {strides = array<i32>} : memref<256x64xf32, #tpu.memory_space<vmem>>, vector<1x16xf32>,
        %get3A_313 = vector.shape_cast %get3A_312 : vector<1x16xf32> to vector<16xf32>
        %mul3A_314 = arith.constant 8.000000e+00 : f32
        %mul3A_315 = vector.broadcast %mul3A_314 : f32 to vector<16xf32>
        %mul3A_316 = arith.mulf %get3A_313, %mul3A_315 : vector<16xf32>
        %add3A_317 = arith.constant 1 : i32
        %add3A_318 = arith.addi %mul3A_229, %add3A_317 : i32
        %swap3A_319 = arith.index_cast %add3A_318 : i32 to index
        %swap3A_320 = arith.constant 16 : index
        %swap3A_321 = tpu.vector_load %arg7[%swap3A_319, %swap3A_320] {strides = array<i32>} : memref<256x64xf32, #tpu.memory_space<vmem>>, vector<1x16xf32>,
        %swap3A_322 = vector.shape_cast %swap3A_321 : vector<1x16xf32> to vector<16xf32>
        %swap3A_323 = vector.shape_cast %mul3A_316 : vector<16xf32> to vector<1x16xf32>
        tpu.vector_store %arg7[%swap3A_319, %swap3A_320], %swap3A_323 {strides = array<i32>} : memref<256x64xf32, #tpu.memory_space<vmem>>, vector<1x16xf32>,
        %add3A_324 = arith.constant 1 : i32
        %add3A_325 = arith.addi %mul3A_229, %add3A_324 : i32
        %get3A_326 = arith.index_cast %add3A_325 : i32 to index
        %get3A_327 = arith.constant 32 : index
        %get3A_328 = tpu.vector_load %arg7[%get3A_326, %get3A_327] {strides = array<i32>} : memref<256x64xf32, #tpu.memory_space<vmem>>, vector<1x16xf32>,
        %get3A_329 = vector.shape_cast %get3A_328 : vector<1x16xf32> to vector<16xf32>
        %mul3A_330 = arith.constant 8.000000e+00 : f32
        %mul3A_331 = vector.broadcast %mul3A_330 : f32 to vector<16xf32>
        %mul3A_332 = arith.mulf %get3A_329, %mul3A_331 : vector<16xf32>
        %add3A_333 = arith.constant 1 : i32
        %add3A_334 = arith.addi %mul3A_229, %add3A_333 : i32
        %swap3A_335 = arith.index_cast %add3A_334 : i32 to index
        %swap3A_336 = arith.constant 32 : index
        %swap3A_337 = tpu.vector_load %arg7[%swap3A_335, %swap3A_336] {strides = array<i32>} : memref<256x64xf32, #tpu.memory_space<vmem>>, vector<1x16xf32>,
        %swap3A_338 = vector.shape_cast %swap3A_337 : vector<1x16xf32> to vector<16xf32>
        %swap3A_339 = vector.shape_cast %mul3A_332 : vector<16xf32> to vector<1x16xf32>
        tpu.vector_store %arg7[%swap3A_335, %swap3A_336], %swap3A_339 {strides = array<i32>} : memref<256x64xf32, #tpu.memory_space<vmem>>, vector<1x16xf32>,
        %add3A_340 = arith.constant 1 : i32
        %add3A_341 = arith.addi %mul3A_229, %add3A_340 : i32
        %get3A_342 = arith.index_cast %add3A_341 : i32 to index
        %get3A_343 = arith.constant 48 : index
        %get3A_344 = tpu.vector_load %arg7[%get3A_342, %get3A_343] {strides = array<i32>} : memref<256x64xf32, #tpu.memory_space<vmem>>, vector<1x16xf32>,
        %get3A_345 = vector.shape_cast %get3A_344 : vector<1x16xf32> to vector<16xf32>
        %mul3A_346 = arith.constant 8.000000e+00 : f32
        %mul3A_347 = vector.broadcast %mul3A_346 : f32 to vector<16xf32>
        %mul3A_348 = arith.mulf %get3A_345, %mul3A_347 : vector<16xf32>
        %add3A_349 = arith.constant 1 : i32
        %add3A_350 = arith.addi %mul3A_229, %add3A_349 : i32
        %swap3A_351 = arith.index_cast %add3A_350 : i32 to index
        %swap3A_352 = arith.constant 48 : index
        %swap3A_353 = tpu.vector_load %arg7[%swap3A_351, %swap3A_352] {strides = array<i32>} : memref<256x64xf32, #tpu.memory_space<vmem>>, vector<1x16xf32>,
        %swap3A_354 = vector.shape_cast %swap3A_353 : vector<1x16xf32> to vector<16xf32>
        %swap3A_355 = vector.shape_cast %mul3A_348 : vector<16xf32> to vector<1x16xf32>
        tpu.vector_store %arg7[%swap3A_351, %swap3A_352], %swap3A_355 {strides = array<i32>} : memref<256x64xf32, #tpu.memory_space<vmem>>, vector<1x16xf32>,
        %add3A_356 = arith.constant 2 : i32
        %add3A_357 = arith.addi %mul3A_229, %add3A_356 : i32
        %get3A_358 = arith.index_cast %add3A_357 : i32 to index
        %get3A_359 = arith.constant 0 : index
        %get3A_360 = tpu.vector_load %arg7[%get3A_358, %get3A_359] {strides = array<i32>} : memref<256x64xf32, #tpu.memory_space<vmem>>, vector<1x16xf32>,
        %get3A_361 = vector.shape_cast %get3A_360 : vector<1x16xf32> to vector<16xf32>
        %mul3A_362 = arith.constant 8.000000e+00 : f32
        %mul3A_363 = vector.broadcast %mul3A_362 : f32 to vector<16xf32>
        %mul3A_364 = arith.mulf %get3A_361, %mul3A_363 : vector<16xf32>
        %add3A_365 = arith.constant 2 : i32
        %add3A_366 = arith.addi %mul3A_229, %add3A_365 : i32
        %swap3A_367 = arith.index_cast %add3A_366 : i32 to index
        %swap3A_368 = arith.constant 0 : index
        %swap3A_369 = tpu.vector_load %arg7[%swap3A_367, %swap3A_368] {strides = array<i32>} : memref<256x64xf32, #tpu.memory_space<vmem>>, vector<1x16xf32>,
        %swap3A_370 = vector.shape_cast %swap3A_369 : vector<1x16xf32> to vector<16xf32>
        %swap3A_371 = vector.shape_cast %mul3A_364 : vector<16xf32> to vector<1x16xf32>
        tpu.vector_store %arg7[%swap3A_367, %swap3A_368], %swap3A_371 {strides = array<i32>} : memref<256x64xf32, #tpu.memory_space<vmem>>, vector<1x16xf32>,
        %add3A_372 = arith.constant 2 : i32
        %add3A_373 = arith.addi %mul3A_229, %add3A_372 : i32
        %get3A_374 = arith.index_cast %add3A_373 : i32 to index
        %get3A_375 = arith.constant 16 : index
        %get3A_376 = tpu.vector_load %arg7[%get3A_374, %get3A_375] {strides = array<i32>} : memref<256x64xf32, #tpu.memory_space<vmem>>, vector<1x16xf32>,
        %get3A_377 = vector.shape_cast %get3A_376 : vector<1x16xf32> to vector<16xf32>
        %mul3A_378 = arith.constant 8.000000e+00 : f32
        %mul3A_379 = vector.broadcast %mul3A_378 : f32 to vector<16xf32>
        %mul3A_380 = arith.mulf %get3A_377, %mul3A_379 : vector<16xf32>
        %add3A_381 = arith.constant 2 : i32
        %add3A_382 = arith.addi %mul3A_229, %add3A_381 : i32
        %swap3A_383 = arith.index_cast %add3A_382 : i32 to index
        %swap3A_384 = arith.constant 16 : index
        %swap3A_385 = tpu.vector_load %arg7[%swap3A_383, %swap3A_384] {strides = array<i32>} : memref<256x64xf32, #tpu.memory_space<vmem>>, vector<1x16xf32>,
        %swap3A_386 = vector.shape_cast %swap3A_385 : vector<1x16xf32> to vector<16xf32>
        %swap3A_387 = vector.shape_cast %mul3A_380 : vector<16xf32> to vector<1x16xf32>
        tpu.vector_store %arg7[%swap3A_383, %swap3A_384], %swap3A_387 {strides = array<i32>} : memref<256x64xf32, #tpu.memory_space<vmem>>, vector<1x16xf32>,
        %add3A_388 = arith.constant 2 : i32
        %add3A_389 = arith.addi %mul3A_229, %add3A_388 : i32
        %get3A_390 = arith.index_cast %add3A_389 : i32 to index
        %get3A_391 = arith.constant 32 : index
        %get3A_392 = tpu.vector_load %arg7[%get3A_390, %get3A_391] {strides = array<i32>} : memref<256x64xf32, #tpu.memory_space<vmem>>, vector<1x16xf32>,
        %get3A_393 = vector.shape_cast %get3A_392 : vector<1x16xf32> to vector<16xf32>
        %mul3A_394 = arith.constant 8.000000e+00 : f32
        %mul3A_395 = vector.broadcast %mul3A_394 : f32 to vector<16xf32>
        %mul3A_396 = arith.mulf %get3A_393, %mul3A_395 : vector<16xf32>
        %add3A_397 = arith.constant 2 : i32
        %add3A_398 = arith.addi %mul3A_229, %add3A_397 : i32
        %swap3A_399 = arith.index_cast %add3A_398 : i32 to index
        %swap3A_400 = arith.constant 32 : index
        %swap3A_401 = tpu.vector_load %arg7[%swap3A_399, %swap3A_400] {strides = array<i32>} : memref<256x64xf32, #tpu.memory_space<vmem>>, vector<1x16xf32>,
        %swap3A_402 = vector.shape_cast %swap3A_401 : vector<1x16xf32> to vector<16xf32>
        %swap3A_403 = vector.shape_cast %mul3A_396 : vector<16xf32> to vector<1x16xf32>
        tpu.vector_store %arg7[%swap3A_399, %swap3A_400], %swap3A_403 {strides = array<i32>} : memref<256x64xf32, #tpu.memory_space<vmem>>, vector<1x16xf32>,
        %add3A_404 = arith.constant 2 : i32
        %add3A_405 = arith.addi %mul3A_229, %add3A_404 : i32
        %get3A_406 = arith.index_cast %add3A_405 : i32 to index
        %get3A_407 = arith.constant 48 : index
        %get3A_408 = tpu.vector_load %arg7[%get3A_406, %get3A_407] {strides = array<i32>} : memref<256x64xf32, #tpu.memory_space<vmem>>, vector<1x16xf32>,
        %get3A_409 = vector.shape_cast %get3A_408 : vector<1x16xf32> to vector<16xf32>
        %mul3A_410 = arith.constant 8.000000e+00 : f32
        %mul3A_411 = vector.broadcast %mul3A_410 : f32 to vector<16xf32>
        %mul3A_412 = arith.mulf %get3A_409, %mul3A_411 : vector<16xf32>
        %add3A_413 = arith.constant 2 : i32
        %add3A_414 = arith.addi %mul3A_229, %add3A_413 : i32
        %swap3A_415 = arith.index_cast %add3A_414 : i32 to index
        %swap3A_416 = arith.constant 48 : index
        %swap3A_417 = tpu.vector_load %arg7[%swap3A_415, %swap3A_416] {strides = array<i32>} : memref<256x64xf32, #tpu.memory_space<vmem>>, vector<1x16xf32>,
        %swap3A_418 = vector.shape_cast %swap3A_417 : vector<1x16xf32> to vector<16xf32>
        %swap3A_419 = vector.shape_cast %mul3A_412 : vector<16xf32> to vector<1x16xf32>
        tpu.vector_store %arg7[%swap3A_415, %swap3A_416], %swap3A_419 {strides = array<i32>} : memref<256x64xf32, #tpu.memory_space<vmem>>, vector<1x16xf32>,
        %add3A_420 = arith.constant 3 : i32
        %add3A_421 = arith.addi %mul3A_229, %add3A_420 : i32
        %get3A_422 = arith.index_cast %add3A_421 : i32 to index
        %get3A_423 = arith.constant 0 : index
        %get3A_424 = tpu.vector_load %arg7[%get3A_422, %get3A_423] {strides = array<i32>} : memref<256x64xf32, #tpu.memory_space<vmem>>, vector<1x16xf32>,
        %get3A_425 = vector.shape_cast %get3A_424 : vector<1x16xf32> to vector<16xf32>
        %mul3A_426 = arith.constant 8.000000e+00 : f32
        %mul3A_427 = vector.broadcast %mul3A_426 : f32 to vector<16xf32>
        %mul3A_428 = arith.mulf %get3A_425, %mul3A_427 : vector<16xf32>
        %add3A_429 = arith.constant 3 : i32
        %add3A_430 = arith.addi %mul3A_229, %add3A_429 : i32
        %swap3A_431 = arith.index_cast %add3A_430 : i32 to index
        %swap3A_432 = arith.constant 0 : index
        %swap3A_433 = tpu.vector_load %arg7[%swap3A_431, %swap3A_432] {strides = array<i32>} : memref<256x64xf32, #tpu.memory_space<vmem>>, vector<1x16xf32>,
        %swap3A_434 = vector.shape_cast %swap3A_433 : vector<1x16xf32> to vector<16xf32>
        %swap3A_435 = vector.shape_cast %mul3A_428 : vector<16xf32> to vector<1x16xf32>
        tpu.vector_store %arg7[%swap3A_431, %swap3A_432], %swap3A_435 {strides = array<i32>} : memref<256x64xf32, #tpu.memory_space<vmem>>, vector<1x16xf32>,
        %add3A_436 = arith.constant 3 : i32
        %add3A_437 = arith.addi %mul3A_229, %add3A_436 : i32
        %get3A_438 = arith.index_cast %add3A_437 : i32 to index
        %get3A_439 = arith.constant 16 : index
        %get3A_440 = tpu.vector_load %arg7[%get3A_438, %get3A_439] {strides = array<i32>} : memref<256x64xf32, #tpu.memory_space<vmem>>, vector<1x16xf32>,
        %get3A_441 = vector.shape_cast %get3A_440 : vector<1x16xf32> to vector<16xf32>
        %mul3A_442 = arith.constant 8.000000e+00 : f32
        %mul3A_443 = vector.broadcast %mul3A_442 : f32 to vector<16xf32>
        %mul3A_444 = arith.mulf %get3A_441, %mul3A_443 : vector<16xf32>
        %add3A_445 = arith.constant 3 : i32
        %add3A_446 = arith.addi %mul3A_229, %add3A_445 : i32
        %swap3A_447 = arith.index_cast %add3A_446 : i32 to index
        %swap3A_448 = arith.constant 16 : index
        %swap3A_449 = tpu.vector_load %arg7[%swap3A_447, %swap3A_448] {strides = array<i32>} : memref<256x64xf32, #tpu.memory_space<vmem>>, vector<1x16xf32>,
        %swap3A_450 = vector.shape_cast %swap3A_449 : vector<1x16xf32> to vector<16xf32>
        %swap3A_451 = vector.shape_cast %mul3A_444 : vector<16xf32> to vector<1x16xf32>
        tpu.vector_store %arg7[%swap3A_447, %swap3A_448], %swap3A_451 {strides = array<i32>} : memref<256x64xf32, #tpu.memory_space<vmem>>, vector<1x16xf32>,
        %add3A_452 = arith.constant 3 : i32
        %add3A_453 = arith.addi %mul3A_229, %add3A_452 : i32
        %get3A_454 = arith.index_cast %add3A_453 : i32 to index
        %get3A_455 = arith.constant 32 : index
        %get3A_456 = tpu.vector_load %arg7[%get3A_454, %get3A_455] {strides = array<i32>} : memref<256x64xf32, #tpu.memory_space<vmem>>, vector<1x16xf32>,
        %get3A_457 = vector.shape_cast %get3A_456 : vector<1x16xf32> to vector<16xf32>
        %mul3A_458 = arith.constant 8.000000e+00 : f32
        %mul3A_459 = vector.broadcast %mul3A_458 : f32 to vector<16xf32>
        %mul3A_460 = arith.mulf %get3A_457, %mul3A_459 : vector<16xf32>
        %add3A_461 = arith.constant 3 : i32
        %add3A_462 = arith.addi %mul3A_229, %add3A_461 : i32
        %swap3A_463 = arith.index_cast %add3A_462 : i32 to index
        %swap3A_464 = arith.constant 32 : index
        %swap3A_465 = tpu.vector_load %arg7[%swap3A_463, %swap3A_464] {strides = array<i32>} : memref<256x64xf32, #tpu.memory_space<vmem>>, vector<1x16xf32>,
        %swap3A_466 = vector.shape_cast %swap3A_465 : vector<1x16xf32> to vector<16xf32>
        %swap3A_467 = vector.shape_cast %mul3A_460 : vector<16xf32> to vector<1x16xf32>
        tpu.vector_store %arg7[%swap3A_463, %swap3A_464], %swap3A_467 {strides = array<i32>} : memref<256x64xf32, #tpu.memory_space<vmem>>, vector<1x16xf32>,
        %add3A_468 = arith.constant 3 : i32
        %add3A_469 = arith.addi %mul3A_229, %add3A_468 : i32
        %get3A_470 = arith.index_cast %add3A_469 : i32 to index
        %get3A_471 = arith.constant 48 : index
        %get3A_472 = tpu.vector_load %arg7[%get3A_470, %get3A_471] {strides = array<i32>} : memref<256x64xf32, #tpu.memory_space<vmem>>, vector<1x16xf32>,
        %get3A_473 = vector.shape_cast %get3A_472 : vector<1x16xf32> to vector<16xf32>
        %mul3A_474 = arith.constant 8.000000e+00 : f32
        %mul3A_475 = vector.broadcast %mul3A_474 : f32 to vector<16xf32>
        %mul3A_476 = arith.mulf %get3A_473, %mul3A_475 : vector<16xf32>
        %add3A_477 = arith.constant 3 : i32
        %add3A_478 = arith.addi %mul3A_229, %add3A_477 : i32
        %swap3A_479 = arith.index_cast %add3A_478 : i32 to index
        %swap3A_480 = arith.constant 48 : index
        %swap3A_481 = tpu.vector_load %arg7[%swap3A_479, %swap3A_480] {strides = array<i32>} : memref<256x64xf32, #tpu.memory_space<vmem>>, vector<1x16xf32>,
        %swap3A_482 = vector.shape_cast %swap3A_481 : vector<1x16xf32> to vector<16xf32>
        %swap3A_483 = vector.shape_cast %mul3A_476 : vector<16xf32> to vector<1x16xf32>
        tpu.vector_store %arg7[%swap3A_479, %swap3A_480], %swap3A_483 {strides = array<i32>} : memref<256x64xf32, #tpu.memory_space<vmem>>, vector<1x16xf32>,
        %add3A_484 = arith.constant 4 : i32
        %add3A_485 = arith.addi %mul3A_229, %add3A_484 : i32
        %get3A_486 = arith.index_cast %add3A_485 : i32 to index
        %get3A_487 = arith.constant 0 : index
        %get3A_488 = tpu.vector_load %arg7[%get3A_486, %get3A_487] {strides = array<i32>} : memref<256x64xf32, #tpu.memory_space<vmem>>, vector<1x16xf32>,
        %get3A_489 = vector.shape_cast %get3A_488 : vector<1x16xf32> to vector<16xf32>
        %mul3A_490 = arith.constant 8.000000e+00 : f32
        %mul3A_491 = vector.broadcast %mul3A_490 : f32 to vector<16xf32>
        %mul3A_492 = arith.mulf %get3A_489, %mul3A_491 : vector<16xf32>
        %add3A_493 = arith.constant 4 : i32
        %add3A_494 = arith.addi %mul3A_229, %add3A_493 : i32
        %swap3A_495 = arith.index_cast %add3A_494 : i32 to index
        %swap3A_496 = arith.constant 0 : index
        %swap3A_497 = tpu.vector_load %arg7[%swap3A_495, %swap3A_496] {strides = array<i32>} : memref<256x64xf32, #tpu.memory_space<vmem>>, vector<1x16xf32>,
        %swap3A_498 = vector.shape_cast %swap3A_497 : vector<1x16xf32> to vector<16xf32>
        %swap3A_499 = vector.shape_cast %mul3A_492 : vector<16xf32> to vector<1x16xf32>
        tpu.vector_store %arg7[%swap3A_495, %swap3A_496], %swap3A_499 {strides = array<i32>} : memref<256x64xf32, #tpu.memory_space<vmem>>, vector<1x16xf32>,
        %add3A_500 = arith.constant 4 : i32
        %add3A_501 = arith.addi %mul3A_229, %add3A_500 : i32
        %get3A_502 = arith.index_cast %add3A_501 : i32 to index
        %get3A_503 = arith.constant 16 : index
        %get3A_504 = tpu.vector_load %arg7[%get3A_502, %get3A_503] {strides = array<i32>} : memref<256x64xf32, #tpu.memory_space<vmem>>, vector<1x16xf32>,
        %get3A_505 = vector.shape_cast %get3A_504 : vector<1x16xf32> to vector<16xf32>
        %mul3A_506 = arith.constant 8.000000e+00 : f32
        %mul3A_507 = vector.broadcast %mul3A_506 : f32 to vector<16xf32>
        %mul3A_508 = arith.mulf %get3A_505, %mul3A_507 : vector<16xf32>
        %add3A_509 = arith.constant 4 : i32
        %add3A_510 = arith.addi %mul3A_229, %add3A_509 : i32
        %swap3A_511 = arith.index_cast %add3A_510 : i32 to index
        %swap3A_512 = arith.constant 16 : index
        %swap3A_513 = tpu.vector_load %arg7[%swap3A_511, %swap3A_512] {strides = array<i32>} : memref<256x64xf32, #tpu.memory_space<vmem>>, vector<1x16xf32>,
        %swap3A_514 = vector.shape_cast %swap3A_513 : vector<1x16xf32> to vector<16xf32>
        %swap3A_515 = vector.shape_cast %mul3A_508 : vector<16xf32> to vector<1x16xf32>
        tpu.vector_store %arg7[%swap3A_511, %swap3A_512], %swap3A_515 {strides = array<i32>} : memref<256x64xf32, #tpu.memory_space<vmem>>, vector<1x16xf32>,
        %add3A_516 = arith.constant 4 : i32
        %add3A_517 = arith.addi %mul3A_229, %add3A_516 : i32
        %get3A_518 = arith.index_cast %add3A_517 : i32 to index
        %get3A_519 = arith.constant 32 : index
        %get3A_520 = tpu.vector_load %arg7[%get3A_518, %get3A_519] {strides = array<i32>} : memref<256x64xf32, #tpu.memory_space<vmem>>, vector<1x16xf32>,
        %get3A_521 = vector.shape_cast %get3A_520 : vector<1x16xf32> to vector<16xf32>
        %mul3A_522 = arith.constant 8.000000e+00 : f32
        %mul3A_523 = vector.broadcast %mul3A_522 : f32 to vector<16xf32>
        %mul3A_524 = arith.mulf %get3A_521, %mul3A_523 : vector<16xf32>
        %add3A_525 = arith.constant 4 : i32
        %add3A_526 = arith.addi %mul3A_229, %add3A_525 : i32
        %swap3A_527 = arith.index_cast %add3A_526 : i32 to index
        %swap3A_528 = arith.constant 32 : index
        %swap3A_529 = tpu.vector_load %arg7[%swap3A_527, %swap3A_528] {strides = array<i32>} : memref<256x64xf32, #tpu.memory_space<vmem>>, vector<1x16xf32>,
        %swap3A_530 = vector.shape_cast %swap3A_529 : vector<1x16xf32> to vector<16xf32>
        %swap3A_531 = vector.shape_cast %mul3A_524 : vector<16xf32> to vector<1x16xf32>
        tpu.vector_store %arg7[%swap3A_527, %swap3A_528], %swap3A_531 {strides = array<i32>} : memref<256x64xf32, #tpu.memory_space<vmem>>, vector<1x16xf32>,
        %add3A_532 = arith.constant 4 : i32
        %add3A_533 = arith.addi %mul3A_229, %add3A_532 : i32
        %get3A_534 = arith.index_cast %add3A_533 : i32 to index
        %get3A_535 = arith.constant 48 : index
        %get3A_536 = tpu.vector_load %arg7[%get3A_534, %get3A_535] {strides = array<i32>} : memref<256x64xf32, #tpu.memory_space<vmem>>, vector<1x16xf32>,
        %get3A_537 = vector.shape_cast %get3A_536 : vector<1x16xf32> to vector<16xf32>
        %mul3A_538 = arith.constant 8.000000e+00 : f32
        %mul3A_539 = vector.broadcast %mul3A_538 : f32 to vector<16xf32>
        %mul3A_540 = arith.mulf %get3A_537, %mul3A_539 : vector<16xf32>
        %add3A_541 = arith.constant 4 : i32
        %add3A_542 = arith.addi %mul3A_229, %add3A_541 : i32
        %swap3A_543 = arith.index_cast %add3A_542 : i32 to index
        %swap3A_544 = arith.constant 48 : index
        %swap3A_545 = tpu.vector_load %arg7[%swap3A_543, %swap3A_544] {strides = array<i32>} : memref<256x64xf32, #tpu.memory_space<vmem>>, vector<1x16xf32>,
        %swap3A_546 = vector.shape_cast %swap3A_545 : vector<1x16xf32> to vector<16xf32>
        %swap3A_547 = vector.shape_cast %mul3A_540 : vector<16xf32> to vector<1x16xf32>
        tpu.vector_store %arg7[%swap3A_543, %swap3A_544], %swap3A_547 {strides = array<i32>} : memref<256x64xf32, #tpu.memory_space<vmem>>, vector<1x16xf32>,
        %add3A_548 = arith.constant 5 : i32
        %add3A_549 = arith.addi %mul3A_229, %add3A_548 : i32
        %get3A_550 = arith.index_cast %add3A_549 : i32 to index
        %get3A_551 = arith.constant 0 : index
        %get3A_552 = tpu.vector_load %arg7[%get3A_550, %get3A_551] {strides = array<i32>} : memref<256x64xf32, #tpu.memory_space<vmem>>, vector<1x16xf32>,
        %get3A_553 = vector.shape_cast %get3A_552 : vector<1x16xf32> to vector<16xf32>
        %mul3A_554 = arith.constant 8.000000e+00 : f32
        %mul3A_555 = vector.broadcast %mul3A_554 : f32 to vector<16xf32>
        %mul3A_556 = arith.mulf %get3A_553, %mul3A_555 : vector<16xf32>
        %add3A_557 = arith.constant 5 : i32
        %add3A_558 = arith.addi %mul3A_229, %add3A_557 : i32
        %swap3A_559 = arith.index_cast %add3A_558 : i32 to index
        %swap3A_560 = arith.constant 0 : index
        %swap3A_561 = tpu.vector_load %arg7[%swap3A_559, %swap3A_560] {strides = array<i32>} : memref<256x64xf32, #tpu.memory_space<vmem>>, vector<1x16xf32>,
        %swap3A_562 = vector.shape_cast %swap3A_561 : vector<1x16xf32> to vector<16xf32>
        %swap3A_563 = vector.shape_cast %mul3A_556 : vector<16xf32> to vector<1x16xf32>
        tpu.vector_store %arg7[%swap3A_559, %swap3A_560], %swap3A_563 {strides = array<i32>} : memref<256x64xf32, #tpu.memory_space<vmem>>, vector<1x16xf32>,
        %add3A_564 = arith.constant 5 : i32
        %add3A_565 = arith.addi %mul3A_229, %add3A_564 : i32
        %get3A_566 = arith.index_cast %add3A_565 : i32 to index
        %get3A_567 = arith.constant 16 : index
        %get3A_568 = tpu.vector_load %arg7[%get3A_566, %get3A_567] {strides = array<i32>} : memref<256x64xf32, #tpu.memory_space<vmem>>, vector<1x16xf32>,
        %get3A_569 = vector.shape_cast %get3A_568 : vector<1x16xf32> to vector<16xf32>
        %mul3A_570 = arith.constant 8.000000e+00 : f32
        %mul3A_571 = vector.broadcast %mul3A_570 : f32 to vector<16xf32>
        %mul3A_572 = arith.mulf %get3A_569, %mul3A_571 : vector<16xf32>
        %add3A_573 = arith.constant 5 : i32
        %add3A_574 = arith.addi %mul3A_229, %add3A_573 : i32
        %swap3A_575 = arith.index_cast %add3A_574 : i32 to index
        %swap3A_576 = arith.constant 16 : index
        %swap3A_577 = tpu.vector_load %arg7[%swap3A_575, %swap3A_576] {strides = array<i32>} : memref<256x64xf32, #tpu.memory_space<vmem>>, vector<1x16xf32>,
        %swap3A_578 = vector.shape_cast %swap3A_577 : vector<1x16xf32> to vector<16xf32>
        %swap3A_579 = vector.shape_cast %mul3A_572 : vector<16xf32> to vector<1x16xf32>
        tpu.vector_store %arg7[%swap3A_575, %swap3A_576], %swap3A_579 {strides = array<i32>} : memref<256x64xf32, #tpu.memory_space<vmem>>, vector<1x16xf32>,
        %add3A_580 = arith.constant 5 : i32
        %add3A_581 = arith.addi %mul3A_229, %add3A_580 : i32
        %get3A_582 = arith.index_cast %add3A_581 : i32 to index
        %get3A_583 = arith.constant 32 : index
        %get3A_584 = tpu.vector_load %arg7[%get3A_582, %get3A_583] {strides = array<i32>} : memref<256x64xf32, #tpu.memory_space<vmem>>, vector<1x16xf32>,
        %get3A_585 = vector.shape_cast %get3A_584 : vector<1x16xf32> to vector<16xf32>
        %mul3A_586 = arith.constant 8.000000e+00 : f32
        %mul3A_587 = vector.broadcast %mul3A_586 : f32 to vector<16xf32>
        %mul3A_588 = arith.mulf %get3A_585, %mul3A_587 : vector<16xf32>
        %add3A_589 = arith.constant 5 : i32
        %add3A_590 = arith.addi %mul3A_229, %add3A_589 : i32
        %swap3A_591 = arith.index_cast %add3A_590 : i32 to index
        %swap3A_592 = arith.constant 32 : index
        %swap3A_593 = tpu.vector_load %arg7[%swap3A_591, %swap3A_592] {strides = array<i32>} : memref<256x64xf32, #tpu.memory_space<vmem>>, vector<1x16xf32>,
        %swap3A_594 = vector.shape_cast %swap3A_593 : vector<1x16xf32> to vector<16xf32>
        %swap3A_595 = vector.shape_cast %mul3A_588 : vector<16xf32> to vector<1x16xf32>
        tpu.vector_store %arg7[%swap3A_591, %swap3A_592], %swap3A_595 {strides = array<i32>} : memref<256x64xf32, #tpu.memory_space<vmem>>, vector<1x16xf32>,
        %add3A_596 = arith.constant 5 : i32
        %add3A_597 = arith.addi %mul3A_229, %add3A_596 : i32
        %get3A_598 = arith.index_cast %add3A_597 : i32 to index
        %get3A_599 = arith.constant 48 : index
        %get3A_600 = tpu.vector_load %arg7[%get3A_598, %get3A_599] {strides = array<i32>} : memref<256x64xf32, #tpu.memory_space<vmem>>, vector<1x16xf32>,
        %get3A_601 = vector.shape_cast %get3A_600 : vector<1x16xf32> to vector<16xf32>
        %mul3A_602 = arith.constant 8.000000e+00 : f32
        %mul3A_603 = vector.broadcast %mul3A_602 : f32 to vector<16xf32>
        %mul3A_604 = arith.mulf %get3A_601, %mul3A_603 : vector<16xf32>
        %add3A_605 = arith.constant 5 : i32
        %add3A_606 = arith.addi %mul3A_229, %add3A_605 : i32
        %swap3A_607 = arith.index_cast %add3A_606 : i32 to index
        %swap3A_608 = arith.constant 48 : index
        %swap3A_609 = tpu.vector_load %arg7[%swap3A_607, %swap3A_608] {strides = array<i32>} : memref<256x64xf32, #tpu.memory_space<vmem>>, vector<1x16xf32>,
        %swap3A_610 = vector.shape_cast %swap3A_609 : vector<1x16xf32> to vector<16xf32>
        %swap3A_611 = vector.shape_cast %mul3A_604 : vector<16xf32> to vector<1x16xf32>
        tpu.vector_store %arg7[%swap3A_607, %swap3A_608], %swap3A_611 {strides = array<i32>} : memref<256x64xf32, #tpu.memory_space<vmem>>, vector<1x16xf32>,
        %add3A_612 = arith.constant 6 : i32
        %add3A_613 = arith.addi %mul3A_229, %add3A_612 : i32
        %get3A_614 = arith.index_cast %add3A_613 : i32 to index
        %get3A_615 = arith.constant 0 : index
        %get3A_616 = tpu.vector_load %arg7[%get3A_614, %get3A_615] {strides = array<i32>} : memref<256x64xf32, #tpu.memory_space<vmem>>, vector<1x16xf32>,
        %get3A_617 = vector.shape_cast %get3A_616 : vector<1x16xf32> to vector<16xf32>
        %mul3A_618 = arith.constant 8.000000e+00 : f32
        %mul3A_619 = vector.broadcast %mul3A_618 : f32 to vector<16xf32>
        %mul3A_620 = arith.mulf %get3A_617, %mul3A_619 : vector<16xf32>
        %add3A_621 = arith.constant 6 : i32
        %add3A_622 = arith.addi %mul3A_229, %add3A_621 : i32
        %swap3A_623 = arith.index_cast %add3A_622 : i32 to index
        %swap3A_624 = arith.constant 0 : index
        %swap3A_625 = tpu.vector_load %arg7[%swap3A_623, %swap3A_624] {strides = array<i32>} : memref<256x64xf32, #tpu.memory_space<vmem>>, vector<1x16xf32>,
        %swap3A_626 = vector.shape_cast %swap3A_625 : vector<1x16xf32> to vector<16xf32>
        %swap3A_627 = vector.shape_cast %mul3A_620 : vector<16xf32> to vector<1x16xf32>
        tpu.vector_store %arg7[%swap3A_623, %swap3A_624], %swap3A_627 {strides = array<i32>} : memref<256x64xf32, #tpu.memory_space<vmem>>, vector<1x16xf32>,
        %add3A_628 = arith.constant 6 : i32
        %add3A_629 = arith.addi %mul3A_229, %add3A_628 : i32
        %get3A_630 = arith.index_cast %add3A_629 : i32 to index
        %get3A_631 = arith.constant 16 : index
        %get3A_632 = tpu.vector_load %arg7[%get3A_630, %get3A_631] {strides = array<i32>} : memref<256x64xf32, #tpu.memory_space<vmem>>, vector<1x16xf32>,
        %get3A_633 = vector.shape_cast %get3A_632 : vector<1x16xf32> to vector<16xf32>
        %mul3A_634 = arith.constant 8.000000e+00 : f32
        %mul3A_635 = vector.broadcast %mul3A_634 : f32 to vector<16xf32>
        %mul3A_636 = arith.mulf %get3A_633, %mul3A_635 : vector<16xf32>
        %add3A_637 = arith.constant 6 : i32
        %add3A_638 = arith.addi %mul3A_229, %add3A_637 : i32
        %swap3A_639 = arith.index_cast %add3A_638 : i32 to index
        %swap3A_640 = arith.constant 16 : index
        %swap3A_641 = tpu.vector_load %arg7[%swap3A_639, %swap3A_640] {strides = array<i32>} : memref<256x64xf32, #tpu.memory_space<vmem>>, vector<1x16xf32>,
        %swap3A_642 = vector.shape_cast %swap3A_641 : vector<1x16xf32> to vector<16xf32>
        %swap3A_643 = vector.shape_cast %mul3A_636 : vector<16xf32> to vector<1x16xf32>
        tpu.vector_store %arg7[%swap3A_639, %swap3A_640], %swap3A_643 {strides = array<i32>} : memref<256x64xf32, #tpu.memory_space<vmem>>, vector<1x16xf32>,
        %add3A_644 = arith.constant 6 : i32
        %add3A_645 = arith.addi %mul3A_229, %add3A_644 : i32
        %get3A_646 = arith.index_cast %add3A_645 : i32 to index
        %get3A_647 = arith.constant 32 : index
        %get3A_648 = tpu.vector_load %arg7[%get3A_646, %get3A_647] {strides = array<i32>} : memref<256x64xf32, #tpu.memory_space<vmem>>, vector<1x16xf32>,
        %get3A_649 = vector.shape_cast %get3A_648 : vector<1x16xf32> to vector<16xf32>
        %mul3A_650 = arith.constant 8.000000e+00 : f32
        %mul3A_651 = vector.broadcast %mul3A_650 : f32 to vector<16xf32>
        %mul3A_652 = arith.mulf %get3A_649, %mul3A_651 : vector<16xf32>
        %add3A_653 = arith.constant 6 : i32
        %add3A_654 = arith.addi %mul3A_229, %add3A_653 : i32
        %swap3A_655 = arith.index_cast %add3A_654 : i32 to index
        %swap3A_656 = arith.constant 32 : index
        %swap3A_657 = tpu.vector_load %arg7[%swap3A_655, %swap3A_656] {strides = array<i32>} : memref<256x64xf32, #tpu.memory_space<vmem>>, vector<1x16xf32>,
        %swap3A_658 = vector.shape_cast %swap3A_657 : vector<1x16xf32> to vector<16xf32>
        %swap3A_659 = vector.shape_cast %mul3A_652 : vector<16xf32> to vector<1x16xf32>
        tpu.vector_store %arg7[%swap3A_655, %swap3A_656], %swap3A_659 {strides = array<i32>} : memref<256x64xf32, #tpu.memory_space<vmem>>, vector<1x16xf32>,
        %add3A_660 = arith.constant 6 : i32
        %add3A_661 = arith.addi %mul3A_229, %add3A_660 : i32
        %get3A_662 = arith.index_cast %add3A_661 : i32 to index
        %get3A_663 = arith.constant 48 : index
        %get3A_664 = tpu.vector_load %arg7[%get3A_662, %get3A_663] {strides = array<i32>} : memref<256x64xf32, #tpu.memory_space<vmem>>, vector<1x16xf32>,
        %get3A_665 = vector.shape_cast %get3A_664 : vector<1x16xf32> to vector<16xf32>
        %mul3A_666 = arith.constant 8.000000e+00 : f32
        %mul3A_667 = vector.broadcast %mul3A_666 : f32 to vector<16xf32>
        %mul3A_668 = arith.mulf %get3A_665, %mul3A_667 : vector<16xf32>
        %add3A_669 = arith.constant 6 : i32
        %add3A_670 = arith.addi %mul3A_229, %add3A_669 : i32
        %swap3A_671 = arith.index_cast %add3A_670 : i32 to index
        %swap3A_672 = arith.constant 48 : index
        %swap3A_673 = tpu.vector_load %arg7[%swap3A_671, %swap3A_672] {strides = array<i32>} : memref<256x64xf32, #tpu.memory_space<vmem>>, vector<1x16xf32>,
        %swap3A_674 = vector.shape_cast %swap3A_673 : vector<1x16xf32> to vector<16xf32>
        %swap3A_675 = vector.shape_cast %mul3A_668 : vector<16xf32> to vector<1x16xf32>
        tpu.vector_store %arg7[%swap3A_671, %swap3A_672], %swap3A_675 {strides = array<i32>} : memref<256x64xf32, #tpu.memory_space<vmem>>, vector<1x16xf32>,
        %add3A_676 = arith.constant 7 : i32
        %add3A_677 = arith.addi %mul3A_229, %add3A_676 : i32
        %get3A_678 = arith.index_cast %add3A_677 : i32 to index
        %get3A_679 = arith.constant 0 : index
        %get3A_680 = tpu.vector_load %arg7[%get3A_678, %get3A_679] {strides = array<i32>} : memref<256x64xf32, #tpu.memory_space<vmem>>, vector<1x16xf32>,
        %get3A_681 = vector.shape_cast %get3A_680 : vector<1x16xf32> to vector<16xf32>
        %mul3A_682 = arith.constant 8.000000e+00 : f32
        %mul3A_683 = vector.broadcast %mul3A_682 : f32 to vector<16xf32>
        %mul3A_684 = arith.mulf %get3A_681, %mul3A_683 : vector<16xf32>
        %add3A_685 = arith.constant 7 : i32
        %add3A_686 = arith.addi %mul3A_229, %add3A_685 : i32
        %swap3A_687 = arith.index_cast %add3A_686 : i32 to index
        %swap3A_688 = arith.constant 0 : index
        %swap3A_689 = tpu.vector_load %arg7[%swap3A_687, %swap3A_688] {strides = array<i32>} : memref<256x64xf32, #tpu.memory_space<vmem>>, vector<1x16xf32>,
        %swap3A_690 = vector.shape_cast %swap3A_689 : vector<1x16xf32> to vector<16xf32>
        %swap3A_691 = vector.shape_cast %mul3A_684 : vector<16xf32> to vector<1x16xf32>
        tpu.vector_store %arg7[%swap3A_687, %swap3A_688], %swap3A_691 {strides = array<i32>} : memref<256x64xf32, #tpu.memory_space<vmem>>, vector<1x16xf32>,
        %add3A_692 = arith.constant 7 : i32
        %add3A_693 = arith.addi %mul3A_229, %add3A_692 : i32
        %get3A_694 = arith.index_cast %add3A_693 : i32 to index
        %get3A_695 = arith.constant 16 : index
        %get3A_696 = tpu.vector_load %arg7[%get3A_694, %get3A_695] {strides = array<i32>} : memref<256x64xf32, #tpu.memory_space<vmem>>, vector<1x16xf32>,
        %get3A_697 = vector.shape_cast %get3A_696 : vector<1x16xf32> to vector<16xf32>
        %mul3A_698 = arith.constant 8.000000e+00 : f32
        %mul3A_699 = vector.broadcast %mul3A_698 : f32 to vector<16xf32>
        %mul3A_700 = arith.mulf %get3A_697, %mul3A_699 : vector<16xf32>
        %add3A_701 = arith.constant 7 : i32
        %add3A_702 = arith.addi %mul3A_229, %add3A_701 : i32
        %swap3A_703 = arith.index_cast %add3A_702 : i32 to index
        %swap3A_704 = arith.constant 16 : index
        %swap3A_705 = tpu.vector_load %arg7[%swap3A_703, %swap3A_704] {strides = array<i32>} : memref<256x64xf32, #tpu.memory_space<vmem>>, vector<1x16xf32>,
        %swap3A_706 = vector.shape_cast %swap3A_705 : vector<1x16xf32> to vector<16xf32>
        %swap3A_707 = vector.shape_cast %mul3A_700 : vector<16xf32> to vector<1x16xf32>
        tpu.vector_store %arg7[%swap3A_703, %swap3A_704], %swap3A_707 {strides = array<i32>} : memref<256x64xf32, #tpu.memory_space<vmem>>, vector<1x16xf32>,
        %add3A_708 = arith.constant 7 : i32
        %add3A_709 = arith.addi %mul3A_229, %add3A_708 : i32
        %get3A_710 = arith.index_cast %add3A_709 : i32 to index
        %get3A_711 = arith.constant 32 : index
        %get3A_712 = tpu.vector_load %arg7[%get3A_710, %get3A_711] {strides = array<i32>} : memref<256x64xf32, #tpu.memory_space<vmem>>, vector<1x16xf32>,
        %get3A_713 = vector.shape_cast %get3A_712 : vector<1x16xf32> to vector<16xf32>
        %mul3A_714 = arith.constant 8.000000e+00 : f32
        %mul3A_715 = vector.broadcast %mul3A_714 : f32 to vector<16xf32>
        %mul3A_716 = arith.mulf %get3A_713, %mul3A_715 : vector<16xf32>
        %add3A_717 = arith.constant 7 : i32
        %add3A_718 = arith.addi %mul3A_229, %add3A_717 : i32
        %swap3A_719 = arith.index_cast %add3A_718 : i32 to index
        %swap3A_720 = arith.constant 32 : index
        %swap3A_721 = tpu.vector_load %arg7[%swap3A_719, %swap3A_720] {strides = array<i32>} : memref<256x64xf32, #tpu.memory_space<vmem>>, vector<1x16xf32>,
        %swap3A_722 = vector.shape_cast %swap3A_721 : vector<1x16xf32> to vector<16xf32>
        %swap3A_723 = vector.shape_cast %mul3A_716 : vector<16xf32> to vector<1x16xf32>
        tpu.vector_store %arg7[%swap3A_719, %swap3A_720], %swap3A_723 {strides = array<i32>} : memref<256x64xf32, #tpu.memory_space<vmem>>, vector<1x16xf32>,
        %add3A_724 = arith.constant 7 : i32
        %add3A_725 = arith.addi %mul3A_229, %add3A_724 : i32
        %get3A_726 = arith.index_cast %add3A_725 : i32 to index
        %get3A_727 = arith.constant 48 : index
        %get3A_728 = tpu.vector_load %arg7[%get3A_726, %get3A_727] {strides = array<i32>} : memref<256x64xf32, #tpu.memory_space<vmem>>, vector<1x16xf32>,
        %get3A_729 = vector.shape_cast %get3A_728 : vector<1x16xf32> to vector<16xf32>
        %mul3A_730 = arith.constant 8.000000e+00 : f32
        %mul3A_731 = vector.broadcast %mul3A_730 : f32 to vector<16xf32>
        %mul3A_732 = arith.mulf %get3A_729, %mul3A_731 : vector<16xf32>
        %add3A_733 = arith.constant 7 : i32
        %add3A_734 = arith.addi %mul3A_229, %add3A_733 : i32
        %swap3A_735 = arith.index_cast %add3A_734 : i32 to index
        %swap3A_736 = arith.constant 48 : index
        %swap3A_737 = tpu.vector_load %arg7[%swap3A_735, %swap3A_736] {strides = array<i32>} : memref<256x64xf32, #tpu.memory_space<vmem>>, vector<1x16xf32>,
        %swap3A_738 = vector.shape_cast %swap3A_737 : vector<1x16xf32> to vector<16xf32>
        %swap3A_739 = vector.shape_cast %mul3A_732 : vector<16xf32> to vector<1x16xf32>
        tpu.vector_store %arg7[%swap3A_735, %swap3A_736], %swap3A_739 {strides = array<i32>} : memref<256x64xf32, #tpu.memory_space<vmem>>, vector<1x16xf32>,
      }
      %scan3A_146 = arith.constant 32 : i32
      %mul3A_147 = arith.constant 25600 : i32
      %mul3A_148 = arith.muli %add3A, %mul3A_147 : i32
      %mul3A_149 = arith.constant 256 : i32
      %mul3A_150 = arith.muli %add3A_125, %mul3A_149 : i32
      %add3A_151 = arith.addi %mul3A_148, %mul3A_150 : i32
      %multiple_of3A_152 = tpu.assume_multiple %add3A_151, 256 : i32
      %dma_start3A_153 = arith.constant 0 : i32
      %dma_start3A_154 = tpu.memref_slice %arg4[%multiple_of3A_152, %dma_start3A_153] : memref<819200x64xf32, #tpu.memory_space<hbm>> -> memref<256x64xf32, #tpu.memory_space<hbm>>
      %dma_start3A_155 = arith.constant 0 : i32
      %dma_start3A_156 = tpu.memref_slice %arg4[%multiple_of3A_152, %dma_start3A_155] : memref<819200x64xf32, #tpu.memory_space<hbm>> -> memref<256x64xf32, #tpu.memory_space<hbm>>
      tpu.enqueue_dma source(%arg7 : memref<256x64xf32, #tpu.memory_space<vmem>>) target(%dma_start3A_156 : memref<256x64xf32, #tpu.memory_space<hbm>>) target_semaphore(%arg15 : memref<!tpu.dma_semaphore, #tpu.memory_space<semaphore_mem>>)
      %mul3A_157 = arith.constant 4 : i32
      %mul3A_158 = arith.muli %scan3A_90, %mul3A_157 : i32
      %add3A_159 = arith.constant 2 : i32
      %add3A_160 = arith.addi %mul3A_158, %add3A_159 : i32
      %add3A_161 = arith.constant 4 : i32
      %add3A_162 = arith.addi %add3A_160, %add3A_161 : i32
      %sub3A_163 = arith.constant 1 : i32
      %sub3A_164 = arith.subi %add3A_162, %sub3A_163 : i32
      %lt3A_165 = arith.constant 100 : i32
      %lt3A_166 = arith.cmpi slt, %sub3A_164, %lt3A_165 : i32
      %convert_element_type3A_167 = arith.extui %lt3A_166 : i1 to i32
      %cond3A_168 = arith.constant 0 : i32
      %cond3A_169 = arith.cmpi ne, %convert_element_type3A_167, %cond3A_168 : i32
      scf.if %cond3A_169 {
        %dma_wait3A_227 = arith.constant 0 : i32
        %dma_wait3A_228 = arith.constant 0 : i32
        %dma_wait3A_229 = tpu.memref_slice %arg4[%dma_wait3A_227, %dma_wait3A_228] : memref<819200x64xf32, #tpu.memory_space<hbm>> -> memref<256x64xf32, #tpu.memory_space<hbm>>
        %dma_wait3A_230 = arith.constant 0 : i32
        %dma_wait3A_231 = arith.constant 0 : i32
        %dma_wait3A_232 = tpu.memref_slice %arg4[%dma_wait3A_230, %dma_wait3A_231] : memref<819200x64xf32, #tpu.memory_space<hbm>> -> memref<256x64xf32, #tpu.memory_space<hbm>>
        tpu.wait_dma2 semaphore(%arg15 : memref<!tpu.dma_semaphore, #tpu.memory_space<semaphore_mem>>) src(%arg7 : memref<256x64xf32, #tpu.memory_space<vmem>>) dst(%dma_wait3A_232 : memref<256x64xf32, #tpu.memory_space<hbm>>)
        %mul3A_233 = arith.constant 2 : i32
        %mul3A_234 = arith.muli %sub3A_164, %mul3A_233 : i32
        %add3A_235 = arith.constant 0 : i32
        %add3A_236 = arith.addi %mul3A_234, %add3A_235 : i32
        %dma_start3A_237 = arith.constant 0 : i32
        %dma_start3A_238 = arith.constant 0 : i32
        %dma_start3A_239 = tpu.memref_slice %arg7[%dma_start3A_237, %dma_start3A_238] : memref<256x64xf32, #tpu.memory_space<vmem>> -> memref<128x64xf32, #tpu.memory_space<vmem>>
        %dma_start3A_240 = arith.constant 0 : i32
        %dma_start3A_241 = tpu.memref_slice %arg5[%add3A_236, %dma_start3A_240] : memref<200x128xi32, #tpu.memory_space<vmem>> -> memref<1x128xi32, #tpu.memory_space<vmem>>
        %dma_start3A_242 = tpu.memref_squeeze %dma_start3A_241 : memref<1x128xi32, #tpu.memory_space<vmem>> -> memref<128xi32, #tpu.memory_space<vmem>>
        %dma_start3A_243 = arith.constant 0 : i32
        %dma_start3A_244 = arith.constant 0 : i32
        %dma_start3A_245 = tpu.memref_slice %arg3[%dma_start3A_243, %dma_start3A_244] : memref<1000000x64xf32, #tpu.memory_space<hbm>> -> memref<1000000x64xf32, #tpu.memory_space<hbm>>
        tpu.enqueue_indirect_dma source(%dma_start3A_245 : memref<1000000x64xf32, #tpu.memory_space<hbm>>) target(%dma_start3A_239 : memref<128x64xf32, #tpu.memory_space<vmem>>) offsets(%dma_start3A_242 : memref<128xi32, #tpu.memory_space<vmem>>) semaphore(%arg11 : memref<!tpu.dma_semaphore, #tpu.memory_space<semaphore_mem>>)
        %mul3A_246 = arith.constant 2 : i32
        %mul3A_247 = arith.muli %sub3A_164, %mul3A_246 : i32
        %add3A_248 = arith.constant 1 : i32
        %add3A_249 = arith.addi %mul3A_247, %add3A_248 : i32
        %dma_start3A_250 = arith.constant 128 : i32
        %dma_start3A_251 = arith.constant 0 : i32
        %dma_start3A_252 = tpu.memref_slice %arg7[%dma_start3A_250, %dma_start3A_251] : memref<256x64xf32, #tpu.memory_space<vmem>> -> memref<128x64xf32, #tpu.memory_space<vmem>>
        %dma_start3A_253 = arith.constant 0 : i32
        %dma_start3A_254 = tpu.memref_slice %arg5[%add3A_249, %dma_start3A_253] : memref<200x128xi32, #tpu.memory_space<vmem>> -> memref<1x128xi32, #tpu.memory_space<vmem>>
        %dma_start3A_255 = tpu.memref_squeeze %dma_start3A_254 : memref<1x128xi32, #tpu.memory_space<vmem>> -> memref<128xi32, #tpu.memory_space<vmem>>
        %dma_start3A_256 = arith.constant 0 : i32
        %dma_start3A_257 = arith.constant 0 : i32
        %dma_start3A_258 = tpu.memref_slice %arg3[%dma_start3A_256, %dma_start3A_257] : memref<1000000x64xf32, #tpu.memory_space<hbm>> -> memref<1000000x64xf32, #tpu.memory_space<hbm>>
        tpu.enqueue_indirect_dma source(%dma_start3A_258 : memref<1000000x64xf32, #tpu.memory_space<hbm>>) target(%dma_start3A_252 : memref<128x64xf32, #tpu.memory_space<vmem>>) offsets(%dma_start3A_255 : memref<128xi32, #tpu.memory_space<vmem>>) semaphore(%arg11 : memref<!tpu.dma_semaphore, #tpu.memory_space<semaphore_mem>>)
      } else {
      }
      %dma_wait3A_170 = arith.constant 0 : i32
      %dma_wait3A_171 = arith.constant 0 : i32
      %dma_wait3A_172 = tpu.memref_slice %arg4[%dma_wait3A_170, %dma_wait3A_171] : memref<819200x64xf32, #tpu.memory_space<hbm>> -> memref<256x64xf32, #tpu.memory_space<hbm>>
      %dma_wait3A_173 = arith.constant 0 : i32
      %dma_wait3A_174 = arith.constant 0 : i32
      %dma_wait3A_175 = tpu.memref_slice %arg4[%dma_wait3A_173, %dma_wait3A_174] : memref<819200x64xf32, #tpu.memory_space<hbm>> -> memref<256x64xf32, #tpu.memory_space<hbm>>
      tpu.wait_dma2 semaphore(%arg12 : memref<!tpu.dma_semaphore, #tpu.memory_space<semaphore_mem>>) src(%dma_wait3A_175 : memref<256x64xf32, #tpu.memory_space<hbm>>) dst(%arg8 : memref<256x64xf32, #tpu.memory_space<vmem>>)
      %scan3A_176 = arith.constant 0 : i32
      %scan3A_177 = arith.constant 0 : i32
      %scan3A_178 = arith.constant 32 : i32
      %scan3A_179 = arith.addi %scan3A_177, %scan3A_178 : i32
      %scan3A_180 = arith.constant 1 : i32
      scf.for %scan3A_227 = %scan3A_177 to %scan3A_179 step %scan3A_180  : i32 {
        %mul3A_228 = arith.constant 8 : i32
        %mul3A_229 = arith.muli %scan3A_227, %mul3A_228 : i32
        %add3A_230 = arith.constant 0 : i32
        %add3A_231 = arith.addi %mul3A_229, %add3A_230 : i32
        %get3A = arith.index_cast %add3A_231 : i32 to index
        %get3A_232 = arith.constant 0 : index
        %get3A_233 = tpu.vector_load %arg8[%get3A, %get3A_232] {strides = array<i32>} : memref<256x64xf32, #tpu.memory_space<vmem>>, vector<1x16xf32>,
        %get3A_234 = vector.shape_cast %get3A_233 : vector<1x16xf32> to vector<16xf32>
        %mul3A_235 = arith.constant 8.000000e+00 : f32
        %mul3A_236 = vector.broadcast %mul3A_235 : f32 to vector<16xf32>
        %mul3A_237 = arith.mulf %get3A_234, %mul3A_236 : vector<16xf32>
        %add3A_238 = arith.constant 0 : i32
        %add3A_239 = arith.addi %mul3A_229, %add3A_238 : i32
        %swap3A = arith.index_cast %add3A_239 : i32 to index
        %swap3A_240 = arith.constant 0 : index
        %swap3A_241 = tpu.vector_load %arg8[%swap3A, %swap3A_240] {strides = array<i32>} : memref<256x64xf32, #tpu.memory_space<vmem>>, vector<1x16xf32>,
        %swap3A_242 = vector.shape_cast %swap3A_241 : vector<1x16xf32> to vector<16xf32>
        %swap3A_243 = vector.shape_cast %mul3A_237 : vector<16xf32> to vector<1x16xf32>
        tpu.vector_store %arg8[%swap3A, %swap3A_240], %swap3A_243 {strides = array<i32>} : memref<256x64xf32, #tpu.memory_space<vmem>>, vector<1x16xf32>,
        %add3A_244 = arith.constant 0 : i32
        %add3A_245 = arith.addi %mul3A_229, %add3A_244 : i32
        %get3A_246 = arith.index_cast %add3A_245 : i32 to index
        %get3A_247 = arith.constant 16 : index
        %get3A_248 = tpu.vector_load %arg8[%get3A_246, %get3A_247] {strides = array<i32>} : memref<256x64xf32, #tpu.memory_space<vmem>>, vector<1x16xf32>,
        %get3A_249 = vector.shape_cast %get3A_248 : vector<1x16xf32> to vector<16xf32>
        %mul3A_250 = arith.constant 8.000000e+00 : f32
        %mul3A_251 = vector.broadcast %mul3A_250 : f32 to vector<16xf32>
        %mul3A_252 = arith.mulf %get3A_249, %mul3A_251 : vector<16xf32>
        %add3A_253 = arith.constant 0 : i32
        %add3A_254 = arith.addi %mul3A_229, %add3A_253 : i32
        %swap3A_255 = arith.index_cast %add3A_254 : i32 to index
        %swap3A_256 = arith.constant 16 : index
        %swap3A_257 = tpu.vector_load %arg8[%swap3A_255, %swap3A_256] {strides = array<i32>} : memref<256x64xf32, #tpu.memory_space<vmem>>, vector<1x16xf32>,
        %swap3A_258 = vector.shape_cast %swap3A_257 : vector<1x16xf32> to vector<16xf32>
        %swap3A_259 = vector.shape_cast %mul3A_252 : vector<16xf32> to vector<1x16xf32>
        tpu.vector_store %arg8[%swap3A_255, %swap3A_256], %swap3A_259 {strides = array<i32>} : memref<256x64xf32, #tpu.memory_space<vmem>>, vector<1x16xf32>,
        %add3A_260 = arith.constant 0 : i32
        %add3A_261 = arith.addi %mul3A_229, %add3A_260 : i32
        %get3A_262 = arith.index_cast %add3A_261 : i32 to index
        %get3A_263 = arith.constant 32 : index
        %get3A_264 = tpu.vector_load %arg8[%get3A_262, %get3A_263] {strides = array<i32>} : memref<256x64xf32, #tpu.memory_space<vmem>>, vector<1x16xf32>,
        %get3A_265 = vector.shape_cast %get3A_264 : vector<1x16xf32> to vector<16xf32>
        %mul3A_266 = arith.constant 8.000000e+00 : f32
        %mul3A_267 = vector.broadcast %mul3A_266 : f32 to vector<16xf32>
        %mul3A_268 = arith.mulf %get3A_265, %mul3A_267 : vector<16xf32>
        %add3A_269 = arith.constant 0 : i32
        %add3A_270 = arith.addi %mul3A_229, %add3A_269 : i32
        %swap3A_271 = arith.index_cast %add3A_270 : i32 to index
        %swap3A_272 = arith.constant 32 : index
        %swap3A_273 = tpu.vector_load %arg8[%swap3A_271, %swap3A_272] {strides = array<i32>} : memref<256x64xf32, #tpu.memory_space<vmem>>, vector<1x16xf32>,
        %swap3A_274 = vector.shape_cast %swap3A_273 : vector<1x16xf32> to vector<16xf32>
        %swap3A_275 = vector.shape_cast %mul3A_268 : vector<16xf32> to vector<1x16xf32>
        tpu.vector_store %arg8[%swap3A_271, %swap3A_272], %swap3A_275 {strides = array<i32>} : memref<256x64xf32, #tpu.memory_space<vmem>>, vector<1x16xf32>,
        %add3A_276 = arith.constant 0 : i32
        %add3A_277 = arith.addi %mul3A_229, %add3A_276 : i32
        %get3A_278 = arith.index_cast %add3A_277 : i32 to index
        %get3A_279 = arith.constant 48 : index
        %get3A_280 = tpu.vector_load %arg8[%get3A_278, %get3A_279] {strides = array<i32>} : memref<256x64xf32, #tpu.memory_space<vmem>>, vector<1x16xf32>,
        %get3A_281 = vector.shape_cast %get3A_280 : vector<1x16xf32> to vector<16xf32>
        %mul3A_282 = arith.constant 8.000000e+00 : f32
        %mul3A_283 = vector.broadcast %mul3A_282 : f32 to vector<16xf32>
        %mul3A_284 = arith.mulf %get3A_281, %mul3A_283 : vector<16xf32>
        %add3A_285 = arith.constant 0 : i32
        %add3A_286 = arith.addi %mul3A_229, %add3A_285 : i32
        %swap3A_287 = arith.index_cast %add3A_286 : i32 to index
        %swap3A_288 = arith.constant 48 : index
        %swap3A_289 = tpu.vector_load %arg8[%swap3A_287, %swap3A_288] {strides = array<i32>} : memref<256x64xf32, #tpu.memory_space<vmem>>, vector<1x16xf32>,
        %swap3A_290 = vector.shape_cast %swap3A_289 : vector<1x16xf32> to vector<16xf32>
        %swap3A_291 = vector.shape_cast %mul3A_284 : vector<16xf32> to vector<1x16xf32>
        tpu.vector_store %arg8[%swap3A_287, %swap3A_288], %swap3A_291 {strides = array<i32>} : memref<256x64xf32, #tpu.memory_space<vmem>>, vector<1x16xf32>,
        %add3A_292 = arith.constant 1 : i32
        %add3A_293 = arith.addi %mul3A_229, %add3A_292 : i32
        %get3A_294 = arith.index_cast %add3A_293 : i32 to index
        %get3A_295 = arith.constant 0 : index
        %get3A_296 = tpu.vector_load %arg8[%get3A_294, %get3A_295] {strides = array<i32>} : memref<256x64xf32, #tpu.memory_space<vmem>>, vector<1x16xf32>,
        %get3A_297 = vector.shape_cast %get3A_296 : vector<1x16xf32> to vector<16xf32>
        %mul3A_298 = arith.constant 8.000000e+00 : f32
        %mul3A_299 = vector.broadcast %mul3A_298 : f32 to vector<16xf32>
        %mul3A_300 = arith.mulf %get3A_297, %mul3A_299 : vector<16xf32>
        %add3A_301 = arith.constant 1 : i32
        %add3A_302 = arith.addi %mul3A_229, %add3A_301 : i32
        %swap3A_303 = arith.index_cast %add3A_302 : i32 to index
        %swap3A_304 = arith.constant 0 : index
        %swap3A_305 = tpu.vector_load %arg8[%swap3A_303, %swap3A_304] {strides = array<i32>} : memref<256x64xf32, #tpu.memory_space<vmem>>, vector<1x16xf32>,
        %swap3A_306 = vector.shape_cast %swap3A_305 : vector<1x16xf32> to vector<16xf32>
        %swap3A_307 = vector.shape_cast %mul3A_300 : vector<16xf32> to vector<1x16xf32>
        tpu.vector_store %arg8[%swap3A_303, %swap3A_304], %swap3A_307 {strides = array<i32>} : memref<256x64xf32, #tpu.memory_space<vmem>>, vector<1x16xf32>,
        %add3A_308 = arith.constant 1 : i32
        %add3A_309 = arith.addi %mul3A_229, %add3A_308 : i32
        %get3A_310 = arith.index_cast %add3A_309 : i32 to index
        %get3A_311 = arith.constant 16 : index
        %get3A_312 = tpu.vector_load %arg8[%get3A_310, %get3A_311] {strides = array<i32>} : memref<256x64xf32, #tpu.memory_space<vmem>>, vector<1x16xf32>,
        %get3A_313 = vector.shape_cast %get3A_312 : vector<1x16xf32> to vector<16xf32>
        %mul3A_314 = arith.constant 8.000000e+00 : f32
        %mul3A_315 = vector.broadcast %mul3A_314 : f32 to vector<16xf32>
        %mul3A_316 = arith.mulf %get3A_313, %mul3A_315 : vector<16xf32>
        %add3A_317 = arith.constant 1 : i32
        %add3A_318 = arith.addi %mul3A_229, %add3A_317 : i32
        %swap3A_319 = arith.index_cast %add3A_318 : i32 to index
        %swap3A_320 = arith.constant 16 : index
        %swap3A_321 = tpu.vector_load %arg8[%swap3A_319, %swap3A_320] {strides = array<i32>} : memref<256x64xf32, #tpu.memory_space<vmem>>, vector<1x16xf32>,
        %swap3A_322 = vector.shape_cast %swap3A_321 : vector<1x16xf32> to vector<16xf32>
        %swap3A_323 = vector.shape_cast %mul3A_316 : vector<16xf32> to vector<1x16xf32>
        tpu.vector_store %arg8[%swap3A_319, %swap3A_320], %swap3A_323 {strides = array<i32>} : memref<256x64xf32, #tpu.memory_space<vmem>>, vector<1x16xf32>,
        %add3A_324 = arith.constant 1 : i32
        %add3A_325 = arith.addi %mul3A_229, %add3A_324 : i32
        %get3A_326 = arith.index_cast %add3A_325 : i32 to index
        %get3A_327 = arith.constant 32 : index
        %get3A_328 = tpu.vector_load %arg8[%get3A_326, %get3A_327] {strides = array<i32>} : memref<256x64xf32, #tpu.memory_space<vmem>>, vector<1x16xf32>,
        %get3A_329 = vector.shape_cast %get3A_328 : vector<1x16xf32> to vector<16xf32>
        %mul3A_330 = arith.constant 8.000000e+00 : f32
        %mul3A_331 = vector.broadcast %mul3A_330 : f32 to vector<16xf32>
        %mul3A_332 = arith.mulf %get3A_329, %mul3A_331 : vector<16xf32>
        %add3A_333 = arith.constant 1 : i32
        %add3A_334 = arith.addi %mul3A_229, %add3A_333 : i32
        %swap3A_335 = arith.index_cast %add3A_334 : i32 to index
        %swap3A_336 = arith.constant 32 : index
        %swap3A_337 = tpu.vector_load %arg8[%swap3A_335, %swap3A_336] {strides = array<i32>} : memref<256x64xf32, #tpu.memory_space<vmem>>, vector<1x16xf32>,
        %swap3A_338 = vector.shape_cast %swap3A_337 : vector<1x16xf32> to vector<16xf32>
        %swap3A_339 = vector.shape_cast %mul3A_332 : vector<16xf32> to vector<1x16xf32>
        tpu.vector_store %arg8[%swap3A_335, %swap3A_336], %swap3A_339 {strides = array<i32>} : memref<256x64xf32, #tpu.memory_space<vmem>>, vector<1x16xf32>,
        %add3A_340 = arith.constant 1 : i32
        %add3A_341 = arith.addi %mul3A_229, %add3A_340 : i32
        %get3A_342 = arith.index_cast %add3A_341 : i32 to index
        %get3A_343 = arith.constant 48 : index
        %get3A_344 = tpu.vector_load %arg8[%get3A_342, %get3A_343] {strides = array<i32>} : memref<256x64xf32, #tpu.memory_space<vmem>>, vector<1x16xf32>,
        %get3A_345 = vector.shape_cast %get3A_344 : vector<1x16xf32> to vector<16xf32>
        %mul3A_346 = arith.constant 8.000000e+00 : f32
        %mul3A_347 = vector.broadcast %mul3A_346 : f32 to vector<16xf32>
        %mul3A_348 = arith.mulf %get3A_345, %mul3A_347 : vector<16xf32>
        %add3A_349 = arith.constant 1 : i32
        %add3A_350 = arith.addi %mul3A_229, %add3A_349 : i32
        %swap3A_351 = arith.index_cast %add3A_350 : i32 to index
        %swap3A_352 = arith.constant 48 : index
        %swap3A_353 = tpu.vector_load %arg8[%swap3A_351, %swap3A_352] {strides = array<i32>} : memref<256x64xf32, #tpu.memory_space<vmem>>, vector<1x16xf32>,
        %swap3A_354 = vector.shape_cast %swap3A_353 : vector<1x16xf32> to vector<16xf32>
        %swap3A_355 = vector.shape_cast %mul3A_348 : vector<16xf32> to vector<1x16xf32>
        tpu.vector_store %arg8[%swap3A_351, %swap3A_352], %swap3A_355 {strides = array<i32>} : memref<256x64xf32, #tpu.memory_space<vmem>>, vector<1x16xf32>,
        %add3A_356 = arith.constant 2 : i32
        %add3A_357 = arith.addi %mul3A_229, %add3A_356 : i32
        %get3A_358 = arith.index_cast %add3A_357 : i32 to index
        %get3A_359 = arith.constant 0 : index
        %get3A_360 = tpu.vector_load %arg8[%get3A_358, %get3A_359] {strides = array<i32>} : memref<256x64xf32, #tpu.memory_space<vmem>>, vector<1x16xf32>,
        %get3A_361 = vector.shape_cast %get3A_360 : vector<1x16xf32> to vector<16xf32>
        %mul3A_362 = arith.constant 8.000000e+00 : f32
        %mul3A_363 = vector.broadcast %mul3A_362 : f32 to vector<16xf32>
        %mul3A_364 = arith.mulf %get3A_361, %mul3A_363 : vector<16xf32>
        %add3A_365 = arith.constant 2 : i32
        %add3A_366 = arith.addi %mul3A_229, %add3A_365 : i32
        %swap3A_367 = arith.index_cast %add3A_366 : i32 to index
        %swap3A_368 = arith.constant 0 : index
        %swap3A_369 = tpu.vector_load %arg8[%swap3A_367, %swap3A_368] {strides = array<i32>} : memref<256x64xf32, #tpu.memory_space<vmem>>, vector<1x16xf32>,
        %swap3A_370 = vector.shape_cast %swap3A_369 : vector<1x16xf32> to vector<16xf32>
        %swap3A_371 = vector.shape_cast %mul3A_364 : vector<16xf32> to vector<1x16xf32>
        tpu.vector_store %arg8[%swap3A_367, %swap3A_368], %swap3A_371 {strides = array<i32>} : memref<256x64xf32, #tpu.memory_space<vmem>>, vector<1x16xf32>,
        %add3A_372 = arith.constant 2 : i32
        %add3A_373 = arith.addi %mul3A_229, %add3A_372 : i32
        %get3A_374 = arith.index_cast %add3A_373 : i32 to index
        %get3A_375 = arith.constant 16 : index
        %get3A_376 = tpu.vector_load %arg8[%get3A_374, %get3A_375] {strides = array<i32>} : memref<256x64xf32, #tpu.memory_space<vmem>>, vector<1x16xf32>,
        %get3A_377 = vector.shape_cast %get3A_376 : vector<1x16xf32> to vector<16xf32>
        %mul3A_378 = arith.constant 8.000000e+00 : f32
        %mul3A_379 = vector.broadcast %mul3A_378 : f32 to vector<16xf32>
        %mul3A_380 = arith.mulf %get3A_377, %mul3A_379 : vector<16xf32>
        %add3A_381 = arith.constant 2 : i32
        %add3A_382 = arith.addi %mul3A_229, %add3A_381 : i32
        %swap3A_383 = arith.index_cast %add3A_382 : i32 to index
        %swap3A_384 = arith.constant 16 : index
        %swap3A_385 = tpu.vector_load %arg8[%swap3A_383, %swap3A_384] {strides = array<i32>} : memref<256x64xf32, #tpu.memory_space<vmem>>, vector<1x16xf32>,
        %swap3A_386 = vector.shape_cast %swap3A_385 : vector<1x16xf32> to vector<16xf32>
        %swap3A_387 = vector.shape_cast %mul3A_380 : vector<16xf32> to vector<1x16xf32>
        tpu.vector_store %arg8[%swap3A_383, %swap3A_384], %swap3A_387 {strides = array<i32>} : memref<256x64xf32, #tpu.memory_space<vmem>>, vector<1x16xf32>,
        %add3A_388 = arith.constant 2 : i32
        %add3A_389 = arith.addi %mul3A_229, %add3A_388 : i32
        %get3A_390 = arith.index_cast %add3A_389 : i32 to index
        %get3A_391 = arith.constant 32 : index
        %get3A_392 = tpu.vector_load %arg8[%get3A_390, %get3A_391] {strides = array<i32>} : memref<256x64xf32, #tpu.memory_space<vmem>>, vector<1x16xf32>,
        %get3A_393 = vector.shape_cast %get3A_392 : vector<1x16xf32> to vector<16xf32>
        %mul3A_394 = arith.constant 8.000000e+00 : f32
        %mul3A_395 = vector.broadcast %mul3A_394 : f32 to vector<16xf32>
        %mul3A_396 = arith.mulf %get3A_393, %mul3A_395 : vector<16xf32>
        %add3A_397 = arith.constant 2 : i32
        %add3A_398 = arith.addi %mul3A_229, %add3A_397 : i32
        %swap3A_399 = arith.index_cast %add3A_398 : i32 to index
        %swap3A_400 = arith.constant 32 : index
        %swap3A_401 = tpu.vector_load %arg8[%swap3A_399, %swap3A_400] {strides = array<i32>} : memref<256x64xf32, #tpu.memory_space<vmem>>, vector<1x16xf32>,
        %swap3A_402 = vector.shape_cast %swap3A_401 : vector<1x16xf32> to vector<16xf32>
        %swap3A_403 = vector.shape_cast %mul3A_396 : vector<16xf32> to vector<1x16xf32>
        tpu.vector_store %arg8[%swap3A_399, %swap3A_400], %swap3A_403 {strides = array<i32>} : memref<256x64xf32, #tpu.memory_space<vmem>>, vector<1x16xf32>,
        %add3A_404 = arith.constant 2 : i32
        %add3A_405 = arith.addi %mul3A_229, %add3A_404 : i32
        %get3A_406 = arith.index_cast %add3A_405 : i32 to index
        %get3A_407 = arith.constant 48 : index
        %get3A_408 = tpu.vector_load %arg8[%get3A_406, %get3A_407] {strides = array<i32>} : memref<256x64xf32, #tpu.memory_space<vmem>>, vector<1x16xf32>,
        %get3A_409 = vector.shape_cast %get3A_408 : vector<1x16xf32> to vector<16xf32>
        %mul3A_410 = arith.constant 8.000000e+00 : f32
        %mul3A_411 = vector.broadcast %mul3A_410 : f32 to vector<16xf32>
        %mul3A_412 = arith.mulf %get3A_409, %mul3A_411 : vector<16xf32>
        %add3A_413 = arith.constant 2 : i32
        %add3A_414 = arith.addi %mul3A_229, %add3A_413 : i32
        %swap3A_415 = arith.index_cast %add3A_414 : i32 to index
        %swap3A_416 = arith.constant 48 : index
        %swap3A_417 = tpu.vector_load %arg8[%swap3A_415, %swap3A_416] {strides = array<i32>} : memref<256x64xf32, #tpu.memory_space<vmem>>, vector<1x16xf32>,
        %swap3A_418 = vector.shape_cast %swap3A_417 : vector<1x16xf32> to vector<16xf32>
        %swap3A_419 = vector.shape_cast %mul3A_412 : vector<16xf32> to vector<1x16xf32>
        tpu.vector_store %arg8[%swap3A_415, %swap3A_416], %swap3A_419 {strides = array<i32>} : memref<256x64xf32, #tpu.memory_space<vmem>>, vector<1x16xf32>,
        %add3A_420 = arith.constant 3 : i32
        %add3A_421 = arith.addi %mul3A_229, %add3A_420 : i32
        %get3A_422 = arith.index_cast %add3A_421 : i32 to index
        %get3A_423 = arith.constant 0 : index
        %get3A_424 = tpu.vector_load %arg8[%get3A_422, %get3A_423] {strides = array<i32>} : memref<256x64xf32, #tpu.memory_space<vmem>>, vector<1x16xf32>,
        %get3A_425 = vector.shape_cast %get3A_424 : vector<1x16xf32> to vector<16xf32>
        %mul3A_426 = arith.constant 8.000000e+00 : f32
        %mul3A_427 = vector.broadcast %mul3A_426 : f32 to vector<16xf32>
        %mul3A_428 = arith.mulf %get3A_425, %mul3A_427 : vector<16xf32>
        %add3A_429 = arith.constant 3 : i32
        %add3A_430 = arith.addi %mul3A_229, %add3A_429 : i32
        %swap3A_431 = arith.index_cast %add3A_430 : i32 to index
        %swap3A_432 = arith.constant 0 : index
        %swap3A_433 = tpu.vector_load %arg8[%swap3A_431, %swap3A_432] {strides = array<i32>} : memref<256x64xf32, #tpu.memory_space<vmem>>, vector<1x16xf32>,
        %swap3A_434 = vector.shape_cast %swap3A_433 : vector<1x16xf32> to vector<16xf32>
        %swap3A_435 = vector.shape_cast %mul3A_428 : vector<16xf32> to vector<1x16xf32>
        tpu.vector_store %arg8[%swap3A_431, %swap3A_432], %swap3A_435 {strides = array<i32>} : memref<256x64xf32, #tpu.memory_space<vmem>>, vector<1x16xf32>,
        %add3A_436 = arith.constant 3 : i32
        %add3A_437 = arith.addi %mul3A_229, %add3A_436 : i32
        %get3A_438 = arith.index_cast %add3A_437 : i32 to index
        %get3A_439 = arith.constant 16 : index
        %get3A_440 = tpu.vector_load %arg8[%get3A_438, %get3A_439] {strides = array<i32>} : memref<256x64xf32, #tpu.memory_space<vmem>>, vector<1x16xf32>,
        %get3A_441 = vector.shape_cast %get3A_440 : vector<1x16xf32> to vector<16xf32>
        %mul3A_442 = arith.constant 8.000000e+00 : f32
        %mul3A_443 = vector.broadcast %mul3A_442 : f32 to vector<16xf32>
        %mul3A_444 = arith.mulf %get3A_441, %mul3A_443 : vector<16xf32>
        %add3A_445 = arith.constant 3 : i32
        %add3A_446 = arith.addi %mul3A_229, %add3A_445 : i32
        %swap3A_447 = arith.index_cast %add3A_446 : i32 to index
        %swap3A_448 = arith.constant 16 : index
        %swap3A_449 = tpu.vector_load %arg8[%swap3A_447, %swap3A_448] {strides = array<i32>} : memref<256x64xf32, #tpu.memory_space<vmem>>, vector<1x16xf32>,
        %swap3A_450 = vector.shape_cast %swap3A_449 : vector<1x16xf32> to vector<16xf32>
        %swap3A_451 = vector.shape_cast %mul3A_444 : vector<16xf32> to vector<1x16xf32>
        tpu.vector_store %arg8[%swap3A_447, %swap3A_448], %swap3A_451 {strides = array<i32>} : memref<256x64xf32, #tpu.memory_space<vmem>>, vector<1x16xf32>,
        %add3A_452 = arith.constant 3 : i32
        %add3A_453 = arith.addi %mul3A_229, %add3A_452 : i32
        %get3A_454 = arith.index_cast %add3A_453 : i32 to index
        %get3A_455 = arith.constant 32 : index
        %get3A_456 = tpu.vector_load %arg8[%get3A_454, %get3A_455] {strides = array<i32>} : memref<256x64xf32, #tpu.memory_space<vmem>>, vector<1x16xf32>,
        %get3A_457 = vector.shape_cast %get3A_456 : vector<1x16xf32> to vector<16xf32>
        %mul3A_458 = arith.constant 8.000000e+00 : f32
        %mul3A_459 = vector.broadcast %mul3A_458 : f32 to vector<16xf32>
        %mul3A_460 = arith.mulf %get3A_457, %mul3A_459 : vector<16xf32>
        %add3A_461 = arith.constant 3 : i32
        %add3A_462 = arith.addi %mul3A_229, %add3A_461 : i32
        %swap3A_463 = arith.index_cast %add3A_462 : i32 to index
        %swap3A_464 = arith.constant 32 : index
        %swap3A_465 = tpu.vector_load %arg8[%swap3A_463, %swap3A_464] {strides = array<i32>} : memref<256x64xf32, #tpu.memory_space<vmem>>, vector<1x16xf32>,
        %swap3A_466 = vector.shape_cast %swap3A_465 : vector<1x16xf32> to vector<16xf32>
        %swap3A_467 = vector.shape_cast %mul3A_460 : vector<16xf32> to vector<1x16xf32>
        tpu.vector_store %arg8[%swap3A_463, %swap3A_464], %swap3A_467 {strides = array<i32>} : memref<256x64xf32, #tpu.memory_space<vmem>>, vector<1x16xf32>,
        %add3A_468 = arith.constant 3 : i32
        %add3A_469 = arith.addi %mul3A_229, %add3A_468 : i32
        %get3A_470 = arith.index_cast %add3A_469 : i32 to index
        %get3A_471 = arith.constant 48 : index
        %get3A_472 = tpu.vector_load %arg8[%get3A_470, %get3A_471] {strides = array<i32>} : memref<256x64xf32, #tpu.memory_space<vmem>>, vector<1x16xf32>,
        %get3A_473 = vector.shape_cast %get3A_472 : vector<1x16xf32> to vector<16xf32>
        %mul3A_474 = arith.constant 8.000000e+00 : f32
        %mul3A_475 = vector.broadcast %mul3A_474 : f32 to vector<16xf32>
        %mul3A_476 = arith.mulf %get3A_473, %mul3A_475 : vector<16xf32>
        %add3A_477 = arith.constant 3 : i32
        %add3A_478 = arith.addi %mul3A_229, %add3A_477 : i32
        %swap3A_479 = arith.index_cast %add3A_478 : i32 to index
        %swap3A_480 = arith.constant 48 : index
        %swap3A_481 = tpu.vector_load %arg8[%swap3A_479, %swap3A_480] {strides = array<i32>} : memref<256x64xf32, #tpu.memory_space<vmem>>, vector<1x16xf32>,
        %swap3A_482 = vector.shape_cast %swap3A_481 : vector<1x16xf32> to vector<16xf32>
        %swap3A_483 = vector.shape_cast %mul3A_476 : vector<16xf32> to vector<1x16xf32>
        tpu.vector_store %arg8[%swap3A_479, %swap3A_480], %swap3A_483 {strides = array<i32>} : memref<256x64xf32, #tpu.memory_space<vmem>>, vector<1x16xf32>,
        %add3A_484 = arith.constant 4 : i32
        %add3A_485 = arith.addi %mul3A_229, %add3A_484 : i32
        %get3A_486 = arith.index_cast %add3A_485 : i32 to index
        %get3A_487 = arith.constant 0 : index
        %get3A_488 = tpu.vector_load %arg8[%get3A_486, %get3A_487] {strides = array<i32>} : memref<256x64xf32, #tpu.memory_space<vmem>>, vector<1x16xf32>,
        %get3A_489 = vector.shape_cast %get3A_488 : vector<1x16xf32> to vector<16xf32>
        %mul3A_490 = arith.constant 8.000000e+00 : f32
        %mul3A_491 = vector.broadcast %mul3A_490 : f32 to vector<16xf32>
        %mul3A_492 = arith.mulf %get3A_489, %mul3A_491 : vector<16xf32>
        %add3A_493 = arith.constant 4 : i32
        %add3A_494 = arith.addi %mul3A_229, %add3A_493 : i32
        %swap3A_495 = arith.index_cast %add3A_494 : i32 to index
        %swap3A_496 = arith.constant 0 : index
        %swap3A_497 = tpu.vector_load %arg8[%swap3A_495, %swap3A_496] {strides = array<i32>} : memref<256x64xf32, #tpu.memory_space<vmem>>, vector<1x16xf32>,
        %swap3A_498 = vector.shape_cast %swap3A_497 : vector<1x16xf32> to vector<16xf32>
        %swap3A_499 = vector.shape_cast %mul3A_492 : vector<16xf32> to vector<1x16xf32>
        tpu.vector_store %arg8[%swap3A_495, %swap3A_496], %swap3A_499 {strides = array<i32>} : memref<256x64xf32, #tpu.memory_space<vmem>>, vector<1x16xf32>,
        %add3A_500 = arith.constant 4 : i32
        %add3A_501 = arith.addi %mul3A_229, %add3A_500 : i32
        %get3A_502 = arith.index_cast %add3A_501 : i32 to index
        %get3A_503 = arith.constant 16 : index
        %get3A_504 = tpu.vector_load %arg8[%get3A_502, %get3A_503] {strides = array<i32>} : memref<256x64xf32, #tpu.memory_space<vmem>>, vector<1x16xf32>,
        %get3A_505 = vector.shape_cast %get3A_504 : vector<1x16xf32> to vector<16xf32>
        %mul3A_506 = arith.constant 8.000000e+00 : f32
        %mul3A_507 = vector.broadcast %mul3A_506 : f32 to vector<16xf32>
        %mul3A_508 = arith.mulf %get3A_505, %mul3A_507 : vector<16xf32>
        %add3A_509 = arith.constant 4 : i32
        %add3A_510 = arith.addi %mul3A_229, %add3A_509 : i32
        %swap3A_511 = arith.index_cast %add3A_510 : i32 to index
        %swap3A_512 = arith.constant 16 : index
        %swap3A_513 = tpu.vector_load %arg8[%swap3A_511, %swap3A_512] {strides = array<i32>} : memref<256x64xf32, #tpu.memory_space<vmem>>, vector<1x16xf32>,
        %swap3A_514 = vector.shape_cast %swap3A_513 : vector<1x16xf32> to vector<16xf32>
        %swap3A_515 = vector.shape_cast %mul3A_508 : vector<16xf32> to vector<1x16xf32>
        tpu.vector_store %arg8[%swap3A_511, %swap3A_512], %swap3A_515 {strides = array<i32>} : memref<256x64xf32, #tpu.memory_space<vmem>>, vector<1x16xf32>,
        %add3A_516 = arith.constant 4 : i32
        %add3A_517 = arith.addi %mul3A_229, %add3A_516 : i32
        %get3A_518 = arith.index_cast %add3A_517 : i32 to index
        %get3A_519 = arith.constant 32 : index
        %get3A_520 = tpu.vector_load %arg8[%get3A_518, %get3A_519] {strides = array<i32>} : memref<256x64xf32, #tpu.memory_space<vmem>>, vector<1x16xf32>,
        %get3A_521 = vector.shape_cast %get3A_520 : vector<1x16xf32> to vector<16xf32>
        %mul3A_522 = arith.constant 8.000000e+00 : f32
        %mul3A_523 = vector.broadcast %mul3A_522 : f32 to vector<16xf32>
        %mul3A_524 = arith.mulf %get3A_521, %mul3A_523 : vector<16xf32>
        %add3A_525 = arith.constant 4 : i32
        %add3A_526 = arith.addi %mul3A_229, %add3A_525 : i32
        %swap3A_527 = arith.index_cast %add3A_526 : i32 to index
        %swap3A_528 = arith.constant 32 : index
        %swap3A_529 = tpu.vector_load %arg8[%swap3A_527, %swap3A_528] {strides = array<i32>} : memref<256x64xf32, #tpu.memory_space<vmem>>, vector<1x16xf32>,
        %swap3A_530 = vector.shape_cast %swap3A_529 : vector<1x16xf32> to vector<16xf32>
        %swap3A_531 = vector.shape_cast %mul3A_524 : vector<16xf32> to vector<1x16xf32>
        tpu.vector_store %arg8[%swap3A_527, %swap3A_528], %swap3A_531 {strides = array<i32>} : memref<256x64xf32, #tpu.memory_space<vmem>>, vector<1x16xf32>,
        %add3A_532 = arith.constant 4 : i32
        %add3A_533 = arith.addi %mul3A_229, %add3A_532 : i32
        %get3A_534 = arith.index_cast %add3A_533 : i32 to index
        %get3A_535 = arith.constant 48 : index
        %get3A_536 = tpu.vector_load %arg8[%get3A_534, %get3A_535] {strides = array<i32>} : memref<256x64xf32, #tpu.memory_space<vmem>>, vector<1x16xf32>,
        %get3A_537 = vector.shape_cast %get3A_536 : vector<1x16xf32> to vector<16xf32>
        %mul3A_538 = arith.constant 8.000000e+00 : f32
        %mul3A_539 = vector.broadcast %mul3A_538 : f32 to vector<16xf32>
        %mul3A_540 = arith.mulf %get3A_537, %mul3A_539 : vector<16xf32>
        %add3A_541 = arith.constant 4 : i32
        %add3A_542 = arith.addi %mul3A_229, %add3A_541 : i32
        %swap3A_543 = arith.index_cast %add3A_542 : i32 to index
        %swap3A_544 = arith.constant 48 : index
        %swap3A_545 = tpu.vector_load %arg8[%swap3A_543, %swap3A_544] {strides = array<i32>} : memref<256x64xf32, #tpu.memory_space<vmem>>, vector<1x16xf32>,
        %swap3A_546 = vector.shape_cast %swap3A_545 : vector<1x16xf32> to vector<16xf32>
        %swap3A_547 = vector.shape_cast %mul3A_540 : vector<16xf32> to vector<1x16xf32>
        tpu.vector_store %arg8[%swap3A_543, %swap3A_544], %swap3A_547 {strides = array<i32>} : memref<256x64xf32, #tpu.memory_space<vmem>>, vector<1x16xf32>,
        %add3A_548 = arith.constant 5 : i32
        %add3A_549 = arith.addi %mul3A_229, %add3A_548 : i32
        %get3A_550 = arith.index_cast %add3A_549 : i32 to index
        %get3A_551 = arith.constant 0 : index
        %get3A_552 = tpu.vector_load %arg8[%get3A_550, %get3A_551] {strides = array<i32>} : memref<256x64xf32, #tpu.memory_space<vmem>>, vector<1x16xf32>,
        %get3A_553 = vector.shape_cast %get3A_552 : vector<1x16xf32> to vector<16xf32>
        %mul3A_554 = arith.constant 8.000000e+00 : f32
        %mul3A_555 = vector.broadcast %mul3A_554 : f32 to vector<16xf32>
        %mul3A_556 = arith.mulf %get3A_553, %mul3A_555 : vector<16xf32>
        %add3A_557 = arith.constant 5 : i32
        %add3A_558 = arith.addi %mul3A_229, %add3A_557 : i32
        %swap3A_559 = arith.index_cast %add3A_558 : i32 to index
        %swap3A_560 = arith.constant 0 : index
        %swap3A_561 = tpu.vector_load %arg8[%swap3A_559, %swap3A_560] {strides = array<i32>} : memref<256x64xf32, #tpu.memory_space<vmem>>, vector<1x16xf32>,
        %swap3A_562 = vector.shape_cast %swap3A_561 : vector<1x16xf32> to vector<16xf32>
        %swap3A_563 = vector.shape_cast %mul3A_556 : vector<16xf32> to vector<1x16xf32>
        tpu.vector_store %arg8[%swap3A_559, %swap3A_560], %swap3A_563 {strides = array<i32>} : memref<256x64xf32, #tpu.memory_space<vmem>>, vector<1x16xf32>,
        %add3A_564 = arith.constant 5 : i32
        %add3A_565 = arith.addi %mul3A_229, %add3A_564 : i32
        %get3A_566 = arith.index_cast %add3A_565 : i32 to index
        %get3A_567 = arith.constant 16 : index
        %get3A_568 = tpu.vector_load %arg8[%get3A_566, %get3A_567] {strides = array<i32>} : memref<256x64xf32, #tpu.memory_space<vmem>>, vector<1x16xf32>,
        %get3A_569 = vector.shape_cast %get3A_568 : vector<1x16xf32> to vector<16xf32>
        %mul3A_570 = arith.constant 8.000000e+00 : f32
        %mul3A_571 = vector.broadcast %mul3A_570 : f32 to vector<16xf32>
        %mul3A_572 = arith.mulf %get3A_569, %mul3A_571 : vector<16xf32>
        %add3A_573 = arith.constant 5 : i32
        %add3A_574 = arith.addi %mul3A_229, %add3A_573 : i32
        %swap3A_575 = arith.index_cast %add3A_574 : i32 to index
        %swap3A_576 = arith.constant 16 : index
        %swap3A_577 = tpu.vector_load %arg8[%swap3A_575, %swap3A_576] {strides = array<i32>} : memref<256x64xf32, #tpu.memory_space<vmem>>, vector<1x16xf32>,
        %swap3A_578 = vector.shape_cast %swap3A_577 : vector<1x16xf32> to vector<16xf32>
        %swap3A_579 = vector.shape_cast %mul3A_572 : vector<16xf32> to vector<1x16xf32>
        tpu.vector_store %arg8[%swap3A_575, %swap3A_576], %swap3A_579 {strides = array<i32>} : memref<256x64xf32, #tpu.memory_space<vmem>>, vector<1x16xf32>,
        %add3A_580 = arith.constant 5 : i32
        %add3A_581 = arith.addi %mul3A_229, %add3A_580 : i32
        %get3A_582 = arith.index_cast %add3A_581 : i32 to index
        %get3A_583 = arith.constant 32 : index
        %get3A_584 = tpu.vector_load %arg8[%get3A_582, %get3A_583] {strides = array<i32>} : memref<256x64xf32, #tpu.memory_space<vmem>>, vector<1x16xf32>,
        %get3A_585 = vector.shape_cast %get3A_584 : vector<1x16xf32> to vector<16xf32>
        %mul3A_586 = arith.constant 8.000000e+00 : f32
        %mul3A_587 = vector.broadcast %mul3A_586 : f32 to vector<16xf32>
        %mul3A_588 = arith.mulf %get3A_585, %mul3A_587 : vector<16xf32>
        %add3A_589 = arith.constant 5 : i32
        %add3A_590 = arith.addi %mul3A_229, %add3A_589 : i32
        %swap3A_591 = arith.index_cast %add3A_590 : i32 to index
        %swap3A_592 = arith.constant 32 : index
        %swap3A_593 = tpu.vector_load %arg8[%swap3A_591, %swap3A_592] {strides = array<i32>} : memref<256x64xf32, #tpu.memory_space<vmem>>, vector<1x16xf32>,
        %swap3A_594 = vector.shape_cast %swap3A_593 : vector<1x16xf32> to vector<16xf32>
        %swap3A_595 = vector.shape_cast %mul3A_588 : vector<16xf32> to vector<1x16xf32>
        tpu.vector_store %arg8[%swap3A_591, %swap3A_592], %swap3A_595 {strides = array<i32>} : memref<256x64xf32, #tpu.memory_space<vmem>>, vector<1x16xf32>,
        %add3A_596 = arith.constant 5 : i32
        %add3A_597 = arith.addi %mul3A_229, %add3A_596 : i32
        %get3A_598 = arith.index_cast %add3A_597 : i32 to index
        %get3A_599 = arith.constant 48 : index
        %get3A_600 = tpu.vector_load %arg8[%get3A_598, %get3A_599] {strides = array<i32>} : memref<256x64xf32, #tpu.memory_space<vmem>>, vector<1x16xf32>,
        %get3A_601 = vector.shape_cast %get3A_600 : vector<1x16xf32> to vector<16xf32>
        %mul3A_602 = arith.constant 8.000000e+00 : f32
        %mul3A_603 = vector.broadcast %mul3A_602 : f32 to vector<16xf32>
        %mul3A_604 = arith.mulf %get3A_601, %mul3A_603 : vector<16xf32>
        %add3A_605 = arith.constant 5 : i32
        %add3A_606 = arith.addi %mul3A_229, %add3A_605 : i32
        %swap3A_607 = arith.index_cast %add3A_606 : i32 to index
        %swap3A_608 = arith.constant 48 : index
        %swap3A_609 = tpu.vector_load %arg8[%swap3A_607, %swap3A_608] {strides = array<i32>} : memref<256x64xf32, #tpu.memory_space<vmem>>, vector<1x16xf32>,
        %swap3A_610 = vector.shape_cast %swap3A_609 : vector<1x16xf32> to vector<16xf32>
        %swap3A_611 = vector.shape_cast %mul3A_604 : vector<16xf32> to vector<1x16xf32>
        tpu.vector_store %arg8[%swap3A_607, %swap3A_608], %swap3A_611 {strides = array<i32>} : memref<256x64xf32, #tpu.memory_space<vmem>>, vector<1x16xf32>,
        %add3A_612 = arith.constant 6 : i32
        %add3A_613 = arith.addi %mul3A_229, %add3A_612 : i32
        %get3A_614 = arith.index_cast %add3A_613 : i32 to index
        %get3A_615 = arith.constant 0 : index
        %get3A_616 = tpu.vector_load %arg8[%get3A_614, %get3A_615] {strides = array<i32>} : memref<256x64xf32, #tpu.memory_space<vmem>>, vector<1x16xf32>,
        %get3A_617 = vector.shape_cast %get3A_616 : vector<1x16xf32> to vector<16xf32>
        %mul3A_618 = arith.constant 8.000000e+00 : f32
        %mul3A_619 = vector.broadcast %mul3A_618 : f32 to vector<16xf32>
        %mul3A_620 = arith.mulf %get3A_617, %mul3A_619 : vector<16xf32>
        %add3A_621 = arith.constant 6 : i32
        %add3A_622 = arith.addi %mul3A_229, %add3A_621 : i32
        %swap3A_623 = arith.index_cast %add3A_622 : i32 to index
        %swap3A_624 = arith.constant 0 : index
        %swap3A_625 = tpu.vector_load %arg8[%swap3A_623, %swap3A_624] {strides = array<i32>} : memref<256x64xf32, #tpu.memory_space<vmem>>, vector<1x16xf32>,
        %swap3A_626 = vector.shape_cast %swap3A_625 : vector<1x16xf32> to vector<16xf32>
        %swap3A_627 = vector.shape_cast %mul3A_620 : vector<16xf32> to vector<1x16xf32>
        tpu.vector_store %arg8[%swap3A_623, %swap3A_624], %swap3A_627 {strides = array<i32>} : memref<256x64xf32, #tpu.memory_space<vmem>>, vector<1x16xf32>,
        %add3A_628 = arith.constant 6 : i32
        %add3A_629 = arith.addi %mul3A_229, %add3A_628 : i32
        %get3A_630 = arith.index_cast %add3A_629 : i32 to index
        %get3A_631 = arith.constant 16 : index
        %get3A_632 = tpu.vector_load %arg8[%get3A_630, %get3A_631] {strides = array<i32>} : memref<256x64xf32, #tpu.memory_space<vmem>>, vector<1x16xf32>,
        %get3A_633 = vector.shape_cast %get3A_632 : vector<1x16xf32> to vector<16xf32>
        %mul3A_634 = arith.constant 8.000000e+00 : f32
        %mul3A_635 = vector.broadcast %mul3A_634 : f32 to vector<16xf32>
        %mul3A_636 = arith.mulf %get3A_633, %mul3A_635 : vector<16xf32>
        %add3A_637 = arith.constant 6 : i32
        %add3A_638 = arith.addi %mul3A_229, %add3A_637 : i32
        %swap3A_639 = arith.index_cast %add3A_638 : i32 to index
        %swap3A_640 = arith.constant 16 : index
        %swap3A_641 = tpu.vector_load %arg8[%swap3A_639, %swap3A_640] {strides = array<i32>} : memref<256x64xf32, #tpu.memory_space<vmem>>, vector<1x16xf32>,
        %swap3A_642 = vector.shape_cast %swap3A_641 : vector<1x16xf32> to vector<16xf32>
        %swap3A_643 = vector.shape_cast %mul3A_636 : vector<16xf32> to vector<1x16xf32>
        tpu.vector_store %arg8[%swap3A_639, %swap3A_640], %swap3A_643 {strides = array<i32>} : memref<256x64xf32, #tpu.memory_space<vmem>>, vector<1x16xf32>,
        %add3A_644 = arith.constant 6 : i32
        %add3A_645 = arith.addi %mul3A_229, %add3A_644 : i32
        %get3A_646 = arith.index_cast %add3A_645 : i32 to index
        %get3A_647 = arith.constant 32 : index
        %get3A_648 = tpu.vector_load %arg8[%get3A_646, %get3A_647] {strides = array<i32>} : memref<256x64xf32, #tpu.memory_space<vmem>>, vector<1x16xf32>,
        %get3A_649 = vector.shape_cast %get3A_648 : vector<1x16xf32> to vector<16xf32>
        %mul3A_650 = arith.constant 8.000000e+00 : f32
        %mul3A_651 = vector.broadcast %mul3A_650 : f32 to vector<16xf32>
        %mul3A_652 = arith.mulf %get3A_649, %mul3A_651 : vector<16xf32>
        %add3A_653 = arith.constant 6 : i32
        %add3A_654 = arith.addi %mul3A_229, %add3A_653 : i32
        %swap3A_655 = arith.index_cast %add3A_654 : i32 to index
        %swap3A_656 = arith.constant 32 : index
        %swap3A_657 = tpu.vector_load %arg8[%swap3A_655, %swap3A_656] {strides = array<i32>} : memref<256x64xf32, #tpu.memory_space<vmem>>, vector<1x16xf32>,
        %swap3A_658 = vector.shape_cast %swap3A_657 : vector<1x16xf32> to vector<16xf32>
        %swap3A_659 = vector.shape_cast %mul3A_652 : vector<16xf32> to vector<1x16xf32>
        tpu.vector_store %arg8[%swap3A_655, %swap3A_656], %swap3A_659 {strides = array<i32>} : memref<256x64xf32, #tpu.memory_space<vmem>>, vector<1x16xf32>,
        %add3A_660 = arith.constant 6 : i32
        %add3A_661 = arith.addi %mul3A_229, %add3A_660 : i32
        %get3A_662 = arith.index_cast %add3A_661 : i32 to index
        %get3A_663 = arith.constant 48 : index
        %get3A_664 = tpu.vector_load %arg8[%get3A_662, %get3A_663] {strides = array<i32>} : memref<256x64xf32, #tpu.memory_space<vmem>>, vector<1x16xf32>,
        %get3A_665 = vector.shape_cast %get3A_664 : vector<1x16xf32> to vector<16xf32>
        %mul3A_666 = arith.constant 8.000000e+00 : f32
        %mul3A_667 = vector.broadcast %mul3A_666 : f32 to vector<16xf32>
        %mul3A_668 = arith.mulf %get3A_665, %mul3A_667 : vector<16xf32>
        %add3A_669 = arith.constant 6 : i32
        %add3A_670 = arith.addi %mul3A_229, %add3A_669 : i32
        %swap3A_671 = arith.index_cast %add3A_670 : i32 to index
        %swap3A_672 = arith.constant 48 : index
        %swap3A_673 = tpu.vector_load %arg8[%swap3A_671, %swap3A_672] {strides = array<i32>} : memref<256x64xf32, #tpu.memory_space<vmem>>, vector<1x16xf32>,
        %swap3A_674 = vector.shape_cast %swap3A_673 : vector<1x16xf32> to vector<16xf32>
        %swap3A_675 = vector.shape_cast %mul3A_668 : vector<16xf32> to vector<1x16xf32>
        tpu.vector_store %arg8[%swap3A_671, %swap3A_672], %swap3A_675 {strides = array<i32>} : memref<256x64xf32, #tpu.memory_space<vmem>>, vector<1x16xf32>,
        %add3A_676 = arith.constant 7 : i32
        %add3A_677 = arith.addi %mul3A_229, %add3A_676 : i32
        %get3A_678 = arith.index_cast %add3A_677 : i32 to index
        %get3A_679 = arith.constant 0 : index
        %get3A_680 = tpu.vector_load %arg8[%get3A_678, %get3A_679] {strides = array<i32>} : memref<256x64xf32, #tpu.memory_space<vmem>>, vector<1x16xf32>,
        %get3A_681 = vector.shape_cast %get3A_680 : vector<1x16xf32> to vector<16xf32>
        %mul3A_682 = arith.constant 8.000000e+00 : f32
        %mul3A_683 = vector.broadcast %mul3A_682 : f32 to vector<16xf32>
        %mul3A_684 = arith.mulf %get3A_681, %mul3A_683 : vector<16xf32>
        %add3A_685 = arith.constant 7 : i32
        %add3A_686 = arith.addi %mul3A_229, %add3A_685 : i32
        %swap3A_687 = arith.index_cast %add3A_686 : i32 to index
        %swap3A_688 = arith.constant 0 : index
        %swap3A_689 = tpu.vector_load %arg8[%swap3A_687, %swap3A_688] {strides = array<i32>} : memref<256x64xf32, #tpu.memory_space<vmem>>, vector<1x16xf32>,
        %swap3A_690 = vector.shape_cast %swap3A_689 : vector<1x16xf32> to vector<16xf32>
        %swap3A_691 = vector.shape_cast %mul3A_684 : vector<16xf32> to vector<1x16xf32>
        tpu.vector_store %arg8[%swap3A_687, %swap3A_688], %swap3A_691 {strides = array<i32>} : memref<256x64xf32, #tpu.memory_space<vmem>>, vector<1x16xf32>,
        %add3A_692 = arith.constant 7 : i32
        %add3A_693 = arith.addi %mul3A_229, %add3A_692 : i32
        %get3A_694 = arith.index_cast %add3A_693 : i32 to index
        %get3A_695 = arith.constant 16 : index
        %get3A_696 = tpu.vector_load %arg8[%get3A_694, %get3A_695] {strides = array<i32>} : memref<256x64xf32, #tpu.memory_space<vmem>>, vector<1x16xf32>,
        %get3A_697 = vector.shape_cast %get3A_696 : vector<1x16xf32> to vector<16xf32>
        %mul3A_698 = arith.constant 8.000000e+00 : f32
        %mul3A_699 = vector.broadcast %mul3A_698 : f32 to vector<16xf32>
        %mul3A_700 = arith.mulf %get3A_697, %mul3A_699 : vector<16xf32>
        %add3A_701 = arith.constant 7 : i32
        %add3A_702 = arith.addi %mul3A_229, %add3A_701 : i32
        %swap3A_703 = arith.index_cast %add3A_702 : i32 to index
        %swap3A_704 = arith.constant 16 : index
        %swap3A_705 = tpu.vector_load %arg8[%swap3A_703, %swap3A_704] {strides = array<i32>} : memref<256x64xf32, #tpu.memory_space<vmem>>, vector<1x16xf32>,
        %swap3A_706 = vector.shape_cast %swap3A_705 : vector<1x16xf32> to vector<16xf32>
        %swap3A_707 = vector.shape_cast %mul3A_700 : vector<16xf32> to vector<1x16xf32>
        tpu.vector_store %arg8[%swap3A_703, %swap3A_704], %swap3A_707 {strides = array<i32>} : memref<256x64xf32, #tpu.memory_space<vmem>>, vector<1x16xf32>,
        %add3A_708 = arith.constant 7 : i32
        %add3A_709 = arith.addi %mul3A_229, %add3A_708 : i32
        %get3A_710 = arith.index_cast %add3A_709 : i32 to index
        %get3A_711 = arith.constant 32 : index
        %get3A_712 = tpu.vector_load %arg8[%get3A_710, %get3A_711] {strides = array<i32>} : memref<256x64xf32, #tpu.memory_space<vmem>>, vector<1x16xf32>,
        %get3A_713 = vector.shape_cast %get3A_712 : vector<1x16xf32> to vector<16xf32>
        %mul3A_714 = arith.constant 8.000000e+00 : f32
        %mul3A_715 = vector.broadcast %mul3A_714 : f32 to vector<16xf32>
        %mul3A_716 = arith.mulf %get3A_713, %mul3A_715 : vector<16xf32>
        %add3A_717 = arith.constant 7 : i32
        %add3A_718 = arith.addi %mul3A_229, %add3A_717 : i32
        %swap3A_719 = arith.index_cast %add3A_718 : i32 to index
        %swap3A_720 = arith.constant 32 : index
        %swap3A_721 = tpu.vector_load %arg8[%swap3A_719, %swap3A_720] {strides = array<i32>} : memref<256x64xf32, #tpu.memory_space<vmem>>, vector<1x16xf32>,
        %swap3A_722 = vector.shape_cast %swap3A_721 : vector<1x16xf32> to vector<16xf32>
        %swap3A_723 = vector.shape_cast %mul3A_716 : vector<16xf32> to vector<1x16xf32>
        tpu.vector_store %arg8[%swap3A_719, %swap3A_720], %swap3A_723 {strides = array<i32>} : memref<256x64xf32, #tpu.memory_space<vmem>>, vector<1x16xf32>,
        %add3A_724 = arith.constant 7 : i32
        %add3A_725 = arith.addi %mul3A_229, %add3A_724 : i32
        %get3A_726 = arith.index_cast %add3A_725 : i32 to index
        %get3A_727 = arith.constant 48 : index
        %get3A_728 = tpu.vector_load %arg8[%get3A_726, %get3A_727] {strides = array<i32>} : memref<256x64xf32, #tpu.memory_space<vmem>>, vector<1x16xf32>,
        %get3A_729 = vector.shape_cast %get3A_728 : vector<1x16xf32> to vector<16xf32>
        %mul3A_730 = arith.constant 8.000000e+00 : f32
        %mul3A_731 = vector.broadcast %mul3A_730 : f32 to vector<16xf32>
        %mul3A_732 = arith.mulf %get3A_729, %mul3A_731 : vector<16xf32>
        %add3A_733 = arith.constant 7 : i32
        %add3A_734 = arith.addi %mul3A_229, %add3A_733 : i32
        %swap3A_735 = arith.index_cast %add3A_734 : i32 to index
        %swap3A_736 = arith.constant 48 : index
        %swap3A_737 = tpu.vector_load %arg8[%swap3A_735, %swap3A_736] {strides = array<i32>} : memref<256x64xf32, #tpu.memory_space<vmem>>, vector<1x16xf32>,
        %swap3A_738 = vector.shape_cast %swap3A_737 : vector<1x16xf32> to vector<16xf32>
        %swap3A_739 = vector.shape_cast %mul3A_732 : vector<16xf32> to vector<1x16xf32>
        tpu.vector_store %arg8[%swap3A_735, %swap3A_736], %swap3A_739 {strides = array<i32>} : memref<256x64xf32, #tpu.memory_space<vmem>>, vector<1x16xf32>,
      }
      %scan3A_181 = arith.constant 32 : i32
      %mul3A_182 = arith.constant 25600 : i32
      %mul3A_183 = arith.muli %add3A, %mul3A_182 : i32
      %mul3A_184 = arith.constant 256 : i32
      %mul3A_185 = arith.muli %add3A_160, %mul3A_184 : i32
      %add3A_186 = arith.addi %mul3A_183, %mul3A_185 : i32
      %multiple_of3A_187 = tpu.assume_multiple %add3A_186, 256 : i32
      %dma_start3A_188 = arith.constant 0 : i32
      %dma_start3A_189 = tpu.memref_slice %arg4[%multiple_of3A_187, %dma_start3A_188] : memref<819200x64xf32, #tpu.memory_space<hbm>> -> memref<256x64xf32, #tpu.memory_space<hbm>>
      %dma_start3A_190 = arith.constant 0 : i32
      %dma_start3A_191 = tpu.memref_slice %arg4[%multiple_of3A_187, %dma_start3A_190] : memref<819200x64xf32, #tpu.memory_space<hbm>> -> memref<256x64xf32, #tpu.memory_space<hbm>>
      tpu.enqueue_dma source(%arg8 : memref<256x64xf32, #tpu.memory_space<vmem>>) target(%dma_start3A_191 : memref<256x64xf32, #tpu.memory_space<hbm>>) target_semaphore(%arg16 : memref<!tpu.dma_semaphore, #tpu.memory_space<semaphore_mem>>)
      %mul3A_192 = arith.constant 4 : i32
      %mul3A_193 = arith.muli %scan3A_90, %mul3A_192 : i32
      %add3A_194 = arith.constant 3 : i32
      %add3A_195 = arith.addi %mul3A_193, %add3A_194 : i32
      %add3A_196 = arith.constant 4 : i32
      %add3A_197 = arith.addi %add3A_195, %add3A_196 : i32
      %sub3A_198 = arith.constant 1 : i32
      %sub3A_199 = arith.subi %add3A_197, %sub3A_198 : i32
      %lt3A_200 = arith.constant 100 : i32
      %lt3A_201 = arith.cmpi slt, %sub3A_199, %lt3A_200 : i32
      %convert_element_type3A_202 = arith.extui %lt3A_201 : i1 to i32
      %cond3A_203 = arith.constant 0 : i32
      %cond3A_204 = arith.cmpi ne, %convert_element_type3A_202, %cond3A_203 : i32
      scf.if %cond3A_204 {
        %dma_wait3A_227 = arith.constant 0 : i32
        %dma_wait3A_228 = arith.constant 0 : i32
        %dma_wait3A_229 = tpu.memref_slice %arg4[%dma_wait3A_227, %dma_wait3A_228] : memref<819200x64xf32, #tpu.memory_space<hbm>> -> memref<256x64xf32, #tpu.memory_space<hbm>>
        %dma_wait3A_230 = arith.constant 0 : i32
        %dma_wait3A_231 = arith.constant 0 : i32
        %dma_wait3A_232 = tpu.memref_slice %arg4[%dma_wait3A_230, %dma_wait3A_231] : memref<819200x64xf32, #tpu.memory_space<hbm>> -> memref<256x64xf32, #tpu.memory_space<hbm>>
        tpu.wait_dma2 semaphore(%arg16 : memref<!tpu.dma_semaphore, #tpu.memory_space<semaphore_mem>>) src(%arg8 : memref<256x64xf32, #tpu.memory_space<vmem>>) dst(%dma_wait3A_232 : memref<256x64xf32, #tpu.memory_space<hbm>>)
        %mul3A_233 = arith.constant 2 : i32
        %mul3A_234 = arith.muli %sub3A_199, %mul3A_233 : i32
        %add3A_235 = arith.constant 0 : i32
        %add3A_236 = arith.addi %mul3A_234, %add3A_235 : i32
        %dma_start3A_237 = arith.constant 0 : i32
        %dma_start3A_238 = arith.constant 0 : i32
        %dma_start3A_239 = tpu.memref_slice %arg8[%dma_start3A_237, %dma_start3A_238] : memref<256x64xf32, #tpu.memory_space<vmem>> -> memref<128x64xf32, #tpu.memory_space<vmem>>
        %dma_start3A_240 = arith.constant 0 : i32
        %dma_start3A_241 = tpu.memref_slice %arg5[%add3A_236, %dma_start3A_240] : memref<200x128xi32, #tpu.memory_space<vmem>> -> memref<1x128xi32, #tpu.memory_space<vmem>>
        %dma_start3A_242 = tpu.memref_squeeze %dma_start3A_241 : memref<1x128xi32, #tpu.memory_space<vmem>> -> memref<128xi32, #tpu.memory_space<vmem>>
        %dma_start3A_243 = arith.constant 0 : i32
        %dma_start3A_244 = arith.constant 0 : i32
        %dma_start3A_245 = tpu.memref_slice %arg3[%dma_start3A_243, %dma_start3A_244] : memref<1000000x64xf32, #tpu.memory_space<hbm>> -> memref<1000000x64xf32, #tpu.memory_space<hbm>>
        tpu.enqueue_indirect_dma source(%dma_start3A_245 : memref<1000000x64xf32, #tpu.memory_space<hbm>>) target(%dma_start3A_239 : memref<128x64xf32, #tpu.memory_space<vmem>>) offsets(%dma_start3A_242 : memref<128xi32, #tpu.memory_space<vmem>>) semaphore(%arg12 : memref<!tpu.dma_semaphore, #tpu.memory_space<semaphore_mem>>)
        %mul3A_246 = arith.constant 2 : i32
        %mul3A_247 = arith.muli %sub3A_199, %mul3A_246 : i32
        %add3A_248 = arith.constant 1 : i32
        %add3A_249 = arith.addi %mul3A_247, %add3A_248 : i32
        %dma_start3A_250 = arith.constant 128 : i32
        %dma_start3A_251 = arith.constant 0 : i32
        %dma_start3A_252 = tpu.memref_slice %arg8[%dma_start3A_250, %dma_start3A_251] : memref<256x64xf32, #tpu.memory_space<vmem>> -> memref<128x64xf32, #tpu.memory_space<vmem>>
        %dma_start3A_253 = arith.constant 0 : i32
        %dma_start3A_254 = tpu.memref_slice %arg5[%add3A_249, %dma_start3A_253] : memref<200x128xi32, #tpu.memory_space<vmem>> -> memref<1x128xi32, #tpu.memory_space<vmem>>
        %dma_start3A_255 = tpu.memref_squeeze %dma_start3A_254 : memref<1x128xi32, #tpu.memory_space<vmem>> -> memref<128xi32, #tpu.memory_space<vmem>>
        %dma_start3A_256 = arith.constant 0 : i32
        %dma_start3A_257 = arith.constant 0 : i32
        %dma_start3A_258 = tpu.memref_slice %arg3[%dma_start3A_256, %dma_start3A_257] : memref<1000000x64xf32, #tpu.memory_space<hbm>> -> memref<1000000x64xf32, #tpu.memory_space<hbm>>
        tpu.enqueue_indirect_dma source(%dma_start3A_258 : memref<1000000x64xf32, #tpu.memory_space<hbm>>) target(%dma_start3A_252 : memref<128x64xf32, #tpu.memory_space<vmem>>) offsets(%dma_start3A_255 : memref<128xi32, #tpu.memory_space<vmem>>) semaphore(%arg12 : memref<!tpu.dma_semaphore, #tpu.memory_space<semaphore_mem>>)
      } else {
      }
      %dma_wait3A_205 = arith.constant 0 : i32
      %dma_wait3A_206 = arith.constant 0 : i32
      %dma_wait3A_207 = tpu.memref_slice %arg4[%dma_wait3A_205, %dma_wait3A_206] : memref<819200x64xf32, #tpu.memory_space<hbm>> -> memref<256x64xf32, #tpu.memory_space<hbm>>
      %dma_wait3A_208 = arith.constant 0 : i32
      %dma_wait3A_209 = arith.constant 0 : i32
      %dma_wait3A_210 = tpu.memref_slice %arg4[%dma_wait3A_208, %dma_wait3A_209] : memref<819200x64xf32, #tpu.memory_space<hbm>> -> memref<256x64xf32, #tpu.memory_space<hbm>>
      tpu.wait_dma2 semaphore(%arg13 : memref<!tpu.dma_semaphore, #tpu.memory_space<semaphore_mem>>) src(%dma_wait3A_210 : memref<256x64xf32, #tpu.memory_space<hbm>>) dst(%arg9 : memref<256x64xf32, #tpu.memory_space<vmem>>)
      %scan3A_211 = arith.constant 0 : i32
      %scan3A_212 = arith.constant 0 : i32
      %scan3A_213 = arith.constant 32 : i32
      %scan3A_214 = arith.addi %scan3A_212, %scan3A_213 : i32
      %scan3A_215 = arith.constant 1 : i32
      scf.for %scan3A_227 = %scan3A_212 to %scan3A_214 step %scan3A_215  : i32 {
        %mul3A_228 = arith.constant 8 : i32
        %mul3A_229 = arith.muli %scan3A_227, %mul3A_228 : i32
        %add3A_230 = arith.constant 0 : i32
        %add3A_231 = arith.addi %mul3A_229, %add3A_230 : i32
        %get3A = arith.index_cast %add3A_231 : i32 to index
        %get3A_232 = arith.constant 0 : index
        %get3A_233 = tpu.vector_load %arg9[%get3A, %get3A_232] {strides = array<i32>} : memref<256x64xf32, #tpu.memory_space<vmem>>, vector<1x16xf32>,
        %get3A_234 = vector.shape_cast %get3A_233 : vector<1x16xf32> to vector<16xf32>
        %mul3A_235 = arith.constant 8.000000e+00 : f32
        %mul3A_236 = vector.broadcast %mul3A_235 : f32 to vector<16xf32>
        %mul3A_237 = arith.mulf %get3A_234, %mul3A_236 : vector<16xf32>
        %add3A_238 = arith.constant 0 : i32
        %add3A_239 = arith.addi %mul3A_229, %add3A_238 : i32
        %swap3A = arith.index_cast %add3A_239 : i32 to index
        %swap3A_240 = arith.constant 0 : index
        %swap3A_241 = tpu.vector_load %arg9[%swap3A, %swap3A_240] {strides = array<i32>} : memref<256x64xf32, #tpu.memory_space<vmem>>, vector<1x16xf32>,
        %swap3A_242 = vector.shape_cast %swap3A_241 : vector<1x16xf32> to vector<16xf32>
        %swap3A_243 = vector.shape_cast %mul3A_237 : vector<16xf32> to vector<1x16xf32>
        tpu.vector_store %arg9[%swap3A, %swap3A_240], %swap3A_243 {strides = array<i32>} : memref<256x64xf32, #tpu.memory_space<vmem>>, vector<1x16xf32>,
        %add3A_244 = arith.constant 0 : i32
        %add3A_245 = arith.addi %mul3A_229, %add3A_244 : i32
        %get3A_246 = arith.index_cast %add3A_245 : i32 to index
        %get3A_247 = arith.constant 16 : index
        %get3A_248 = tpu.vector_load %arg9[%get3A_246, %get3A_247] {strides = array<i32>} : memref<256x64xf32, #tpu.memory_space<vmem>>, vector<1x16xf32>,
        %get3A_249 = vector.shape_cast %get3A_248 : vector<1x16xf32> to vector<16xf32>
        %mul3A_250 = arith.constant 8.000000e+00 : f32
        %mul3A_251 = vector.broadcast %mul3A_250 : f32 to vector<16xf32>
        %mul3A_252 = arith.mulf %get3A_249, %mul3A_251 : vector<16xf32>
        %add3A_253 = arith.constant 0 : i32
        %add3A_254 = arith.addi %mul3A_229, %add3A_253 : i32
        %swap3A_255 = arith.index_cast %add3A_254 : i32 to index
        %swap3A_256 = arith.constant 16 : index
        %swap3A_257 = tpu.vector_load %arg9[%swap3A_255, %swap3A_256] {strides = array<i32>} : memref<256x64xf32, #tpu.memory_space<vmem>>, vector<1x16xf32>,
        %swap3A_258 = vector.shape_cast %swap3A_257 : vector<1x16xf32> to vector<16xf32>
        %swap3A_259 = vector.shape_cast %mul3A_252 : vector<16xf32> to vector<1x16xf32>
        tpu.vector_store %arg9[%swap3A_255, %swap3A_256], %swap3A_259 {strides = array<i32>} : memref<256x64xf32, #tpu.memory_space<vmem>>, vector<1x16xf32>,
        %add3A_260 = arith.constant 0 : i32
        %add3A_261 = arith.addi %mul3A_229, %add3A_260 : i32
        %get3A_262 = arith.index_cast %add3A_261 : i32 to index
        %get3A_263 = arith.constant 32 : index
        %get3A_264 = tpu.vector_load %arg9[%get3A_262, %get3A_263] {strides = array<i32>} : memref<256x64xf32, #tpu.memory_space<vmem>>, vector<1x16xf32>,
        %get3A_265 = vector.shape_cast %get3A_264 : vector<1x16xf32> to vector<16xf32>
        %mul3A_266 = arith.constant 8.000000e+00 : f32
        %mul3A_267 = vector.broadcast %mul3A_266 : f32 to vector<16xf32>
        %mul3A_268 = arith.mulf %get3A_265, %mul3A_267 : vector<16xf32>
        %add3A_269 = arith.constant 0 : i32
        %add3A_270 = arith.addi %mul3A_229, %add3A_269 : i32
        %swap3A_271 = arith.index_cast %add3A_270 : i32 to index
        %swap3A_272 = arith.constant 32 : index
        %swap3A_273 = tpu.vector_load %arg9[%swap3A_271, %swap3A_272] {strides = array<i32>} : memref<256x64xf32, #tpu.memory_space<vmem>>, vector<1x16xf32>,
        %swap3A_274 = vector.shape_cast %swap3A_273 : vector<1x16xf32> to vector<16xf32>
        %swap3A_275 = vector.shape_cast %mul3A_268 : vector<16xf32> to vector<1x16xf32>
        tpu.vector_store %arg9[%swap3A_271, %swap3A_272], %swap3A_275 {strides = array<i32>} : memref<256x64xf32, #tpu.memory_space<vmem>>, vector<1x16xf32>,
        %add3A_276 = arith.constant 0 : i32
        %add3A_277 = arith.addi %mul3A_229, %add3A_276 : i32
        %get3A_278 = arith.index_cast %add3A_277 : i32 to index
        %get3A_279 = arith.constant 48 : index
        %get3A_280 = tpu.vector_load %arg9[%get3A_278, %get3A_279] {strides = array<i32>} : memref<256x64xf32, #tpu.memory_space<vmem>>, vector<1x16xf32>,
        %get3A_281 = vector.shape_cast %get3A_280 : vector<1x16xf32> to vector<16xf32>
        %mul3A_282 = arith.constant 8.000000e+00 : f32
        %mul3A_283 = vector.broadcast %mul3A_282 : f32 to vector<16xf32>
        %mul3A_284 = arith.mulf %get3A_281, %mul3A_283 : vector<16xf32>
        %add3A_285 = arith.constant 0 : i32
        %add3A_286 = arith.addi %mul3A_229, %add3A_285 : i32
        %swap3A_287 = arith.index_cast %add3A_286 : i32 to index
        %swap3A_288 = arith.constant 48 : index
        %swap3A_289 = tpu.vector_load %arg9[%swap3A_287, %swap3A_288] {strides = array<i32>} : memref<256x64xf32, #tpu.memory_space<vmem>>, vector<1x16xf32>,
        %swap3A_290 = vector.shape_cast %swap3A_289 : vector<1x16xf32> to vector<16xf32>
        %swap3A_291 = vector.shape_cast %mul3A_284 : vector<16xf32> to vector<1x16xf32>
        tpu.vector_store %arg9[%swap3A_287, %swap3A_288], %swap3A_291 {strides = array<i32>} : memref<256x64xf32, #tpu.memory_space<vmem>>, vector<1x16xf32>,
        %add3A_292 = arith.constant 1 : i32
        %add3A_293 = arith.addi %mul3A_229, %add3A_292 : i32
        %get3A_294 = arith.index_cast %add3A_293 : i32 to index
        %get3A_295 = arith.constant 0 : index
        %get3A_296 = tpu.vector_load %arg9[%get3A_294, %get3A_295] {strides = array<i32>} : memref<256x64xf32, #tpu.memory_space<vmem>>, vector<1x16xf32>,
        %get3A_297 = vector.shape_cast %get3A_296 : vector<1x16xf32> to vector<16xf32>
        %mul3A_298 = arith.constant 8.000000e+00 : f32
        %mul3A_299 = vector.broadcast %mul3A_298 : f32 to vector<16xf32>
        %mul3A_300 = arith.mulf %get3A_297, %mul3A_299 : vector<16xf32>
        %add3A_301 = arith.constant 1 : i32
        %add3A_302 = arith.addi %mul3A_229, %add3A_301 : i32
        %swap3A_303 = arith.index_cast %add3A_302 : i32 to index
        %swap3A_304 = arith.constant 0 : index
        %swap3A_305 = tpu.vector_load %arg9[%swap3A_303, %swap3A_304] {strides = array<i32>} : memref<256x64xf32, #tpu.memory_space<vmem>>, vector<1x16xf32>,
        %swap3A_306 = vector.shape_cast %swap3A_305 : vector<1x16xf32> to vector<16xf32>
        %swap3A_307 = vector.shape_cast %mul3A_300 : vector<16xf32> to vector<1x16xf32>
        tpu.vector_store %arg9[%swap3A_303, %swap3A_304], %swap3A_307 {strides = array<i32>} : memref<256x64xf32, #tpu.memory_space<vmem>>, vector<1x16xf32>,
        %add3A_308 = arith.constant 1 : i32
        %add3A_309 = arith.addi %mul3A_229, %add3A_308 : i32
        %get3A_310 = arith.index_cast %add3A_309 : i32 to index
        %get3A_311 = arith.constant 16 : index
        %get3A_312 = tpu.vector_load %arg9[%get3A_310, %get3A_311] {strides = array<i32>} : memref<256x64xf32, #tpu.memory_space<vmem>>, vector<1x16xf32>,
        %get3A_313 = vector.shape_cast %get3A_312 : vector<1x16xf32> to vector<16xf32>
        %mul3A_314 = arith.constant 8.000000e+00 : f32
        %mul3A_315 = vector.broadcast %mul3A_314 : f32 to vector<16xf32>
        %mul3A_316 = arith.mulf %get3A_313, %mul3A_315 : vector<16xf32>
        %add3A_317 = arith.constant 1 : i32
        %add3A_318 = arith.addi %mul3A_229, %add3A_317 : i32
        %swap3A_319 = arith.index_cast %add3A_318 : i32 to index
        %swap3A_320 = arith.constant 16 : index
        %swap3A_321 = tpu.vector_load %arg9[%swap3A_319, %swap3A_320] {strides = array<i32>} : memref<256x64xf32, #tpu.memory_space<vmem>>, vector<1x16xf32>,
        %swap3A_322 = vector.shape_cast %swap3A_321 : vector<1x16xf32> to vector<16xf32>
        %swap3A_323 = vector.shape_cast %mul3A_316 : vector<16xf32> to vector<1x16xf32>
        tpu.vector_store %arg9[%swap3A_319, %swap3A_320], %swap3A_323 {strides = array<i32>} : memref<256x64xf32, #tpu.memory_space<vmem>>, vector<1x16xf32>,
        %add3A_324 = arith.constant 1 : i32
        %add3A_325 = arith.addi %mul3A_229, %add3A_324 : i32
        %get3A_326 = arith.index_cast %add3A_325 : i32 to index
        %get3A_327 = arith.constant 32 : index
        %get3A_328 = tpu.vector_load %arg9[%get3A_326, %get3A_327] {strides = array<i32>} : memref<256x64xf32, #tpu.memory_space<vmem>>, vector<1x16xf32>,
        %get3A_329 = vector.shape_cast %get3A_328 : vector<1x16xf32> to vector<16xf32>
        %mul3A_330 = arith.constant 8.000000e+00 : f32
        %mul3A_331 = vector.broadcast %mul3A_330 : f32 to vector<16xf32>
        %mul3A_332 = arith.mulf %get3A_329, %mul3A_331 : vector<16xf32>
        %add3A_333 = arith.constant 1 : i32
        %add3A_334 = arith.addi %mul3A_229, %add3A_333 : i32
        %swap3A_335 = arith.index_cast %add3A_334 : i32 to index
        %swap3A_336 = arith.constant 32 : index
        %swap3A_337 = tpu.vector_load %arg9[%swap3A_335, %swap3A_336] {strides = array<i32>} : memref<256x64xf32, #tpu.memory_space<vmem>>, vector<1x16xf32>,
        %swap3A_338 = vector.shape_cast %swap3A_337 : vector<1x16xf32> to vector<16xf32>
        %swap3A_339 = vector.shape_cast %mul3A_332 : vector<16xf32> to vector<1x16xf32>
        tpu.vector_store %arg9[%swap3A_335, %swap3A_336], %swap3A_339 {strides = array<i32>} : memref<256x64xf32, #tpu.memory_space<vmem>>, vector<1x16xf32>,
        %add3A_340 = arith.constant 1 : i32
        %add3A_341 = arith.addi %mul3A_229, %add3A_340 : i32
        %get3A_342 = arith.index_cast %add3A_341 : i32 to index
        %get3A_343 = arith.constant 48 : index
        %get3A_344 = tpu.vector_load %arg9[%get3A_342, %get3A_343] {strides = array<i32>} : memref<256x64xf32, #tpu.memory_space<vmem>>, vector<1x16xf32>,
        %get3A_345 = vector.shape_cast %get3A_344 : vector<1x16xf32> to vector<16xf32>
        %mul3A_346 = arith.constant 8.000000e+00 : f32
        %mul3A_347 = vector.broadcast %mul3A_346 : f32 to vector<16xf32>
        %mul3A_348 = arith.mulf %get3A_345, %mul3A_347 : vector<16xf32>
        %add3A_349 = arith.constant 1 : i32
        %add3A_350 = arith.addi %mul3A_229, %add3A_349 : i32
        %swap3A_351 = arith.index_cast %add3A_350 : i32 to index
        %swap3A_352 = arith.constant 48 : index
        %swap3A_353 = tpu.vector_load %arg9[%swap3A_351, %swap3A_352] {strides = array<i32>} : memref<256x64xf32, #tpu.memory_space<vmem>>, vector<1x16xf32>,
        %swap3A_354 = vector.shape_cast %swap3A_353 : vector<1x16xf32> to vector<16xf32>
        %swap3A_355 = vector.shape_cast %mul3A_348 : vector<16xf32> to vector<1x16xf32>
        tpu.vector_store %arg9[%swap3A_351, %swap3A_352], %swap3A_355 {strides = array<i32>} : memref<256x64xf32, #tpu.memory_space<vmem>>, vector<1x16xf32>,
        %add3A_356 = arith.constant 2 : i32
        %add3A_357 = arith.addi %mul3A_229, %add3A_356 : i32
        %get3A_358 = arith.index_cast %add3A_357 : i32 to index
        %get3A_359 = arith.constant 0 : index
        %get3A_360 = tpu.vector_load %arg9[%get3A_358, %get3A_359] {strides = array<i32>} : memref<256x64xf32, #tpu.memory_space<vmem>>, vector<1x16xf32>,
        %get3A_361 = vector.shape_cast %get3A_360 : vector<1x16xf32> to vector<16xf32>
        %mul3A_362 = arith.constant 8.000000e+00 : f32
        %mul3A_363 = vector.broadcast %mul3A_362 : f32 to vector<16xf32>
        %mul3A_364 = arith.mulf %get3A_361, %mul3A_363 : vector<16xf32>
        %add3A_365 = arith.constant 2 : i32
        %add3A_366 = arith.addi %mul3A_229, %add3A_365 : i32
        %swap3A_367 = arith.index_cast %add3A_366 : i32 to index
        %swap3A_368 = arith.constant 0 : index
        %swap3A_369 = tpu.vector_load %arg9[%swap3A_367, %swap3A_368] {strides = array<i32>} : memref<256x64xf32, #tpu.memory_space<vmem>>, vector<1x16xf32>,
        %swap3A_370 = vector.shape_cast %swap3A_369 : vector<1x16xf32> to vector<16xf32>
        %swap3A_371 = vector.shape_cast %mul3A_364 : vector<16xf32> to vector<1x16xf32>
        tpu.vector_store %arg9[%swap3A_367, %swap3A_368], %swap3A_371 {strides = array<i32>} : memref<256x64xf32, #tpu.memory_space<vmem>>, vector<1x16xf32>,
        %add3A_372 = arith.constant 2 : i32
        %add3A_373 = arith.addi %mul3A_229, %add3A_372 : i32
        %get3A_374 = arith.index_cast %add3A_373 : i32 to index
        %get3A_375 = arith.constant 16 : index
        %get3A_376 = tpu.vector_load %arg9[%get3A_374, %get3A_375] {strides = array<i32>} : memref<256x64xf32, #tpu.memory_space<vmem>>, vector<1x16xf32>,
        %get3A_377 = vector.shape_cast %get3A_376 : vector<1x16xf32> to vector<16xf32>
        %mul3A_378 = arith.constant 8.000000e+00 : f32
        %mul3A_379 = vector.broadcast %mul3A_378 : f32 to vector<16xf32>
        %mul3A_380 = arith.mulf %get3A_377, %mul3A_379 : vector<16xf32>
        %add3A_381 = arith.constant 2 : i32
        %add3A_382 = arith.addi %mul3A_229, %add3A_381 : i32
        %swap3A_383 = arith.index_cast %add3A_382 : i32 to index
        %swap3A_384 = arith.constant 16 : index
        %swap3A_385 = tpu.vector_load %arg9[%swap3A_383, %swap3A_384] {strides = array<i32>} : memref<256x64xf32, #tpu.memory_space<vmem>>, vector<1x16xf32>,
        %swap3A_386 = vector.shape_cast %swap3A_385 : vector<1x16xf32> to vector<16xf32>
        %swap3A_387 = vector.shape_cast %mul3A_380 : vector<16xf32> to vector<1x16xf32>
        tpu.vector_store %arg9[%swap3A_383, %swap3A_384], %swap3A_387 {strides = array<i32>} : memref<256x64xf32, #tpu.memory_space<vmem>>, vector<1x16xf32>,
        %add3A_388 = arith.constant 2 : i32
        %add3A_389 = arith.addi %mul3A_229, %add3A_388 : i32
        %get3A_390 = arith.index_cast %add3A_389 : i32 to index
        %get3A_391 = arith.constant 32 : index
        %get3A_392 = tpu.vector_load %arg9[%get3A_390, %get3A_391] {strides = array<i32>} : memref<256x64xf32, #tpu.memory_space<vmem>>, vector<1x16xf32>,
        %get3A_393 = vector.shape_cast %get3A_392 : vector<1x16xf32> to vector<16xf32>
        %mul3A_394 = arith.constant 8.000000e+00 : f32
        %mul3A_395 = vector.broadcast %mul3A_394 : f32 to vector<16xf32>
        %mul3A_396 = arith.mulf %get3A_393, %mul3A_395 : vector<16xf32>
        %add3A_397 = arith.constant 2 : i32
        %add3A_398 = arith.addi %mul3A_229, %add3A_397 : i32
        %swap3A_399 = arith.index_cast %add3A_398 : i32 to index
        %swap3A_400 = arith.constant 32 : index
        %swap3A_401 = tpu.vector_load %arg9[%swap3A_399, %swap3A_400] {strides = array<i32>} : memref<256x64xf32, #tpu.memory_space<vmem>>, vector<1x16xf32>,
        %swap3A_402 = vector.shape_cast %swap3A_401 : vector<1x16xf32> to vector<16xf32>
        %swap3A_403 = vector.shape_cast %mul3A_396 : vector<16xf32> to vector<1x16xf32>
        tpu.vector_store %arg9[%swap3A_399, %swap3A_400], %swap3A_403 {strides = array<i32>} : memref<256x64xf32, #tpu.memory_space<vmem>>, vector<1x16xf32>,
        %add3A_404 = arith.constant 2 : i32
        %add3A_405 = arith.addi %mul3A_229, %add3A_404 : i32
        %get3A_406 = arith.index_cast %add3A_405 : i32 to index
        %get3A_407 = arith.constant 48 : index
        %get3A_408 = tpu.vector_load %arg9[%get3A_406, %get3A_407] {strides = array<i32>} : memref<256x64xf32, #tpu.memory_space<vmem>>, vector<1x16xf32>,
        %get3A_409 = vector.shape_cast %get3A_408 : vector<1x16xf32> to vector<16xf32>
        %mul3A_410 = arith.constant 8.000000e+00 : f32
        %mul3A_411 = vector.broadcast %mul3A_410 : f32 to vector<16xf32>
        %mul3A_412 = arith.mulf %get3A_409, %mul3A_411 : vector<16xf32>
        %add3A_413 = arith.constant 2 : i32
        %add3A_414 = arith.addi %mul3A_229, %add3A_413 : i32
        %swap3A_415 = arith.index_cast %add3A_414 : i32 to index
        %swap3A_416 = arith.constant 48 : index
        %swap3A_417 = tpu.vector_load %arg9[%swap3A_415, %swap3A_416] {strides = array<i32>} : memref<256x64xf32, #tpu.memory_space<vmem>>, vector<1x16xf32>,
        %swap3A_418 = vector.shape_cast %swap3A_417 : vector<1x16xf32> to vector<16xf32>
        %swap3A_419 = vector.shape_cast %mul3A_412 : vector<16xf32> to vector<1x16xf32>
        tpu.vector_store %arg9[%swap3A_415, %swap3A_416], %swap3A_419 {strides = array<i32>} : memref<256x64xf32, #tpu.memory_space<vmem>>, vector<1x16xf32>,
        %add3A_420 = arith.constant 3 : i32
        %add3A_421 = arith.addi %mul3A_229, %add3A_420 : i32
        %get3A_422 = arith.index_cast %add3A_421 : i32 to index
        %get3A_423 = arith.constant 0 : index
        %get3A_424 = tpu.vector_load %arg9[%get3A_422, %get3A_423] {strides = array<i32>} : memref<256x64xf32, #tpu.memory_space<vmem>>, vector<1x16xf32>,
        %get3A_425 = vector.shape_cast %get3A_424 : vector<1x16xf32> to vector<16xf32>
        %mul3A_426 = arith.constant 8.000000e+00 : f32
        %mul3A_427 = vector.broadcast %mul3A_426 : f32 to vector<16xf32>
        %mul3A_428 = arith.mulf %get3A_425, %mul3A_427 : vector<16xf32>
        %add3A_429 = arith.constant 3 : i32
        %add3A_430 = arith.addi %mul3A_229, %add3A_429 : i32
        %swap3A_431 = arith.index_cast %add3A_430 : i32 to index
        %swap3A_432 = arith.constant 0 : index
        %swap3A_433 = tpu.vector_load %arg9[%swap3A_431, %swap3A_432] {strides = array<i32>} : memref<256x64xf32, #tpu.memory_space<vmem>>, vector<1x16xf32>,
        %swap3A_434 = vector.shape_cast %swap3A_433 : vector<1x16xf32> to vector<16xf32>
        %swap3A_435 = vector.shape_cast %mul3A_428 : vector<16xf32> to vector<1x16xf32>
        tpu.vector_store %arg9[%swap3A_431, %swap3A_432], %swap3A_435 {strides = array<i32>} : memref<256x64xf32, #tpu.memory_space<vmem>>, vector<1x16xf32>,
        %add3A_436 = arith.constant 3 : i32
        %add3A_437 = arith.addi %mul3A_229, %add3A_436 : i32
        %get3A_438 = arith.index_cast %add3A_437 : i32 to index
        %get3A_439 = arith.constant 16 : index
        %get3A_440 = tpu.vector_load %arg9[%get3A_438, %get3A_439] {strides = array<i32>} : memref<256x64xf32, #tpu.memory_space<vmem>>, vector<1x16xf32>,
        %get3A_441 = vector.shape_cast %get3A_440 : vector<1x16xf32> to vector<16xf32>
        %mul3A_442 = arith.constant 8.000000e+00 : f32
        %mul3A_443 = vector.broadcast %mul3A_442 : f32 to vector<16xf32>
        %mul3A_444 = arith.mulf %get3A_441, %mul3A_443 : vector<16xf32>
        %add3A_445 = arith.constant 3 : i32
        %add3A_446 = arith.addi %mul3A_229, %add3A_445 : i32
        %swap3A_447 = arith.index_cast %add3A_446 : i32 to index
        %swap3A_448 = arith.constant 16 : index
        %swap3A_449 = tpu.vector_load %arg9[%swap3A_447, %swap3A_448] {strides = array<i32>} : memref<256x64xf32, #tpu.memory_space<vmem>>, vector<1x16xf32>,
        %swap3A_450 = vector.shape_cast %swap3A_449 : vector<1x16xf32> to vector<16xf32>
        %swap3A_451 = vector.shape_cast %mul3A_444 : vector<16xf32> to vector<1x16xf32>
        tpu.vector_store %arg9[%swap3A_447, %swap3A_448], %swap3A_451 {strides = array<i32>} : memref<256x64xf32, #tpu.memory_space<vmem>>, vector<1x16xf32>,
        %add3A_452 = arith.constant 3 : i32
        %add3A_453 = arith.addi %mul3A_229, %add3A_452 : i32
        %get3A_454 = arith.index_cast %add3A_453 : i32 to index
        %get3A_455 = arith.constant 32 : index
        %get3A_456 = tpu.vector_load %arg9[%get3A_454, %get3A_455] {strides = array<i32>} : memref<256x64xf32, #tpu.memory_space<vmem>>, vector<1x16xf32>,
        %get3A_457 = vector.shape_cast %get3A_456 : vector<1x16xf32> to vector<16xf32>
        %mul3A_458 = arith.constant 8.000000e+00 : f32
        %mul3A_459 = vector.broadcast %mul3A_458 : f32 to vector<16xf32>
        %mul3A_460 = arith.mulf %get3A_457, %mul3A_459 : vector<16xf32>
        %add3A_461 = arith.constant 3 : i32
        %add3A_462 = arith.addi %mul3A_229, %add3A_461 : i32
        %swap3A_463 = arith.index_cast %add3A_462 : i32 to index
        %swap3A_464 = arith.constant 32 : index
        %swap3A_465 = tpu.vector_load %arg9[%swap3A_463, %swap3A_464] {strides = array<i32>} : memref<256x64xf32, #tpu.memory_space<vmem>>, vector<1x16xf32>,
        %swap3A_466 = vector.shape_cast %swap3A_465 : vector<1x16xf32> to vector<16xf32>
        %swap3A_467 = vector.shape_cast %mul3A_460 : vector<16xf32> to vector<1x16xf32>
        tpu.vector_store %arg9[%swap3A_463, %swap3A_464], %swap3A_467 {strides = array<i32>} : memref<256x64xf32, #tpu.memory_space<vmem>>, vector<1x16xf32>,
        %add3A_468 = arith.constant 3 : i32
        %add3A_469 = arith.addi %mul3A_229, %add3A_468 : i32
        %get3A_470 = arith.index_cast %add3A_469 : i32 to index
        %get3A_471 = arith.constant 48 : index
        %get3A_472 = tpu.vector_load %arg9[%get3A_470, %get3A_471] {strides = array<i32>} : memref<256x64xf32, #tpu.memory_space<vmem>>, vector<1x16xf32>,
        %get3A_473 = vector.shape_cast %get3A_472 : vector<1x16xf32> to vector<16xf32>
        %mul3A_474 = arith.constant 8.000000e+00 : f32
        %mul3A_475 = vector.broadcast %mul3A_474 : f32 to vector<16xf32>
        %mul3A_476 = arith.mulf %get3A_473, %mul3A_475 : vector<16xf32>
        %add3A_477 = arith.constant 3 : i32
        %add3A_478 = arith.addi %mul3A_229, %add3A_477 : i32
        %swap3A_479 = arith.index_cast %add3A_478 : i32 to index
        %swap3A_480 = arith.constant 48 : index
        %swap3A_481 = tpu.vector_load %arg9[%swap3A_479, %swap3A_480] {strides = array<i32>} : memref<256x64xf32, #tpu.memory_space<vmem>>, vector<1x16xf32>,
        %swap3A_482 = vector.shape_cast %swap3A_481 : vector<1x16xf32> to vector<16xf32>
        %swap3A_483 = vector.shape_cast %mul3A_476 : vector<16xf32> to vector<1x16xf32>
        tpu.vector_store %arg9[%swap3A_479, %swap3A_480], %swap3A_483 {strides = array<i32>} : memref<256x64xf32, #tpu.memory_space<vmem>>, vector<1x16xf32>,
        %add3A_484 = arith.constant 4 : i32
        %add3A_485 = arith.addi %mul3A_229, %add3A_484 : i32
        %get3A_486 = arith.index_cast %add3A_485 : i32 to index
        %get3A_487 = arith.constant 0 : index
        %get3A_488 = tpu.vector_load %arg9[%get3A_486, %get3A_487] {strides = array<i32>} : memref<256x64xf32, #tpu.memory_space<vmem>>, vector<1x16xf32>,
        %get3A_489 = vector.shape_cast %get3A_488 : vector<1x16xf32> to vector<16xf32>
        %mul3A_490 = arith.constant 8.000000e+00 : f32
        %mul3A_491 = vector.broadcast %mul3A_490 : f32 to vector<16xf32>
        %mul3A_492 = arith.mulf %get3A_489, %mul3A_491 : vector<16xf32>
        %add3A_493 = arith.constant 4 : i32
        %add3A_494 = arith.addi %mul3A_229, %add3A_493 : i32
        %swap3A_495 = arith.index_cast %add3A_494 : i32 to index
        %swap3A_496 = arith.constant 0 : index
        %swap3A_497 = tpu.vector_load %arg9[%swap3A_495, %swap3A_496] {strides = array<i32>} : memref<256x64xf32, #tpu.memory_space<vmem>>, vector<1x16xf32>,
        %swap3A_498 = vector.shape_cast %swap3A_497 : vector<1x16xf32> to vector<16xf32>
        %swap3A_499 = vector.shape_cast %mul3A_492 : vector<16xf32> to vector<1x16xf32>
        tpu.vector_store %arg9[%swap3A_495, %swap3A_496], %swap3A_499 {strides = array<i32>} : memref<256x64xf32, #tpu.memory_space<vmem>>, vector<1x16xf32>,
        %add3A_500 = arith.constant 4 : i32
        %add3A_501 = arith.addi %mul3A_229, %add3A_500 : i32
        %get3A_502 = arith.index_cast %add3A_501 : i32 to index
        %get3A_503 = arith.constant 16 : index
        %get3A_504 = tpu.vector_load %arg9[%get3A_502, %get3A_503] {strides = array<i32>} : memref<256x64xf32, #tpu.memory_space<vmem>>, vector<1x16xf32>,
        %get3A_505 = vector.shape_cast %get3A_504 : vector<1x16xf32> to vector<16xf32>
        %mul3A_506 = arith.constant 8.000000e+00 : f32
        %mul3A_507 = vector.broadcast %mul3A_506 : f32 to vector<16xf32>
        %mul3A_508 = arith.mulf %get3A_505, %mul3A_507 : vector<16xf32>
        %add3A_509 = arith.constant 4 : i32
        %add3A_510 = arith.addi %mul3A_229, %add3A_509 : i32
        %swap3A_511 = arith.index_cast %add3A_510 : i32 to index
        %swap3A_512 = arith.constant 16 : index
        %swap3A_513 = tpu.vector_load %arg9[%swap3A_511, %swap3A_512] {strides = array<i32>} : memref<256x64xf32, #tpu.memory_space<vmem>>, vector<1x16xf32>,
        %swap3A_514 = vector.shape_cast %swap3A_513 : vector<1x16xf32> to vector<16xf32>
        %swap3A_515 = vector.shape_cast %mul3A_508 : vector<16xf32> to vector<1x16xf32>
        tpu.vector_store %arg9[%swap3A_511, %swap3A_512], %swap3A_515 {strides = array<i32>} : memref<256x64xf32, #tpu.memory_space<vmem>>, vector<1x16xf32>,
        %add3A_516 = arith.constant 4 : i32
        %add3A_517 = arith.addi %mul3A_229, %add3A_516 : i32
        %get3A_518 = arith.index_cast %add3A_517 : i32 to index
        %get3A_519 = arith.constant 32 : index
        %get3A_520 = tpu.vector_load %arg9[%get3A_518, %get3A_519] {strides = array<i32>} : memref<256x64xf32, #tpu.memory_space<vmem>>, vector<1x16xf32>,
        %get3A_521 = vector.shape_cast %get3A_520 : vector<1x16xf32> to vector<16xf32>
        %mul3A_522 = arith.constant 8.000000e+00 : f32
        %mul3A_523 = vector.broadcast %mul3A_522 : f32 to vector<16xf32>
        %mul3A_524 = arith.mulf %get3A_521, %mul3A_523 : vector<16xf32>
        %add3A_525 = arith.constant 4 : i32
        %add3A_526 = arith.addi %mul3A_229, %add3A_525 : i32
        %swap3A_527 = arith.index_cast %add3A_526 : i32 to index
        %swap3A_528 = arith.constant 32 : index
        %swap3A_529 = tpu.vector_load %arg9[%swap3A_527, %swap3A_528] {strides = array<i32>} : memref<256x64xf32, #tpu.memory_space<vmem>>, vector<1x16xf32>,
        %swap3A_530 = vector.shape_cast %swap3A_529 : vector<1x16xf32> to vector<16xf32>
        %swap3A_531 = vector.shape_cast %mul3A_524 : vector<16xf32> to vector<1x16xf32>
        tpu.vector_store %arg9[%swap3A_527, %swap3A_528], %swap3A_531 {strides = array<i32>} : memref<256x64xf32, #tpu.memory_space<vmem>>, vector<1x16xf32>,
        %add3A_532 = arith.constant 4 : i32
        %add3A_533 = arith.addi %mul3A_229, %add3A_532 : i32
        %get3A_534 = arith.index_cast %add3A_533 : i32 to index
        %get3A_535 = arith.constant 48 : index
        %get3A_536 = tpu.vector_load %arg9[%get3A_534, %get3A_535] {strides = array<i32>} : memref<256x64xf32, #tpu.memory_space<vmem>>, vector<1x16xf32>,
        %get3A_537 = vector.shape_cast %get3A_536 : vector<1x16xf32> to vector<16xf32>
        %mul3A_538 = arith.constant 8.000000e+00 : f32
        %mul3A_539 = vector.broadcast %mul3A_538 : f32 to vector<16xf32>
        %mul3A_540 = arith.mulf %get3A_537, %mul3A_539 : vector<16xf32>
        %add3A_541 = arith.constant 4 : i32
        %add3A_542 = arith.addi %mul3A_229, %add3A_541 : i32
        %swap3A_543 = arith.index_cast %add3A_542 : i32 to index
        %swap3A_544 = arith.constant 48 : index
        %swap3A_545 = tpu.vector_load %arg9[%swap3A_543, %swap3A_544] {strides = array<i32>} : memref<256x64xf32, #tpu.memory_space<vmem>>, vector<1x16xf32>,
        %swap3A_546 = vector.shape_cast %swap3A_545 : vector<1x16xf32> to vector<16xf32>
        %swap3A_547 = vector.shape_cast %mul3A_540 : vector<16xf32> to vector<1x16xf32>
        tpu.vector_store %arg9[%swap3A_543, %swap3A_544], %swap3A_547 {strides = array<i32>} : memref<256x64xf32, #tpu.memory_space<vmem>>, vector<1x16xf32>,
        %add3A_548 = arith.constant 5 : i32
        %add3A_549 = arith.addi %mul3A_229, %add3A_548 : i32
        %get3A_550 = arith.index_cast %add3A_549 : i32 to index
        %get3A_551 = arith.constant 0 : index
        %get3A_552 = tpu.vector_load %arg9[%get3A_550, %get3A_551] {strides = array<i32>} : memref<256x64xf32, #tpu.memory_space<vmem>>, vector<1x16xf32>,
        %get3A_553 = vector.shape_cast %get3A_552 : vector<1x16xf32> to vector<16xf32>
        %mul3A_554 = arith.constant 8.000000e+00 : f32
        %mul3A_555 = vector.broadcast %mul3A_554 : f32 to vector<16xf32>
        %mul3A_556 = arith.mulf %get3A_553, %mul3A_555 : vector<16xf32>
        %add3A_557 = arith.constant 5 : i32
        %add3A_558 = arith.addi %mul3A_229, %add3A_557 : i32
        %swap3A_559 = arith.index_cast %add3A_558 : i32 to index
        %swap3A_560 = arith.constant 0 : index
        %swap3A_561 = tpu.vector_load %arg9[%swap3A_559, %swap3A_560] {strides = array<i32>} : memref<256x64xf32, #tpu.memory_space<vmem>>, vector<1x16xf32>,
        %swap3A_562 = vector.shape_cast %swap3A_561 : vector<1x16xf32> to vector<16xf32>
        %swap3A_563 = vector.shape_cast %mul3A_556 : vector<16xf32> to vector<1x16xf32>
        tpu.vector_store %arg9[%swap3A_559, %swap3A_560], %swap3A_563 {strides = array<i32>} : memref<256x64xf32, #tpu.memory_space<vmem>>, vector<1x16xf32>,
        %add3A_564 = arith.constant 5 : i32
        %add3A_565 = arith.addi %mul3A_229, %add3A_564 : i32
        %get3A_566 = arith.index_cast %add3A_565 : i32 to index
        %get3A_567 = arith.constant 16 : index
        %get3A_568 = tpu.vector_load %arg9[%get3A_566, %get3A_567] {strides = array<i32>} : memref<256x64xf32, #tpu.memory_space<vmem>>, vector<1x16xf32>,
        %get3A_569 = vector.shape_cast %get3A_568 : vector<1x16xf32> to vector<16xf32>
        %mul3A_570 = arith.constant 8.000000e+00 : f32
        %mul3A_571 = vector.broadcast %mul3A_570 : f32 to vector<16xf32>
        %mul3A_572 = arith.mulf %get3A_569, %mul3A_571 : vector<16xf32>
        %add3A_573 = arith.constant 5 : i32
        %add3A_574 = arith.addi %mul3A_229, %add3A_573 : i32
        %swap3A_575 = arith.index_cast %add3A_574 : i32 to index
        %swap3A_576 = arith.constant 16 : index
        %swap3A_577 = tpu.vector_load %arg9[%swap3A_575, %swap3A_576] {strides = array<i32>} : memref<256x64xf32, #tpu.memory_space<vmem>>, vector<1x16xf32>,
        %swap3A_578 = vector.shape_cast %swap3A_577 : vector<1x16xf32> to vector<16xf32>
        %swap3A_579 = vector.shape_cast %mul3A_572 : vector<16xf32> to vector<1x16xf32>
        tpu.vector_store %arg9[%swap3A_575, %swap3A_576], %swap3A_579 {strides = array<i32>} : memref<256x64xf32, #tpu.memory_space<vmem>>, vector<1x16xf32>,
        %add3A_580 = arith.constant 5 : i32
        %add3A_581 = arith.addi %mul3A_229, %add3A_580 : i32
        %get3A_582 = arith.index_cast %add3A_581 : i32 to index
        %get3A_583 = arith.constant 32 : index
        %get3A_584 = tpu.vector_load %arg9[%get3A_582, %get3A_583] {strides = array<i32>} : memref<256x64xf32, #tpu.memory_space<vmem>>, vector<1x16xf32>,
        %get3A_585 = vector.shape_cast %get3A_584 : vector<1x16xf32> to vector<16xf32>
        %mul3A_586 = arith.constant 8.000000e+00 : f32
        %mul3A_587 = vector.broadcast %mul3A_586 : f32 to vector<16xf32>
        %mul3A_588 = arith.mulf %get3A_585, %mul3A_587 : vector<16xf32>
        %add3A_589 = arith.constant 5 : i32
        %add3A_590 = arith.addi %mul3A_229, %add3A_589 : i32
        %swap3A_591 = arith.index_cast %add3A_590 : i32 to index
        %swap3A_592 = arith.constant 32 : index
        %swap3A_593 = tpu.vector_load %arg9[%swap3A_591, %swap3A_592] {strides = array<i32>} : memref<256x64xf32, #tpu.memory_space<vmem>>, vector<1x16xf32>,
        %swap3A_594 = vector.shape_cast %swap3A_593 : vector<1x16xf32> to vector<16xf32>
        %swap3A_595 = vector.shape_cast %mul3A_588 : vector<16xf32> to vector<1x16xf32>
        tpu.vector_store %arg9[%swap3A_591, %swap3A_592], %swap3A_595 {strides = array<i32>} : memref<256x64xf32, #tpu.memory_space<vmem>>, vector<1x16xf32>,
        %add3A_596 = arith.constant 5 : i32
        %add3A_597 = arith.addi %mul3A_229, %add3A_596 : i32
        %get3A_598 = arith.index_cast %add3A_597 : i32 to index
        %get3A_599 = arith.constant 48 : index
        %get3A_600 = tpu.vector_load %arg9[%get3A_598, %get3A_599] {strides = array<i32>} : memref<256x64xf32, #tpu.memory_space<vmem>>, vector<1x16xf32>,
        %get3A_601 = vector.shape_cast %get3A_600 : vector<1x16xf32> to vector<16xf32>
        %mul3A_602 = arith.constant 8.000000e+00 : f32
        %mul3A_603 = vector.broadcast %mul3A_602 : f32 to vector<16xf32>
        %mul3A_604 = arith.mulf %get3A_601, %mul3A_603 : vector<16xf32>
        %add3A_605 = arith.constant 5 : i32
        %add3A_606 = arith.addi %mul3A_229, %add3A_605 : i32
        %swap3A_607 = arith.index_cast %add3A_606 : i32 to index
        %swap3A_608 = arith.constant 48 : index
        %swap3A_609 = tpu.vector_load %arg9[%swap3A_607, %swap3A_608] {strides = array<i32>} : memref<256x64xf32, #tpu.memory_space<vmem>>, vector<1x16xf32>,
        %swap3A_610 = vector.shape_cast %swap3A_609 : vector<1x16xf32> to vector<16xf32>
        %swap3A_611 = vector.shape_cast %mul3A_604 : vector<16xf32> to vector<1x16xf32>
        tpu.vector_store %arg9[%swap3A_607, %swap3A_608], %swap3A_611 {strides = array<i32>} : memref<256x64xf32, #tpu.memory_space<vmem>>, vector<1x16xf32>,
        %add3A_612 = arith.constant 6 : i32
        %add3A_613 = arith.addi %mul3A_229, %add3A_612 : i32
        %get3A_614 = arith.index_cast %add3A_613 : i32 to index
        %get3A_615 = arith.constant 0 : index
        %get3A_616 = tpu.vector_load %arg9[%get3A_614, %get3A_615] {strides = array<i32>} : memref<256x64xf32, #tpu.memory_space<vmem>>, vector<1x16xf32>,
        %get3A_617 = vector.shape_cast %get3A_616 : vector<1x16xf32> to vector<16xf32>
        %mul3A_618 = arith.constant 8.000000e+00 : f32
        %mul3A_619 = vector.broadcast %mul3A_618 : f32 to vector<16xf32>
        %mul3A_620 = arith.mulf %get3A_617, %mul3A_619 : vector<16xf32>
        %add3A_621 = arith.constant 6 : i32
        %add3A_622 = arith.addi %mul3A_229, %add3A_621 : i32
        %swap3A_623 = arith.index_cast %add3A_622 : i32 to index
        %swap3A_624 = arith.constant 0 : index
        %swap3A_625 = tpu.vector_load %arg9[%swap3A_623, %swap3A_624] {strides = array<i32>} : memref<256x64xf32, #tpu.memory_space<vmem>>, vector<1x16xf32>,
        %swap3A_626 = vector.shape_cast %swap3A_625 : vector<1x16xf32> to vector<16xf32>
        %swap3A_627 = vector.shape_cast %mul3A_620 : vector<16xf32> to vector<1x16xf32>
        tpu.vector_store %arg9[%swap3A_623, %swap3A_624], %swap3A_627 {strides = array<i32>} : memref<256x64xf32, #tpu.memory_space<vmem>>, vector<1x16xf32>,
        %add3A_628 = arith.constant 6 : i32
        %add3A_629 = arith.addi %mul3A_229, %add3A_628 : i32
        %get3A_630 = arith.index_cast %add3A_629 : i32 to index
        %get3A_631 = arith.constant 16 : index
        %get3A_632 = tpu.vector_load %arg9[%get3A_630, %get3A_631] {strides = array<i32>} : memref<256x64xf32, #tpu.memory_space<vmem>>, vector<1x16xf32>,
        %get3A_633 = vector.shape_cast %get3A_632 : vector<1x16xf32> to vector<16xf32>
        %mul3A_634 = arith.constant 8.000000e+00 : f32
        %mul3A_635 = vector.broadcast %mul3A_634 : f32 to vector<16xf32>
        %mul3A_636 = arith.mulf %get3A_633, %mul3A_635 : vector<16xf32>
        %add3A_637 = arith.constant 6 : i32
        %add3A_638 = arith.addi %mul3A_229, %add3A_637 : i32
        %swap3A_639 = arith.index_cast %add3A_638 : i32 to index
        %swap3A_640 = arith.constant 16 : index
        %swap3A_641 = tpu.vector_load %arg9[%swap3A_639, %swap3A_640] {strides = array<i32>} : memref<256x64xf32, #tpu.memory_space<vmem>>, vector<1x16xf32>,
        %swap3A_642 = vector.shape_cast %swap3A_641 : vector<1x16xf32> to vector<16xf32>
        %swap3A_643 = vector.shape_cast %mul3A_636 : vector<16xf32> to vector<1x16xf32>
        tpu.vector_store %arg9[%swap3A_639, %swap3A_640], %swap3A_643 {strides = array<i32>} : memref<256x64xf32, #tpu.memory_space<vmem>>, vector<1x16xf32>,
        %add3A_644 = arith.constant 6 : i32
        %add3A_645 = arith.addi %mul3A_229, %add3A_644 : i32
        %get3A_646 = arith.index_cast %add3A_645 : i32 to index
        %get3A_647 = arith.constant 32 : index
        %get3A_648 = tpu.vector_load %arg9[%get3A_646, %get3A_647] {strides = array<i32>} : memref<256x64xf32, #tpu.memory_space<vmem>>, vector<1x16xf32>,
        %get3A_649 = vector.shape_cast %get3A_648 : vector<1x16xf32> to vector<16xf32>
        %mul3A_650 = arith.constant 8.000000e+00 : f32
        %mul3A_651 = vector.broadcast %mul3A_650 : f32 to vector<16xf32>
        %mul3A_652 = arith.mulf %get3A_649, %mul3A_651 : vector<16xf32>
        %add3A_653 = arith.constant 6 : i32
        %add3A_654 = arith.addi %mul3A_229, %add3A_653 : i32
        %swap3A_655 = arith.index_cast %add3A_654 : i32 to index
        %swap3A_656 = arith.constant 32 : index
        %swap3A_657 = tpu.vector_load %arg9[%swap3A_655, %swap3A_656] {strides = array<i32>} : memref<256x64xf32, #tpu.memory_space<vmem>>, vector<1x16xf32>,
        %swap3A_658 = vector.shape_cast %swap3A_657 : vector<1x16xf32> to vector<16xf32>
        %swap3A_659 = vector.shape_cast %mul3A_652 : vector<16xf32> to vector<1x16xf32>
        tpu.vector_store %arg9[%swap3A_655, %swap3A_656], %swap3A_659 {strides = array<i32>} : memref<256x64xf32, #tpu.memory_space<vmem>>, vector<1x16xf32>,
        %add3A_660 = arith.constant 6 : i32
        %add3A_661 = arith.addi %mul3A_229, %add3A_660 : i32
        %get3A_662 = arith.index_cast %add3A_661 : i32 to index
        %get3A_663 = arith.constant 48 : index
        %get3A_664 = tpu.vector_load %arg9[%get3A_662, %get3A_663] {strides = array<i32>} : memref<256x64xf32, #tpu.memory_space<vmem>>, vector<1x16xf32>,
        %get3A_665 = vector.shape_cast %get3A_664 : vector<1x16xf32> to vector<16xf32>
        %mul3A_666 = arith.constant 8.000000e+00 : f32
        %mul3A_667 = vector.broadcast %mul3A_666 : f32 to vector<16xf32>
        %mul3A_668 = arith.mulf %get3A_665, %mul3A_667 : vector<16xf32>
        %add3A_669 = arith.constant 6 : i32
        %add3A_670 = arith.addi %mul3A_229, %add3A_669 : i32
        %swap3A_671 = arith.index_cast %add3A_670 : i32 to index
        %swap3A_672 = arith.constant 48 : index
        %swap3A_673 = tpu.vector_load %arg9[%swap3A_671, %swap3A_672] {strides = array<i32>} : memref<256x64xf32, #tpu.memory_space<vmem>>, vector<1x16xf32>,
        %swap3A_674 = vector.shape_cast %swap3A_673 : vector<1x16xf32> to vector<16xf32>
        %swap3A_675 = vector.shape_cast %mul3A_668 : vector<16xf32> to vector<1x16xf32>
        tpu.vector_store %arg9[%swap3A_671, %swap3A_672], %swap3A_675 {strides = array<i32>} : memref<256x64xf32, #tpu.memory_space<vmem>>, vector<1x16xf32>,
        %add3A_676 = arith.constant 7 : i32
        %add3A_677 = arith.addi %mul3A_229, %add3A_676 : i32
        %get3A_678 = arith.index_cast %add3A_677 : i32 to index
        %get3A_679 = arith.constant 0 : index
        %get3A_680 = tpu.vector_load %arg9[%get3A_678, %get3A_679] {strides = array<i32>} : memref<256x64xf32, #tpu.memory_space<vmem>>, vector<1x16xf32>,
        %get3A_681 = vector.shape_cast %get3A_680 : vector<1x16xf32> to vector<16xf32>
        %mul3A_682 = arith.constant 8.000000e+00 : f32
        %mul3A_683 = vector.broadcast %mul3A_682 : f32 to vector<16xf32>
        %mul3A_684 = arith.mulf %get3A_681, %mul3A_683 : vector<16xf32>
        %add3A_685 = arith.constant 7 : i32
        %add3A_686 = arith.addi %mul3A_229, %add3A_685 : i32
        %swap3A_687 = arith.index_cast %add3A_686 : i32 to index
        %swap3A_688 = arith.constant 0 : index
        %swap3A_689 = tpu.vector_load %arg9[%swap3A_687, %swap3A_688] {strides = array<i32>} : memref<256x64xf32, #tpu.memory_space<vmem>>, vector<1x16xf32>,
        %swap3A_690 = vector.shape_cast %swap3A_689 : vector<1x16xf32> to vector<16xf32>
        %swap3A_691 = vector.shape_cast %mul3A_684 : vector<16xf32> to vector<1x16xf32>
        tpu.vector_store %arg9[%swap3A_687, %swap3A_688], %swap3A_691 {strides = array<i32>} : memref<256x64xf32, #tpu.memory_space<vmem>>, vector<1x16xf32>,
        %add3A_692 = arith.constant 7 : i32
        %add3A_693 = arith.addi %mul3A_229, %add3A_692 : i32
        %get3A_694 = arith.index_cast %add3A_693 : i32 to index
        %get3A_695 = arith.constant 16 : index
        %get3A_696 = tpu.vector_load %arg9[%get3A_694, %get3A_695] {strides = array<i32>} : memref<256x64xf32, #tpu.memory_space<vmem>>, vector<1x16xf32>,
        %get3A_697 = vector.shape_cast %get3A_696 : vector<1x16xf32> to vector<16xf32>
        %mul3A_698 = arith.constant 8.000000e+00 : f32
        %mul3A_699 = vector.broadcast %mul3A_698 : f32 to vector<16xf32>
        %mul3A_700 = arith.mulf %get3A_697, %mul3A_699 : vector<16xf32>
        %add3A_701 = arith.constant 7 : i32
        %add3A_702 = arith.addi %mul3A_229, %add3A_701 : i32
        %swap3A_703 = arith.index_cast %add3A_702 : i32 to index
        %swap3A_704 = arith.constant 16 : index
        %swap3A_705 = tpu.vector_load %arg9[%swap3A_703, %swap3A_704] {strides = array<i32>} : memref<256x64xf32, #tpu.memory_space<vmem>>, vector<1x16xf32>,
        %swap3A_706 = vector.shape_cast %swap3A_705 : vector<1x16xf32> to vector<16xf32>
        %swap3A_707 = vector.shape_cast %mul3A_700 : vector<16xf32> to vector<1x16xf32>
        tpu.vector_store %arg9[%swap3A_703, %swap3A_704], %swap3A_707 {strides = array<i32>} : memref<256x64xf32, #tpu.memory_space<vmem>>, vector<1x16xf32>,
        %add3A_708 = arith.constant 7 : i32
        %add3A_709 = arith.addi %mul3A_229, %add3A_708 : i32
        %get3A_710 = arith.index_cast %add3A_709 : i32 to index
        %get3A_711 = arith.constant 32 : index
        %get3A_712 = tpu.vector_load %arg9[%get3A_710, %get3A_711] {strides = array<i32>} : memref<256x64xf32, #tpu.memory_space<vmem>>, vector<1x16xf32>,
        %get3A_713 = vector.shape_cast %get3A_712 : vector<1x16xf32> to vector<16xf32>
        %mul3A_714 = arith.constant 8.000000e+00 : f32
        %mul3A_715 = vector.broadcast %mul3A_714 : f32 to vector<16xf32>
        %mul3A_716 = arith.mulf %get3A_713, %mul3A_715 : vector<16xf32>
        %add3A_717 = arith.constant 7 : i32
        %add3A_718 = arith.addi %mul3A_229, %add3A_717 : i32
        %swap3A_719 = arith.index_cast %add3A_718 : i32 to index
        %swap3A_720 = arith.constant 32 : index
        %swap3A_721 = tpu.vector_load %arg9[%swap3A_719, %swap3A_720] {strides = array<i32>} : memref<256x64xf32, #tpu.memory_space<vmem>>, vector<1x16xf32>,
        %swap3A_722 = vector.shape_cast %swap3A_721 : vector<1x16xf32> to vector<16xf32>
        %swap3A_723 = vector.shape_cast %mul3A_716 : vector<16xf32> to vector<1x16xf32>
        tpu.vector_store %arg9[%swap3A_719, %swap3A_720], %swap3A_723 {strides = array<i32>} : memref<256x64xf32, #tpu.memory_space<vmem>>, vector<1x16xf32>,
        %add3A_724 = arith.constant 7 : i32
        %add3A_725 = arith.addi %mul3A_229, %add3A_724 : i32
        %get3A_726 = arith.index_cast %add3A_725 : i32 to index
        %get3A_727 = arith.constant 48 : index
        %get3A_728 = tpu.vector_load %arg9[%get3A_726, %get3A_727] {strides = array<i32>} : memref<256x64xf32, #tpu.memory_space<vmem>>, vector<1x16xf32>,
        %get3A_729 = vector.shape_cast %get3A_728 : vector<1x16xf32> to vector<16xf32>
        %mul3A_730 = arith.constant 8.000000e+00 : f32
        %mul3A_731 = vector.broadcast %mul3A_730 : f32 to vector<16xf32>
        %mul3A_732 = arith.mulf %get3A_729, %mul3A_731 : vector<16xf32>
        %add3A_733 = arith.constant 7 : i32
        %add3A_734 = arith.addi %mul3A_229, %add3A_733 : i32
        %swap3A_735 = arith.index_cast %add3A_734 : i32 to index
        %swap3A_736 = arith.constant 48 : index
        %swap3A_737 = tpu.vector_load %arg9[%swap3A_735, %swap3A_736] {strides = array<i32>} : memref<256x64xf32, #tpu.memory_space<vmem>>, vector<1x16xf32>,
        %swap3A_738 = vector.shape_cast %swap3A_737 : vector<1x16xf32> to vector<16xf32>
        %swap3A_739 = vector.shape_cast %mul3A_732 : vector<16xf32> to vector<1x16xf32>
        tpu.vector_store %arg9[%swap3A_735, %swap3A_736], %swap3A_739 {strides = array<i32>} : memref<256x64xf32, #tpu.memory_space<vmem>>, vector<1x16xf32>,
      }
      %scan3A_216 = arith.constant 32 : i32
      %mul3A_217 = arith.constant 25600 : i32
      %mul3A_218 = arith.muli %add3A, %mul3A_217 : i32
      %mul3A_219 = arith.constant 256 : i32
      %mul3A_220 = arith.muli %add3A_195, %mul3A_219 : i32
      %add3A_221 = arith.addi %mul3A_218, %mul3A_220 : i32
      %multiple_of3A_222 = tpu.assume_multiple %add3A_221, 256 : i32
      %dma_start3A_223 = arith.constant 0 : i32
      %dma_start3A_224 = tpu.memref_slice %arg4[%multiple_of3A_222, %dma_start3A_223] : memref<819200x64xf32, #tpu.memory_space<hbm>> -> memref<256x64xf32, #tpu.memory_space<hbm>>
      %dma_start3A_225 = arith.constant 0 : i32
      %dma_start3A_226 = tpu.memref_slice %arg4[%multiple_of3A_222, %dma_start3A_225] : memref<819200x64xf32, #tpu.memory_space<hbm>> -> memref<256x64xf32, #tpu.memory_space<hbm>>
      tpu.enqueue_dma source(%arg9 : memref<256x64xf32, #tpu.memory_space<vmem>>) target(%dma_start3A_226 : memref<256x64xf32, #tpu.memory_space<hbm>>) target_semaphore(%arg17 : memref<!tpu.dma_semaphore, #tpu.memory_space<semaphore_mem>>)
    }
    %scan3A_66 = arith.constant 25 : i32
    %dma_wait3A = arith.constant 0 : i32
    %dma_wait3A_67 = arith.constant 0 : i32
    %dma_wait3A_68 = tpu.memref_slice %arg4[%dma_wait3A, %dma_wait3A_67] : memref<819200x64xf32, #tpu.memory_space<hbm>> -> memref<256x64xf32, #tpu.memory_space<hbm>>
    %dma_wait3A_69 = arith.constant 0 : i32
    %dma_wait3A_70 = arith.constant 0 : i32
    %dma_wait3A_71 = tpu.memref_slice %arg4[%dma_wait3A_69, %dma_wait3A_70] : memref<819200x64xf32, #tpu.memory_space<hbm>> -> memref<256x64xf32, #tpu.memory_space<hbm>>
    tpu.wait_dma2 semaphore(%arg14 : memref<!tpu.dma_semaphore, #tpu.memory_space<semaphore_mem>>) src(%arg6 : memref<256x64xf32, #tpu.memory_space<vmem>>) dst(%dma_wait3A_71 : memref<256x64xf32, #tpu.memory_space<hbm>>)
    %dma_wait3A_72 = arith.constant 0 : i32
    %dma_wait3A_73 = arith.constant 0 : i32
    %dma_wait3A_74 = tpu.memref_slice %arg4[%dma_wait3A_72, %dma_wait3A_73] : memref<819200x64xf32, #tpu.memory_space<hbm>> -> memref<256x64xf32, #tpu.memory_space<hbm>>
    %dma_wait3A_75 = arith.constant 0 : i32
    %dma_wait3A_76 = arith.constant 0 : i32
    %dma_wait3A_77 = tpu.memref_slice %arg4[%dma_wait3A_75, %dma_wait3A_76] : memref<819200x64xf32, #tpu.memory_space<hbm>> -> memref<256x64xf32, #tpu.memory_space<hbm>>
    tpu.wait_dma2 semaphore(%arg15 : memref<!tpu.dma_semaphore, #tpu.memory_space<semaphore_mem>>) src(%arg7 : memref<256x64xf32, #tpu.memory_space<vmem>>) dst(%dma_wait3A_77 : memref<256x64xf32, #tpu.memory_space<hbm>>)
    %dma_wait3A_78 = arith.constant 0 : i32
    %dma_wait3A_79 = arith.constant 0 : i32
    %dma_wait3A_80 = tpu.memref_slice %arg4[%dma_wait3A_78, %dma_wait3A_79] : memref<819200x64xf32, #tpu.memory_space<hbm>> -> memref<256x64xf32, #tpu.memory_space<hbm>>
    %dma_wait3A_81 = arith.constant 0 : i32
    %dma_wait3A_82 = arith.constant 0 : i32
    %dma_wait3A_83 = tpu.memref_slice %arg4[%dma_wait3A_81, %dma_wait3A_82] : memref<819200x64xf32, #tpu.memory_space<hbm>> -> memref<256x64xf32, #tpu.memory_space<hbm>>
    tpu.wait_dma2 semaphore(%arg16 : memref<!tpu.dma_semaphore, #tpu.memory_space<semaphore_mem>>) src(%arg8 : memref<256x64xf32, #tpu.memory_space<vmem>>) dst(%dma_wait3A_83 : memref<256x64xf32, #tpu.memory_space<hbm>>)
    %dma_wait3A_84 = arith.constant 0 : i32
    %dma_wait3A_85 = arith.constant 0 : i32
    %dma_wait3A_86 = tpu.memref_slice %arg4[%dma_wait3A_84, %dma_wait3A_85] : memref<819200x64xf32, #tpu.memory_space<hbm>> -> memref<256x64xf32, #tpu.memory_space<hbm>>
    %dma_wait3A_87 = arith.constant 0 : i32
    %dma_wait3A_88 = arith.constant 0 : i32
    %dma_wait3A_89 = tpu.memref_slice %arg4[%dma_wait3A_87, %dma_wait3A_88] : memref<819200x64xf32, #tpu.memory_space<hbm>> -> memref<256x64xf32, #tpu.memory_space<hbm>>
    tpu.wait_dma2 semaphore(%arg17 : memref<!tpu.dma_semaphore, #tpu.memory_space<semaphore_mem>>) src(%arg9 : memref<256x64xf32, #tpu.memory_space<vmem>>) dst(%dma_wait3A_89 : memref<256x64xf32, #tpu.memory_space<hbm>>)
    return
  }
}

</mosaic_0001>

<sc_bundles>
// kernel: kernel.3.cloned.1.call-start
scs
__scs_entry_jumppad:
0x0: {  	(pc) =	sbr.rel $0x88, $3  }
0x1: {  	(tag) =	ssettag $0x0;
	lr =	simm.s32 $0x1  }
0x2: {  	[smem:$0x3F9F] =	sst lr;
	_ =	strace $0xD0000000  }
0x3: {  	_ = 	snop  }
0x4: {  	_ = 	snop  }
0x5: {  	_ = 	snop  }
0x6: {  	_ = 	snop  }
0x7: {  	_ = 	snop  }
__scs_overlays_trampoline_lowered:
0x8: {  	[smem:$0x3FAE] =	sst s0  }
0x9: {  	[smem:$0x3FAF] =	sst s1  }
0xa: {  	[smem:$0x3FB0] =	sst s2  }
0xb: {  	[smem:$0x3FB1] =	sst s3  }
0xc: {  	[smem:$0x3FB2] =	sst s4  }
0xd: {  	[smem:$0x3FB3] =	sst s5  }
0xe: {  	[smem:$0x3FB4] =	sst s6  }
0xf: {  	[smem:$0x3FB5] =	sst s7  }
0x10: {  	[smem:$0x3FB6] =	sst s8  }
0x11: {  	[smem:$0x3FB7] =	sst s9;
	s0 =	simm.s32 @!p0 $0x0  }
0x12: {  	s1 =	sld [smem:$0x3F9D];
	s0 =	simm.s32 @p0 $0x1  }
0x13: {  	[smem:$0x3FB8] =	sst s0;
	s0 =	simm.s32 @!p1 $0x0  }
0x14: {  	s2 =	sld [smem:$0x3F9C];
	s0 =	simm.s32 @p1 $0x1  }
0x15: {  	[smem:$0x3FB9] =	sst s0;
	s0 =	simm.s32 @!p2 $0x0  }
0x16: {  	s3 =	sld [smem:$0x3FDB];
	s0 =	simm.s32 @p2 $0x1  }
0x17: {  	s4 =	simm.s32 $0x1BF5;
	[smem:$0x3FBB] =	sst s0  }
0x18: {  	s0 =	sld [smem:$0x3F9E];
	_ =	swait.ge [sflag:s4], $0x0  }
0x19: {  	s7 =	sld [smem:$0x3F9F]  }
0x1a: {  	s8 =	sadd.s32 $0xFFFFE003, lr  }
0x1b: {  	s9 =	sadd.s32 $0xFFFFFEF7, lr;
	s5 =	simm.s32 $0xFFFFFFFF;
	p2 =	slt.u32 s8, $0xFFFFF086  }
0x1c: {  	p1 =	slt.u32 s9, $0xF7A;
	s5 =	simm.s32 @!p2 $0x0  }
0x1d: {  	s5 =	simm.s32 @p1 $0x1;
	p0 =	seq.s32 s7, s2  }
0x1e: {  	s7 =	smul.u32 @!p0 $0xF7A, s2;
	p2 =	seq.s32 @!p0 s5, $0x0  }
0x1f: {  	s9 =	smul.u32 $0xF7A, s1;
	s8 =	simm.s32 @!p0 $0x1BF5;
	p2 =	por !p2, p0  }
0x20: {  	[sflag:s8] =	ssyncset.s32 @!p0 $0xFFFFF086;
	s6 =	sadd.s32 @!p0 s3, s7;
	s7 =	simm.s32 @!p0 $0x108  }
0x21: {  	s3 =	sadd.s32 s3, s9;
	s6 =	sadd.s32 @!p0 $0x88, s6;
	s7 =	simm.s32 @p2 $0x1082  }
0x22: {  	[simem:s7], [sflag:s8] =	dma.local @!p0 [hbm:s6], $0xF7A  }
0x23: {  	s9 =	sor.u32 $0xD0000000, s2;
	s6 =	simm.s32 $0x108;
	_ =	swait.ge @!p0 [sflag:s8], $0x0  }
0x24: {  	s3 =	sadd.s32 $0x88, s3;
	s6 =	simm.s32 @!p1 $0x1082;
	[sflag:s4] =	ssyncset.s32 $0xFFFFF086  }
0x25: {  	[simem:s6], [sflag:s4] =	dma.local [hbm:s3], $0xF7A  }
0x26: {  	[smem:$0x3F9F] =	sst s1;
	(tag) =	ssettag s2;
	_ =	strace s9  }
0x27: {  	s1 =	sld [smem:$0x3FAF]  }
0x28: {  	s2 =	sld [smem:$0x3FB0]  }
0x29: {  	s4 =	sld [smem:$0x3FB2]  }
0x2a: {  	p0 =	seq.s32 s5, $0x0;
	s5 =	sld [smem:$0x3FB3]  }
0x2b: {  	s6 =	sld [smem:$0x3FB4]  }
0x2c: {  	s7 =	sld [smem:$0x3FB5]  }
0x2d: {  	s3 =	simm.s32 $0x108;
	s8 =	sld [smem:$0x3FB6]  }
0x2e: {  	s3 =	simm.s32 @!p0 $0x1082;
	s9 =	sld [smem:$0x3FB7]  }
0x2f: {  	lr =	sadd.s32 s0, s3;
	s0 =	sld [smem:$0x3FAE]  }
0x30: {  	s3 =	sld [smem:$0x3FB1]  }
0x31: {  	[smem:$0x3FBA] =	sst s10  }
0x32: {  	s10 =	sld [smem:$0x3FB8];
	_ =	sdelay $0x3  }
0x33: {  	p0 =	seq.s32 s10, $0x1;
	s10 =	sld [smem:$0x3FBA];
	_ =	sdelay $0x3  }
0x34: {  	[smem:$0x3FBA] =	sst s10  }
0x35: {  	s10 =	sld [smem:$0x3FB9];
	_ =	sdelay $0x3  }
0x36: {  	p1 =	seq.s32 s10, $0x1;
	s10 =	sld [smem:$0x3FBA];
	_ =	sdelay $0x3  }
0x37: {  	[smem:$0x3FBA] =	sst s10  }
0x38: {  	s10 =	sld [smem:$0x3FBB]  }
0x39: {  	_ = 	snop;
	(pc) =	sbr.ind lr, $3  }
0x3a: {  	_ = 	snop  }
0x3b: {  	_ = 	snop  }
0x3c: {  	p2 =	seq.s32 s10, $0x1;
	s10 =	sld [smem:$0x3FBA]  }
0x3d: {  	_ =	shalt  }
0x3e: {  	_ =	shalt  }
0x3f: {  	_ =	shalt  }
0x40: {  	_ =	shalt  }
0x41: {  	_ =	shalt  }
0x42: {  	_ =	shalt  }
0x43: {  	_ =	shalt  }
0x44: {  	_ =	shalt  }
0x45: {  	_ =	shalt  }
0x46: {  	_ =	shalt  }
0x47: {  	_ =	shalt  }
0x48: {  	_ =	shalt  }
0x49: {  	_ =	shalt  }
0x4a: {  	_ =	shalt  }
0x4b: {  	_ =	shalt  }
0x4c: {  	_ =	shalt  }
0x4d: {  	_ =	shalt  }
0x4e: {  	_ =	shalt  }
0x4f: {  	_ =	shalt  }
0x50: {  	_ =	shalt  }
0x51: {  	_ =	shalt  }
0x52: {  	_ =	shalt  }
0x53: {  	_ =	shalt  }
0x54: {  	_ =	shalt  }
0x55: {  	_ =	shalt  }
0x56: {  	_ =	shalt  }
0x57: {  	_ =	shalt  }
0x58: {  	_ =	shalt  }
0x59: {  	_ =	shalt  }
0x5a: {  	_ =	shalt  }
0x5b: {  	_ =	shalt  }
0x5c: {  	_ =	shalt  }
0x5d: {  	_ =	shalt  }
0x5e: {  	_ =	shalt  }
0x5f: {  	_ =	shalt  }
0x60: {  	_ =	shalt  }
0x61: {  	_ =	shalt  }
0x62: {  	_ =	shalt  }
0x63: {  	_ =	shalt  }
0x64: {  	_ =	shalt  }
0x65: {  	_ =	shalt  }
0x66: {  	_ =	shalt  }
0x67: {  	_ =	shalt  }
0x68: {  	_ =	shalt  }
0x69: {  	_ =	shalt  }
0x6a: {  	_ =	shalt  }
0x6b: {  	_ =	shalt  }
0x6c: {  	_ =	shalt  }
0x6d: {  	_ =	shalt  }
0x6e: {  	_ =	shalt  }
0x6f: {  	_ =	shalt  }
0x70: {  	_ =	shalt  }
0x71: {  	_ =	shalt  }
0x72: {  	_ =	shalt  }
0x73: {  	_ =	shalt  }
0x74: {  	_ =	shalt  }
0x75: {  	_ =	shalt  }
0x76: {  	_ =	shalt  }
0x77: {  	_ =	shalt  }
0x78: {  	_ =	shalt  }
0x79: {  	_ =	shalt  }
0x7a: {  	_ =	shalt  }
0x7b: {  	_ =	shalt  }
0x7c: {  	_ =	shalt  }
0x7d: {  	_ =	shalt  }
0x7e: {  	_ =	shalt  }
0x7f: {  	_ =	shalt  }
0x80: {  	_ =	shalt  }
0x81: {  	_ =	shalt  }
0x82: {  	_ =	shalt  }
0x83: {  	_ =	shalt  }
0x84: {  	_ =	shalt  }
0x85: {  	_ =	shalt  }
0x86: {  	_ =	shalt  }
0x87: {  	_ =	shalt  }
.Lfunc_end0:
.L_simem_size_0:
called_computation.1_lowered:
.L_overlay_start_0:
0x88: {  	s2 =	sld [smem:$0x3FD9]  }
0x89: {  	s3 =	sld [smem:$0x3FFE];
	_ =	sdelay $0x1  }
0x8a: {  	s1 =	srdreg.scid  }
0x8b: {  	s0 =	sand.u32 $0x1, s1  }
0x8c: {  	s17 =	sshll.u32 s0, $0xA;
	s2 =	sadd.s32 s3, s2  }
0x8d: {  	s2 =	sadd.s32 s2, s17  }
0x8e: {  	[smem:$0x3FC6] =	sst s2  }
0x8f: {  	_ = 	snop  }
0x90: {  	s2 =	sld [smem:$0x3FD0];
	(tm) =	ssettm $0x1  }
0x91: {  	s18 =	sld [smem:$0x3FFB];
	_ =	sdelay $0x3  }
0x92: {  	_ =	strace s18  }
0x93: {  	s3 =	sld [smem:$0x3FFC];
	_ =	sdelay $0x3  }
0x94: {  	_ =	strace s3  }
0x95: {  	s3 =	sld [smem:$0x3FFD];
	_ =	sdelay $0x3  }
0x96: {  	_ =	strace s3  }
0x97: {  	_ =	strace $0x8FFFFFFF  }
0x98: {  	s19 =	sld [smem:$0x3FDB];
	_ =	sdelay $0x1  }
0x99: {  	s4 =	simm.s32 $_scs_section_size  }
0x9a: {  	s5 =	simm.s32 $_size__tile_overlayer_lowered;
	s6 =	simm.s32 $_tile_overlayer_lowered  }
0x9b: {  	s22 =	simm.s32 $0x1BFF;
	s21 =	sshll.u32 s6, $0x1;
	s3 =	sadd.s32 s4, s19  }
0x9c: {  	s7 =	simm.s32 $0x0;
	s20 =	sshll.u32 s5, $0x1;
	s5 =	sadd.s32 s21, s3  }
0x9d: {  	[timem:s7], [sflag:s22] =	dma.local [hbm:s5], s20  }
0x9e: {  	_ =	swait.ge [sflag:s22], s20  }
0x9f: {  	s4 =	ssub.s32 $0x0, s20;
	[sflag:s22] =	ssyncset.done $0x0  }
0xa0: {  	[sflag:s22] =	ssyncadd.s32 s4;
	_ =	sdelay $0x1  }
0xa1: {  	s23 =	simm.s32 $0x1B8B  }
0xa2: {  	_ =	swait.ge [sflag:s23], $0x1  }
0xa3: {  	[sflag:s23] =	ssyncset.done $0x0  }
0xa4: {  	s25 =	simm.s32 $0x1B8E;
	s24 =	sld [smem:$0x3FFE];
	[sflag:s23] =	ssyncadd.s32 $0xFFFFFFFF  }
0xa5: {  	s26 =	simm.s32 $execute0_lowered;
	[smem:$0x3FD2] =	sst s25  }
0xa6: {  	s5 =	sshll.u32 s26, $0x1;
	_ =	strace $0x80000046;
	[dreg:$0x1] =	wrdreg $0xFFFFFFFF  }
0xa7: {  	s28 =	simm.s32 $_size_execute0_lowered;
	s3 =	sadd.s32 s3, s5;
	[dreg:$0x0] =	wrdreg $0x0  }
0xa8: {  	s5 =	sshll.u32 s28, $0x1;
	[dreg:$0x2] =	wrdreg s3  }
0xa9: {  	[dreg:$0x3] =	wrdreg s5  }
0xaa: {  	[dreg:$0x4] =	wrdreg $0xC0  }
0xab: {  	_ =	task [dreg:s7], $0x5FFFF  }
0xac: {  	[dreg:$0x1] =	wrdreg $0xFFFFFFFF  }
0xad: {  	[dreg:$0x0] =	wrdreg $0x60  }
0xae: {  	[dreg:$0x2] =	wrdreg s24  }
0xaf: {  	[dreg:$0x3] =	wrdreg s2  }
0xb0: {  	[dreg:$0x4] =	wrdreg $0x9  }
0xb1: {  	_ =	task.clear_ibuf [dreg:s7], $0x5FFFF;
	_ =	strace $0x90000046  }
0xb2: {  	s29 =	simm.s32 $0x9;
	_ =	strace $0x80000048  }
0xb3: {  	_ =	swait.ge [sflag:s29], $0x1  }
0xb4: {  	[sflag:s29] =	ssyncadd.s32 $0xFFFFFFFF  }
0xb5: {  	_ =	strace $0x90000048  }
0xb6: {  	_ =	sfence  }
0xb7: {  	s30 =	sld [smem:$0x0];
	_ =	sdelay $0x2  }
0xb8: {  	s31 =	sshll.u32 s1, $0xD;
	s1 =	sshrl.u32 s1, $0x2  }
0xb9: {  	s3 =	sand.u32 $0x4000, s31;
	s1 =	sadd.s32 s1, s30  }
0xba: {  	s0 =	sor.u32 s3, s0;
	s1 =	sshll.u32 s1, $0x11  }
0xbb: {  	s0 =	sor.u32 s1, s0  }
0xbc: {  	s0 =	sadd.s32 $0x8F2B, s0  }
0xbd: {  	[sflag:s0] =	ssyncadd.remote.s32 $0x1  }
0xbe: {  	_ =	sfence.sel $0xFFFF  }
0xbf: {  	[dreg:$0x0] =	wrdreg $0xFFFFFFFF;
	(pc) =	sbr.abs _section_cstart, $3  }
0xc0: {  	[dreg:$0x1] =	wrdreg $0xFFFFFFFF  }
0xc1: {  	_ =	task.clear_ibuf [dreg:s7], $0x2FFFF;
	_ =	strace $0x9FFFFFFF  }
0xc2: {  	(tm) =	ssettm $0x7FFFFFFF  }
0xc3: {  	_ =	shalt  }
tec
execute0_lowered:
.L_overlay_start_1:
0x0: {  	(tag) =	ssettag $0x1  }
0x1: {  	s0 =	rddreg [dreg:$0x0];
	s1 =	srdreg.scid  }
0x2: {  	s3 =	stileid.u32;
	s2 =	rddreg [dreg:$0x1];
	s10 =	simm.s32 $0x9  }
0x3: {  	s11 =	simm.s32 $0x80;
	s12 =	simm.s32 $0x6400;
	s15 =	simm.s32 $0xA400  }
0x4: {  	s19 =	simm.s32 $0xE400;
	s22 =	simm.s32 $0x12400;
	s23 =	simm.s32 $0x14400  }
0x5: {  	s24 =	simm.s32 $0x1;
	s25 =	simm.s32 $0x2;
	s28 =	simm.s32 $0x4  }
0x6: {  	s29 =	simm.s32 $0x5;
	s1 =	sand.u32 $0x1, s1;
	s4 =	sshll.u32 s3, $0x1  }
0x7: {  	s30 =	simm.s32 $0x6;
	s31 =	simm.s32 $0x7;
	s6 =	sor.u32 s1, s4  }
0x8: {  	s3 =	simm.s32 $0x0;
	s1 =	ssub.s32 $0x2, s1;
	s4 =	smul.u32 $0xC80, s6  }
0x9: {  	[smem:$0x7FF] =	sst s3;
	s7 =	sshrl.u32 s1, $0x1;
	s8 =	smul.u32 $0x6400, s6  }
0xa: {  	_ =	strace $0x80000047;
	s6 =	smul.u32 $0x190000, s6;
	s26 =	ssub.s32 s1, s7  }
0xb: {  	s1 =	simm.s32 $0x8;
	s5 =	sadd.s32 s4, s0;
	s4 =	sadd.s32 $0xF42E00, s0  }
0xc: {  	s7 =	sor.u32 $0x100, s8;
	s8 =	sor.u32 $0x200, s8;
	s9 =	smax.u32 s26, $0x1  }
0xd: {  	s26 =	simm.s32 $0x3;
	s0 =	simm.s32 $0x0;
	s5 =	sadd.s32 $0xA00, s5  }
.LBB2_1:
0xe: {  	[tilespmem:s3], [sflag:$0x9] =	stream.linear.gather [hbm4b:s5+s3], $0x6400, $0x38;
	[tilespmem:$0x16400] =	vst v63  }
0xf: {  	_ =	swait.ge [sflag:s10], $0x6400  }
0x10: {  	[sflag:s10] =	ssyncset.done $0x0  }
0x11: {  	[sflag:s10] =	ssyncadd.s32 $0xFFFF9C00  }
0x12: {  	[tilespmem:s12], [sflag:$0x1] =	stream.indirect.gather [hbm4b:s4+s11], $0x40, s3, s11, $0xb8;
	[tilespmem:$0x16400] =	vst v63  }
0x13: {  	s13 =	simm.s32 $0x8400  }
0x14: {  	[tilespmem:s13], [sflag:$0x1] =	stream.indirect.gather [hbm4b:s4+s11], $0x40, s11, s11, $0xb8;
	[tilespmem:$0x16400] =	vst v63  }
0x15: {  	s16 =	simm.s32 $0x100  }
0x16: {  	[tilespmem:s15], [sflag:$0x2] =	stream.indirect.gather [hbm4b:s4+s11], $0x40, s16, s11, $0xb8;
	[tilespmem:$0x16400] =	vst v63  }
0x17: {  	s17 =	simm.s32 $0x180;
	s14 =	simm.s32 $0xC400  }
0x18: {  	[tilespmem:s14], [sflag:$0x2] =	stream.indirect.gather [hbm4b:s4+s11], $0x40, s17, s11, $0xb8;
	[tilespmem:$0x16400] =	vst v63  }
0x19: {  	s18 =	simm.s32 $0x200  }
0x1a: {  	[tilespmem:s19], [sflag:$0x3] =	stream.indirect.gather [hbm4b:s4+s11], $0x40, s18, s11, $0xb8;
	[tilespmem:$0x16400] =	vst v63  }
0x1b: {  	s20 =	simm.s32 $0x280;
	s21 =	simm.s32 $0x10400;
	s13 =	simm.s32 $0x0  }
0x1c: {  	[tilespmem:s21], [sflag:$0x3] =	stream.indirect.gather [hbm4b:s4+s11], $0x40, s20, s11, $0xb8;
	[tilespmem:$0x16400] =	vst v63  }
.LBB2_2:
0x1d: {  	p0 =	seq.s32 s13, $0x0  }
0x1e: {  	s16 =	simm.s32 @!p0 $0x8  }
0x1f: {  	s14 =	sshllo.u32 s13, $0x2;
	_ =	swait.ge @!p0 [sflag:s16], $0x4000  }
0x20: {  	s17 =	sshll.u32 s14, $0x8;
	[sflag:s16] =	ssyncset.done @!p0 $0x0  }
0x21: {  	s21 =	sand.u32 $0x3FFFFF00, s17;
	[sflag:s16] =	ssyncadd.s32 @!p0 $0xFFFFC000  }
0x22: {  	[tilespmem:s22], [sflag:$0x4] =	stream.indirect.gather [hbm4b:s4+s11], $0x40, s21, s11, $0xb8;
	[tilespmem:$0x16400] =	vst v63  }
0x23: {  	s16 =	sor.u32 $0x80, s21  }
0x24: {  	[tilespmem:s23], [sflag:$0x4] =	stream.indirect.gather [hbm4b:s4+s11], $0x40, s16, s11, $0xb8;
	[tilespmem:$0x16400] =	vst v63  }
0x25: {  	_ =	swait.ge [sflag:s24], $0x4000  }
0x26: {  	[sflag:s24] =	ssyncset.done $0x0  }
0x27: {  	s16 =	simm.s32 $0x0;
	[sflag:s24] =	ssyncadd.s32 $0xFFFFC000  }
0x28: {  	v0 =	vld [tilespmem:s16+$0x6400]  }
0x29: {  	v1 =	vld [tilespmem:s16+$0x6410]  }
0x2a: {  	v2 =	vld [tilespmem:s16+$0x6420]  }
0x2b: {  	v3 =	vld [tilespmem:s16+$0x6430]  }
0x2c: {  	v4 =	vld [tilespmem:s16+$0x6440]  }
0x2d: {  	v5 =	vld [tilespmem:s16+$0x6450];
	v0 =	vmul.f32 $8.000000000e+00, v0  }
0x2e: {  	v6 =	vld [tilespmem:s16+$0x6460];
	v1 =	vmul.f32 $8.000000000e+00, v1  }
0x2f: {  	v2 =	vmul.f32 $8.000000000e+00, v2;
	[tilespmem:s16+$0x6400] =	vst v0;
	v0 =	vld [tilespmem:s16+$0x6470]  }
0x30: {  	v3 =	vmul.f32 $8.000000000e+00, v3;
	[tilespmem:s16+$0x6410] =	vst v1;
	v1 =	vld [tilespmem:s16+$0x6480]  }
0x31: {  	v4 =	vmul.f32 $8.000000000e+00, v4;
	[tilespmem:s16+$0x6420] =	vst v2;
	v2 =	vld [tilespmem:s16+$0x6490]  }
0x32: {  	v5 =	vmul.f32 $8.000000000e+00, v5;
	[tilespmem:s16+$0x6430] =	vst v3;
	v3 =	vld [tilespmem:s16+$0x64A0]  }
0x33: {  	v6 =	vmul.f32 $8.000000000e+00, v6;
	[tilespmem:s16+$0x6440] =	vst v4;
	v4 =	vld [tilespmem:s16+$0x64B0]  }
0x34: {  	[tilespmem:s16+$0x6450] =	vst v5;
	v5 =	vld [tilespmem:s16+$0x64C0];
	v0 =	vmul.f32 $8.000000000e+00, v0  }
0x35: {  	[tilespmem:s16+$0x6460] =	vst v6;
	v6 =	vld [tilespmem:s16+$0x64D0];
	v1 =	vmul.f32 $8.000000000e+00, v1  }
0x36: {  	v2 =	vmul.f32 $8.000000000e+00, v2;
	[tilespmem:s16+$0x6470] =	vst v0;
	v0 =	vld [tilespmem:s16+$0x64E0]  }
0x37: {  	v3 =	vmul.f32 $8.000000000e+00, v3;
	[tilespmem:s16+$0x6480] =	vst v1;
	v1 =	vld [tilespmem:s16+$0x64F0]  }
0x38: {  	v4 =	vmul.f32 $8.000000000e+00, v4;
	[tilespmem:s16+$0x6490] =	vst v2;
	v2 =	vld [tilespmem:s16+$0x6500]  }
0x39: {  	v5 =	vmul.f32 $8.000000000e+00, v5;
	[tilespmem:s16+$0x64A0] =	vst v3;
	v3 =	vld [tilespmem:s16+$0x6510]  }
0x3a: {  	v6 =	vmul.f32 $8.000000000e+00, v6;
	[tilespmem:s16+$0x64B0] =	vst v4;
	v4 =	vld [tilespmem:s16+$0x6520]  }
0x3b: {  	[tilespmem:s16+$0x64C0] =	vst v5;
	v5 =	vld [tilespmem:s16+$0x6530];
	v0 =	vmul.f32 $8.000000000e+00, v0  }
0x3c: {  	[tilespmem:s16+$0x64D0] =	vst v6;
	v6 =	vld [tilespmem:s16+$0x6540]  }
0x3d: {  	v1 =	vmul.f32 $8.000000000e+00, v1;
	[tilespmem:s16+$0x64E0] =	vst v0;
	v0 =	vld [tilespmem:s16+$0x6550]  }
0x3e: {  	v2 =	vmul.f32 $8.000000000e+00, v2  }
0x3f: {  	[tilespmem:s16+$0x64F0] =	vst v1;
	v1 =	vmul.f32 $8.000000000e+00, v3;
	v3 =	vld [tilespmem:s16+$0x6570]  }
0x40: {  	v7 =	vld [tilespmem:s16+$0x6560];
	[tilespmem:s16+$0x6500] =	vst v2;
	v2 =	vmul.f32 $8.000000000e+00, v4  }
0x41: {  	v4 =	vld [tilespmem:s16+$0x6580];
	[tilespmem:s16+$0x6510] =	vst v1;
	v1 =	vmul.f32 $8.000000000e+00, v5  }
0x42: {  	[tilespmem:s16+$0x6520] =	vst v2;
	v5 =	vld [tilespmem:s16+$0x6590];
	v2 =	vmul.f32 $8.000000000e+00, v6;
	v6 =	vmul.f32 $8.000000000e+00, v0  }
0x43: {  	[tilespmem:s16+$0x6530] =	vst v1;
	v1 =	vld [tilespmem:s16+$0x65A0]  }
0x44: {  	v0 =	vld [tilespmem:s16+$0x65B0];
	[tilespmem:s16+$0x6550] =	vst v6;
	v6 =	vmul.f32 $8.000000000e+00, v3  }
0x45: {  	v7 =	vmul.f32 $8.000000000e+00, v7;
	[tilespmem:s16+$0x6540] =	vst v2;
	v2 =	vld [tilespmem:s16+$0x65C0]  }
0x46: {  	v3 =	vld [tilespmem:s16+$0x65D0];
	[tilespmem:s16+$0x6570] =	vst v6;
	v6 =	vmul.f32 $8.000000000e+00, v4  }
0x47: {  	s17 =	simm.s32 $0x800;
	[tilespmem:s16+$0x6560] =	vst v7;
	v5 =	vmul.f32 $8.000000000e+00, v5;
	v4 =	vld [tilespmem:s16+$0x65E0]  }
.LBB2_3:
0x48: {  	s18 =	sshra.s32 s17, $0x2;
	p0 =	sne.s32 s17, $0xF800;
	[tilespmem:s16+$0x6580] =	vst v6;
	v1 =	vmul.f32 $8.000000000e+00, v1;
	v6 =	vld [tilespmem:s16+$0x65F0]  }
0x49: {  	v7 =	vld [tilespmem:s18+$0x6400];
	[tilespmem:s16+$0x6590] =	vst v5;
	v0 =	vmul.f32 $8.000000000e+00, v0  }
0x4a: {  	v5 =	vld [tilespmem:s18+$0x6410];
	[tilespmem:s16+$0x65A0] =	vst v1;
	v1 =	vmul.f32 $8.000000000e+00, v2  }
0x4b: {  	v2 =	vld [tilespmem:s18+$0x6420];
	[tilespmem:s16+$0x65B0] =	vst v0;
	v0 =	vmul.f32 $8.000000000e+00, v3  }
0x4c: {  	v3 =	vld [tilespmem:s18+$0x6430];
	[tilespmem:s16+$0x65C0] =	vst v1;
	v1 =	vmul.f32 $8.000000000e+00, v4  }
0x4d: {  	v4 =	vld [tilespmem:s18+$0x6440];
	[tilespmem:s16+$0x65D0] =	vst v0;
	v0 =	vmul.f32 $8.000000000e+00, v6  }
0x4e: {  	v6 =	vmul.f32 $8.000000000e+00, v7;
	v7 =	vld [tilespmem:s18+$0x6450];
	[tilespmem:s16+$0x65E0] =	vst v1  }
0x4f: {  	v1 =	vmul.f32 $8.000000000e+00, v5;
	v5 =	vld [tilespmem:s18+$0x6460];
	[tilespmem:s16+$0x65F0] =	vst v0;
	s16 =	smov.u32 s18  }
0x50: {  	[tilespmem:s16+$0x6400] =	vst v6;
	v0 =	vmul.f32 $8.000000000e+00, v2;
	v2 =	vld [tilespmem:s16+$0x6470]  }
0x51: {  	[tilespmem:s16+$0x6410] =	vst v1;
	v1 =	vmul.f32 $8.000000000e+00, v3;
	v3 =	vld [tilespmem:s16+$0x6480]  }
0x52: {  	[tilespmem:s16+$0x6420] =	vst v0;
	v0 =	vmul.f32 $8.000000000e+00, v4;
	v4 =	vld [tilespmem:s16+$0x6490]  }
0x53: {  	[tilespmem:s16+$0x6430] =	vst v1;
	v1 =	vmul.f32 $8.000000000e+00, v7;
	v6 =	vld [tilespmem:s16+$0x64A0]  }
0x54: {  	[tilespmem:s16+$0x6440] =	vst v0;
	v0 =	vmul.f32 $8.000000000e+00, v5;
	v5 =	vld [tilespmem:s16+$0x64B0]  }
0x55: {  	[tilespmem:s16+$0x6450] =	vst v1;
	v1 =	vmul.f32 $8.000000000e+00, v2;
	v2 =	vld [tilespmem:s16+$0x64C0]  }
0x56: {  	[tilespmem:s16+$0x6460] =	vst v0;
	v0 =	vmul.f32 $8.000000000e+00, v3;
	v3 =	vld [tilespmem:s16+$0x64D0]  }
0x57: {  	[tilespmem:s16+$0x6470] =	vst v1;
	v1 =	vmul.f32 $8.000000000e+00, v4;
	v4 =	vld [tilespmem:s16+$0x64E0]  }
0x58: {  	[tilespmem:s16+$0x6480] =	vst v0;
	v0 =	vmul.f32 $8.000000000e+00, v6;
	v6 =	vld [tilespmem:s16+$0x64F0]  }
0x59: {  	[tilespmem:s16+$0x6490] =	vst v1;
	v1 =	vmul.f32 $8.000000000e+00, v5;
	v5 =	vld [tilespmem:s16+$0x6500]  }
0x5a: {  	[tilespmem:s16+$0x64A0] =	vst v0;
	v0 =	vmul.f32 $8.000000000e+00, v2;
	v2 =	vld [tilespmem:s16+$0x6510]  }
0x5b: {  	[tilespmem:s16+$0x64B0] =	vst v1;
	v1 =	vmul.f32 $8.000000000e+00, v3;
	v3 =	vld [tilespmem:s16+$0x6520]  }
0x5c: {  	[tilespmem:s16+$0x64C0] =	vst v0;
	v0 =	vmul.f32 $8.000000000e+00, v4;
	v4 =	vld [tilespmem:s16+$0x6530]  }
0x5d: {  	[tilespmem:s16+$0x64D0] =	vst v1;
	v1 =	vmul.f32 $8.000000000e+00, v6;
	v6 =	vld [tilespmem:s16+$0x6540]  }
0x5e: {  	[tilespmem:s16+$0x64E0] =	vst v0;
	v0 =	vmul.f32 $8.000000000e+00, v5;
	v5 =	vld [tilespmem:s16+$0x6550]  }
0x5f: {  	[tilespmem:s16+$0x64F0] =	vst v1;
	v1 =	vmul.f32 $8.000000000e+00, v2;
	v2 =	vld [tilespmem:s16+$0x6560]  }
0x60: {  	[tilespmem:s16+$0x6500] =	vst v0;
	v0 =	vmul.f32 $8.000000000e+00, v3;
	v3 =	vld [tilespmem:s16+$0x6570]  }
0x61: {  	[tilespmem:s16+$0x6510] =	vst v1;
	v1 =	vmul.f32 $8.000000000e+00, v4;
	v4 =	vld [tilespmem:s16+$0x6580]  }
0x62: {  	[tilespmem:s16+$0x6520] =	vst v0;
	v0 =	vmul.f32 $8.000000000e+00, v6;
	v7 =	vld [tilespmem:s16+$0x6590]  }
.Ltmp0:
0x63: {  	[tilespmem:s16+$0x6530] =	vst v1;
	v5 =	vmul.f32 $8.000000000e+00, v5;
	v1 =	vld [tilespmem:s16+$0x65A0];
	(pc) =	sbr.rel @p0 .LBB2_3-.Ltmp0, $4  }
0x64: {  	[tilespmem:s16+$0x6540] =	vst v0;
	v6 =	vmul.f32 $8.000000000e+00, v2;
	v0 =	vld [tilespmem:s16+$0x65B0]  }
0x65: {  	[tilespmem:s16+$0x6550] =	vst v5;
	v5 =	vmul.f32 $8.000000000e+00, v3;
	v2 =	vld [tilespmem:s16+$0x65C0]  }
0x66: {  	[tilespmem:s16+$0x6560] =	vst v6;
	v6 =	vmul.f32 $8.000000000e+00, v4;
	v3 =	vld [tilespmem:s16+$0x65D0]  }
0x67: {  	s17 =	sadd.s32 $0x800, s17;
	[tilespmem:s16+$0x6570] =	vst v5;
	v5 =	vmul.f32 $8.000000000e+00, v7;
	v4 =	vld [tilespmem:s16+$0x65E0]  }
0x68: {  	[tilespmem:s16+$0x6580] =	vst v6;
	v1 =	vmul.f32 $8.000000000e+00, v1;
	v6 =	vld [tilespmem:s16+$0x65F0]  }
0x69: {  	[tilespmem:s16+$0x6590] =	vst v5;
	v0 =	vmul.f32 $8.000000000e+00, v0  }
0x6a: {  	[tilespmem:s16+$0x65A0] =	vst v1;
	v1 =	vmul.f32 $8.000000000e+00, v2  }
0x6b: {  	[tilespmem:s16+$0x65B0] =	vst v0;
	v0 =	vmul.f32 $8.000000000e+00, v3  }
0x6c: {  	s17 =	sshll.u32 s13, $0x10;
	[tilespmem:s16+$0x65C0] =	vst v1;
	v1 =	vmul.f32 $8.000000000e+00, v4  }
0x6d: {  	s17 =	sadd.s32 s6, s17;
	[tilespmem:s16+$0x65D0] =	vst v0;
	v0 =	vmul.f32 $8.000000000e+00, v6  }
0x6e: {  	p0 =	seq.s32 s13, $0x18;
	s17 =	sshrl.u32 s17, $0x3;
	[tilespmem:s16+$0x65E0] =	vst v1  }
0x6f: {  	s21 =	sadd.s32 s2, s17;
	[tilespmem:s16+$0x65F0] =	vst v0;
	s16 =	simm.s32 @!p0 $0x5  }
0x70: {  	[hbm4b:s21+s3] =	stream.linear.scatter [tilespmem:s12], [sflag:$0x5], $0x4000, $0x38;
	[tilespmem:$0x16400] =	vst v63  }
0x71: {  	_ =	swait.ge @!p0 [sflag:s16], $0x4000  }
0x72: {  	s17 =	sshll.u32 @!p0 s13, $0xA;
	[sflag:s16] =	ssyncset.done @!p0 $0x0  }
0x73: {  	[sflag:s16] =	ssyncadd.s32 @!p0 $0xFFFFC000;
	s16 =	sand.u32 @!p0 $0x3FFFFC00, s17  }
0x74: {  	s18 =	simm.s32 @!p0 $0x80;
	s20 =	simm.s32 @!p0 $0x6400;
	s17 =	sadd.s32 @!p0 $0x400, s16  }
0x75: {  	[tilespmem:s20], [sflag:$0x1] =	stream.indirect.gather @!p0 [hbm4b:s4+s18], $0x40, s17, s18, $0xb8;
	[tilespmem:$0x16400] =	vst v63  }
0x76: {  	s17 =	sadd.s32 @!p0 $0x480, s16;
	s20 =	simm.s32 @!p0 $0x8400  }
0x77: {  	[tilespmem:s20], [sflag:$0x1] =	stream.indirect.gather @!p0 [hbm4b:s4+s18], $0x40, s17, s18, $0xb8;
	[tilespmem:$0x16400] =	vst v63  }
0x78: {  	_ =	swait.ge [sflag:s25], $0x4000  }
0x79: {  	[sflag:s25] =	ssyncset.done $0x0  }
0x7a: {  	s18 =	simm.s32 $0x0;
	[sflag:s25] =	ssyncadd.s32 $0xFFFFC000  }
0x7b: {  	v0 =	vld [tilespmem:s18+$0xA400]  }
0x7c: {  	v1 =	vld [tilespmem:s18+$0xA410]  }
0x7d: {  	v2 =	vld [tilespmem:s18+$0xA420]  }
0x7e: {  	v3 =	vld [tilespmem:s18+$0xA430]  }
0x7f: {  	v4 =	vld [tilespmem:s18+$0xA440]  }
0x80: {  	v5 =	vld [tilespmem:s18+$0xA450];
	v0 =	vmul.f32 $8.000000000e+00, v0  }
0x81: {  	v6 =	vld [tilespmem:s18+$0xA460];
	v1 =	vmul.f32 $8.000000000e+00, v1  }
0x82: {  	v2 =	vmul.f32 $8.000000000e+00, v2;
	[tilespmem:s18+$0xA400] =	vst v0;
	v0 =	vld [tilespmem:s18+$0xA470]  }
0x83: {  	v3 =	vmul.f32 $8.000000000e+00, v3;
	[tilespmem:s18+$0xA410] =	vst v1;
	v1 =	vld [tilespmem:s18+$0xA480]  }
0x84: {  	v4 =	vmul.f32 $8.000000000e+00, v4;
	[tilespmem:s18+$0xA420] =	vst v2;
	v2 =	vld [tilespmem:s18+$0xA490]  }
0x85: {  	v5 =	vmul.f32 $8.000000000e+00, v5;
	[tilespmem:s18+$0xA430] =	vst v3;
	v3 =	vld [tilespmem:s18+$0xA4A0]  }
0x86: {  	v6 =	vmul.f32 $8.000000000e+00, v6;
	[tilespmem:s18+$0xA440] =	vst v4;
	v4 =	vld [tilespmem:s18+$0xA4B0]  }
0x87: {  	[tilespmem:s18+$0xA450] =	vst v5;
	v5 =	vld [tilespmem:s18+$0xA4C0];
	v0 =	vmul.f32 $8.000000000e+00, v0  }
0x88: {  	[tilespmem:s18+$0xA460] =	vst v6;
	v6 =	vld [tilespmem:s18+$0xA4D0];
	v1 =	vmul.f32 $8.000000000e+00, v1  }
0x89: {  	v2 =	vmul.f32 $8.000000000e+00, v2;
	[tilespmem:s18+$0xA470] =	vst v0;
	v0 =	vld [tilespmem:s18+$0xA4E0]  }
0x8a: {  	v3 =	vmul.f32 $8.000000000e+00, v3;
	[tilespmem:s18+$0xA480] =	vst v1;
	v1 =	vld [tilespmem:s18+$0xA4F0]  }
0x8b: {  	v4 =	vmul.f32 $8.000000000e+00, v4;
	[tilespmem:s18+$0xA490] =	vst v2;
	v2 =	vld [tilespmem:s18+$0xA500]  }
0x8c: {  	v5 =	vmul.f32 $8.000000000e+00, v5;
	[tilespmem:s18+$0xA4A0] =	vst v3;
	v3 =	vld [tilespmem:s18+$0xA510]  }
0x8d: {  	v6 =	vmul.f32 $8.000000000e+00, v6;
	[tilespmem:s18+$0xA4B0] =	vst v4;
	v4 =	vld [tilespmem:s18+$0xA520]  }
0x8e: {  	[tilespmem:s18+$0xA4C0] =	vst v5;
	v5 =	vld [tilespmem:s18+$0xA530];
	v0 =	vmul.f32 $8.000000000e+00, v0  }
0x8f: {  	[tilespmem:s18+$0xA4D0] =	vst v6;
	v6 =	vld [tilespmem:s18+$0xA540]  }
0x90: {  	v1 =	vmul.f32 $8.000000000e+00, v1;
	[tilespmem:s18+$0xA4E0] =	vst v0;
	v0 =	vld [tilespmem:s18+$0xA550]  }
0x91: {  	v2 =	vmul.f32 $8.000000000e+00, v2  }
0x92: {  	[tilespmem:s18+$0xA4F0] =	vst v1;
	v1 =	vmul.f32 $8.000000000e+00, v3;
	v3 =	vld [tilespmem:s18+$0xA570]  }
0x93: {  	v7 =	vld [tilespmem:s18+$0xA560];
	[tilespmem:s18+$0xA500] =	vst v2;
	v2 =	vmul.f32 $8.000000000e+00, v4  }
0x94: {  	v4 =	vld [tilespmem:s18+$0xA580];
	[tilespmem:s18+$0xA510] =	vst v1;
	v1 =	vmul.f32 $8.000000000e+00, v5  }
0x95: {  	[tilespmem:s18+$0xA520] =	vst v2;
	v5 =	vld [tilespmem:s18+$0xA590];
	v2 =	vmul.f32 $8.000000000e+00, v6;
	v6 =	vmul.f32 $8.000000000e+00, v0  }
0x96: {  	[tilespmem:s18+$0xA530] =	vst v1;
	v1 =	vld [tilespmem:s18+$0xA5A0]  }
0x97: {  	v0 =	vld [tilespmem:s18+$0xA5B0];
	[tilespmem:s18+$0xA550] =	vst v6;
	v6 =	vmul.f32 $8.000000000e+00, v3  }
0x98: {  	v7 =	vmul.f32 $8.000000000e+00, v7;
	[tilespmem:s18+$0xA540] =	vst v2;
	v2 =	vld [tilespmem:s18+$0xA5C0]  }
0x99: {  	v3 =	vld [tilespmem:s18+$0xA5D0];
	[tilespmem:s18+$0xA570] =	vst v6;
	v6 =	vmul.f32 $8.000000000e+00, v4  }
0x9a: {  	s17 =	simm.s32 $0x800;
	[tilespmem:s18+$0xA560] =	vst v7;
	v5 =	vmul.f32 $8.000000000e+00, v5;
	v4 =	vld [tilespmem:s18+$0xA5E0]  }
.LBB2_5:
0x9b: {  	s20 =	sshra.s32 s17, $0x2;
	p1 =	sne.s32 s17, $0xF800;
	[tilespmem:s18+$0xA580] =	vst v6;
	v1 =	vmul.f32 $8.000000000e+00, v1;
	v6 =	vld [tilespmem:s18+$0xA5F0]  }
0x9c: {  	v7 =	vld [tilespmem:s20+$0xA400];
	[tilespmem:s18+$0xA590] =	vst v5;
	v0 =	vmul.f32 $8.000000000e+00, v0  }
0x9d: {  	v5 =	vld [tilespmem:s20+$0xA410];
	[tilespmem:s18+$0xA5A0] =	vst v1;
	v1 =	vmul.f32 $8.000000000e+00, v2  }
0x9e: {  	v2 =	vld [tilespmem:s20+$0xA420];
	[tilespmem:s18+$0xA5B0] =	vst v0;
	v0 =	vmul.f32 $8.000000000e+00, v3  }
0x9f: {  	v3 =	vld [tilespmem:s20+$0xA430];
	[tilespmem:s18+$0xA5C0] =	vst v1;
	v1 =	vmul.f32 $8.000000000e+00, v4  }
0xa0: {  	v4 =	vld [tilespmem:s20+$0xA440];
	[tilespmem:s18+$0xA5D0] =	vst v0;
	v0 =	vmul.f32 $8.000000000e+00, v6  }
0xa1: {  	v6 =	vmul.f32 $8.000000000e+00, v7;
	v7 =	vld [tilespmem:s20+$0xA450];
	[tilespmem:s18+$0xA5E0] =	vst v1  }
0xa2: {  	v1 =	vmul.f32 $8.000000000e+00, v5;
	v5 =	vld [tilespmem:s20+$0xA460];
	[tilespmem:s18+$0xA5F0] =	vst v0;
	s18 =	smov.u32 s20  }
0xa3: {  	[tilespmem:s18+$0xA400] =	vst v6;
	v0 =	vmul.f32 $8.000000000e+00, v2;
	v2 =	vld [tilespmem:s18+$0xA470]  }
0xa4: {  	[tilespmem:s18+$0xA410] =	vst v1;
	v1 =	vmul.f32 $8.000000000e+00, v3;
	v3 =	vld [tilespmem:s18+$0xA480]  }
0xa5: {  	[tilespmem:s18+$0xA420] =	vst v0;
	v0 =	vmul.f32 $8.000000000e+00, v4;
	v4 =	vld [tilespmem:s18+$0xA490]  }
0xa6: {  	[tilespmem:s18+$0xA430] =	vst v1;
	v1 =	vmul.f32 $8.000000000e+00, v7;
	v6 =	vld [tilespmem:s18+$0xA4A0]  }
0xa7: {  	[tilespmem:s18+$0xA440] =	vst v0;
	v0 =	vmul.f32 $8.000000000e+00, v5;
	v5 =	vld [tilespmem:s18+$0xA4B0]  }
0xa8: {  	[tilespmem:s18+$0xA450] =	vst v1;
	v1 =	vmul.f32 $8.000000000e+00, v2;
	v2 =	vld [tilespmem:s18+$0xA4C0]  }
0xa9: {  	[tilespmem:s18+$0xA460] =	vst v0;
	v0 =	vmul.f32 $8.000000000e+00, v3;
	v3 =	vld [tilespmem:s18+$0xA4D0]  }
0xaa: {  	[tilespmem:s18+$0xA470] =	vst v1;
	v1 =	vmul.f32 $8.000000000e+00, v4;
	v4 =	vld [tilespmem:s18+$0xA4E0]  }
0xab: {  	[tilespmem:s18+$0xA480] =	vst v0;
	v0 =	vmul.f32 $8.000000000e+00, v6;
	v6 =	vld [tilespmem:s18+$0xA4F0]  }
0xac: {  	[tilespmem:s18+$0xA490] =	vst v1;
	v1 =	vmul.f32 $8.000000000e+00, v5;
	v5 =	vld [tilespmem:s18+$0xA500]  }
0xad: {  	[tilespmem:s18+$0xA4A0] =	vst v0;
	v0 =	vmul.f32 $8.000000000e+00, v2;
	v2 =	vld [tilespmem:s18+$0xA510]  }
0xae: {  	[tilespmem:s18+$0xA4B0] =	vst v1;
	v1 =	vmul.f32 $8.000000000e+00, v3;
	v3 =	vld [tilespmem:s18+$0xA520]  }
0xaf: {  	[tilespmem:s18+$0xA4C0] =	vst v0;
	v0 =	vmul.f32 $8.000000000e+00, v4;
	v4 =	vld [tilespmem:s18+$0xA530]  }
0xb0: {  	[tilespmem:s18+$0xA4D0] =	vst v1;
	v1 =	vmul.f32 $8.000000000e+00, v6;
	v6 =	vld [tilespmem:s18+$0xA540]  }
0xb1: {  	[tilespmem:s18+$0xA4E0] =	vst v0;
	v0 =	vmul.f32 $8.000000000e+00, v5;
	v5 =	vld [tilespmem:s18+$0xA550]  }
0xb2: {  	[tilespmem:s18+$0xA4F0] =	vst v1;
	v1 =	vmul.f32 $8.000000000e+00, v2;
	v2 =	vld [tilespmem:s18+$0xA560]  }
0xb3: {  	[tilespmem:s18+$0xA500] =	vst v0;
	v0 =	vmul.f32 $8.000000000e+00, v3;
	v3 =	vld [tilespmem:s18+$0xA570]  }
0xb4: {  	[tilespmem:s18+$0xA510] =	vst v1;
	v1 =	vmul.f32 $8.000000000e+00, v4;
	v4 =	vld [tilespmem:s18+$0xA580]  }
0xb5: {  	[tilespmem:s18+$0xA520] =	vst v0;
	v0 =	vmul.f32 $8.000000000e+00, v6;
	v7 =	vld [tilespmem:s18+$0xA590]  }
.Ltmp1:
0xb6: {  	[tilespmem:s18+$0xA530] =	vst v1;
	v5 =	vmul.f32 $8.000000000e+00, v5;
	v1 =	vld [tilespmem:s18+$0xA5A0];
	(pc) =	sbr.rel @p1 .LBB2_5-.Ltmp1, $4  }
0xb7: {  	[tilespmem:s18+$0xA540] =	vst v0;
	v6 =	vmul.f32 $8.000000000e+00, v2;
	v0 =	vld [tilespmem:s18+$0xA5B0]  }
0xb8: {  	[tilespmem:s18+$0xA550] =	vst v5;
	v5 =	vmul.f32 $8.000000000e+00, v3;
	v2 =	vld [tilespmem:s18+$0xA5C0]  }
0xb9: {  	[tilespmem:s18+$0xA560] =	vst v6;
	v6 =	vmul.f32 $8.000000000e+00, v4;
	v3 =	vld [tilespmem:s18+$0xA5D0]  }
0xba: {  	s17 =	sadd.s32 $0x800, s17;
	[tilespmem:s18+$0xA570] =	vst v5;
	v5 =	vmul.f32 $8.000000000e+00, v7;
	v4 =	vld [tilespmem:s18+$0xA5E0]  }
0xbb: {  	[tilespmem:s18+$0xA580] =	vst v6;
	v1 =	vmul.f32 $8.000000000e+00, v1;
	v6 =	vld [tilespmem:s18+$0xA5F0]  }
0xbc: {  	[tilespmem:s18+$0xA590] =	vst v5;
	v0 =	vmul.f32 $8.000000000e+00, v0  }
0xbd: {  	[tilespmem:s18+$0xA5A0] =	vst v1;
	v1 =	vmul.f32 $8.000000000e+00, v2  }
0xbe: {  	s17 =	sshll.u32 s13, $0xA;
	[tilespmem:s18+$0xA5B0] =	vst v0;
	v0 =	vmul.f32 $8.000000000e+00, v3  }
0xbf: {  	s20 =	sadd.s32 s17, s7;
	[tilespmem:s18+$0xA5C0] =	vst v1;
	v1 =	vmul.f32 $8.000000000e+00, v4  }
0xc0: {  	s20 =	sshll.u32 s20, $0x3;
	[tilespmem:s18+$0xA5D0] =	vst v0;
	v0 =	vmul.f32 $8.000000000e+00, v6  }
0xc1: {  	s20 =	sand.u32 $0x1FFFE800, s20;
	[tilespmem:s18+$0xA5E0] =	vst v1  }
0xc2: {  	s21 =	sadd.s32 s2, s20;
	[tilespmem:s18+$0xA5F0] =	vst v0;
	s18 =	simm.s32 @!p0 $0x6  }
0xc3: {  	[hbm4b:s21+s3] =	stream.linear.scatter [tilespmem:s15], [sflag:$0x6], $0x4000, $0x38;
	[tilespmem:$0x16400] =	vst v63  }
0xc4: {  	_ =	swait.ge @!p0 [sflag:s18], $0x4000  }
0xc5: {  	s20 =	simm.s32 @!p0 $0x80;
	[sflag:s18] =	ssyncset.done @!p0 $0x0  }
0xc6: {  	s21 =	simm.s32 @!p0 $0xA400;
	[sflag:s18] =	ssyncadd.s32 @!p0 $0xFFFFC000;
	s18 =	sadd.s32 @!p0 $0x500, s16  }
0xc7: {  	[tilespmem:s21], [sflag:$0x2] =	stream.indirect.gather @!p0 [hbm4b:s4+s20], $0x40, s18, s20, $0xb8;
	[tilespmem:$0x16400] =	vst v63  }
0xc8: {  	s18 =	sadd.s32 @!p0 $0x580, s16;
	s21 =	simm.s32 @!p0 $0xC400  }
0xc9: {  	[tilespmem:s21], [sflag:$0x2] =	stream.indirect.gather @!p0 [hbm4b:s4+s20], $0x40, s18, s20, $0xb8;
	[tilespmem:$0x16400] =	vst v63  }
0xca: {  	_ =	swait.ge [sflag:s26], $0x4000  }
0xcb: {  	[sflag:s26] =	ssyncset.done $0x0  }
0xcc: {  	s18 =	simm.s32 $0x0;
	[sflag:s26] =	ssyncadd.s32 $0xFFFFC000  }
0xcd: {  	v0 =	vld [tilespmem:s18+$0xE400]  }
0xce: {  	v1 =	vld [tilespmem:s18+$0xE410]  }
0xcf: {  	v2 =	vld [tilespmem:s18+$0xE420]  }
0xd0: {  	v3 =	vld [tilespmem:s18+$0xE430]  }
0xd1: {  	v4 =	vld [tilespmem:s18+$0xE440]  }
0xd2: {  	v5 =	vld [tilespmem:s18+$0xE450];
	v0 =	vmul.f32 $8.000000000e+00, v0  }
0xd3: {  	v6 =	vld [tilespmem:s18+$0xE460];
	v1 =	vmul.f32 $8.000000000e+00, v1  }
0xd4: {  	v2 =	vmul.f32 $8.000000000e+00, v2;
	[tilespmem:s18+$0xE400] =	vst v0;
	v0 =	vld [tilespmem:s18+$0xE470]  }
0xd5: {  	v3 =	vmul.f32 $8.000000000e+00, v3;
	[tilespmem:s18+$0xE410] =	vst v1;
	v1 =	vld [tilespmem:s18+$0xE480]  }
0xd6: {  	v4 =	vmul.f32 $8.000000000e+00, v4;
	[tilespmem:s18+$0xE420] =	vst v2;
	v2 =	vld [tilespmem:s18+$0xE490]  }
0xd7: {  	v5 =	vmul.f32 $8.000000000e+00, v5;
	[tilespmem:s18+$0xE430] =	vst v3;
	v3 =	vld [tilespmem:s18+$0xE4A0]  }
0xd8: {  	v6 =	vmul.f32 $8.000000000e+00, v6;
	[tilespmem:s18+$0xE440] =	vst v4;
	v4 =	vld [tilespmem:s18+$0xE4B0]  }
0xd9: {  	[tilespmem:s18+$0xE450] =	vst v5;
	v5 =	vld [tilespmem:s18+$0xE4C0];
	v0 =	vmul.f32 $8.000000000e+00, v0  }
0xda: {  	[tilespmem:s18+$0xE460] =	vst v6;
	v6 =	vld [tilespmem:s18+$0xE4D0];
	v1 =	vmul.f32 $8.000000000e+00, v1  }
0xdb: {  	v2 =	vmul.f32 $8.000000000e+00, v2;
	[tilespmem:s18+$0xE470] =	vst v0;
	v0 =	vld [tilespmem:s18+$0xE4E0]  }
0xdc: {  	v3 =	vmul.f32 $8.000000000e+00, v3;
	[tilespmem:s18+$0xE480] =	vst v1;
	v1 =	vld [tilespmem:s18+$0xE4F0]  }
0xdd: {  	v4 =	vmul.f32 $8.000000000e+00, v4;
	[tilespmem:s18+$0xE490] =	vst v2;
	v2 =	vld [tilespmem:s18+$0xE500]  }
0xde: {  	v5 =	vmul.f32 $8.000000000e+00, v5;
	[tilespmem:s18+$0xE4A0] =	vst v3;
	v3 =	vld [tilespmem:s18+$0xE510]  }
0xdf: {  	v6 =	vmul.f32 $8.000000000e+00, v6;
	[tilespmem:s18+$0xE4B0] =	vst v4;
	v4 =	vld [tilespmem:s18+$0xE520]  }
0xe0: {  	[tilespmem:s18+$0xE4C0] =	vst v5;
	v5 =	vld [tilespmem:s18+$0xE530];
	v0 =	vmul.f32 $8.000000000e+00, v0  }
0xe1: {  	[tilespmem:s18+$0xE4D0] =	vst v6;
	v6 =	vld [tilespmem:s18+$0xE540]  }
0xe2: {  	v1 =	vmul.f32 $8.000000000e+00, v1;
	[tilespmem:s18+$0xE4E0] =	vst v0;
	v0 =	vld [tilespmem:s18+$0xE550]  }
0xe3: {  	v2 =	vmul.f32 $8.000000000e+00, v2  }
0xe4: {  	[tilespmem:s18+$0xE4F0] =	vst v1;
	v1 =	vmul.f32 $8.000000000e+00, v3;
	v3 =	vld [tilespmem:s18+$0xE570]  }
0xe5: {  	v7 =	vld [tilespmem:s18+$0xE560];
	[tilespmem:s18+$0xE500] =	vst v2;
	v2 =	vmul.f32 $8.000000000e+00, v4  }
0xe6: {  	v4 =	vld [tilespmem:s18+$0xE580];
	[tilespmem:s18+$0xE510] =	vst v1;
	v1 =	vmul.f32 $8.000000000e+00, v5  }
0xe7: {  	[tilespmem:s18+$0xE520] =	vst v2;
	v5 =	vld [tilespmem:s18+$0xE590];
	v2 =	vmul.f32 $8.000000000e+00, v6;
	v6 =	vmul.f32 $8.000000000e+00, v0  }
0xe8: {  	[tilespmem:s18+$0xE530] =	vst v1;
	v1 =	vld [tilespmem:s18+$0xE5A0]  }
0xe9: {  	v0 =	vld [tilespmem:s18+$0xE5B0];
	[tilespmem:s18+$0xE550] =	vst v6;
	v6 =	vmul.f32 $8.000000000e+00, v3  }
0xea: {  	v7 =	vmul.f32 $8.000000000e+00, v7;
	[tilespmem:s18+$0xE540] =	vst v2;
	v2 =	vld [tilespmem:s18+$0xE5C0]  }
0xeb: {  	v3 =	vld [tilespmem:s18+$0xE5D0];
	[tilespmem:s18+$0xE570] =	vst v6;
	v6 =	vmul.f32 $8.000000000e+00, v4  }
0xec: {  	s20 =	simm.s32 $0x800;
	[tilespmem:s18+$0xE560] =	vst v7;
	v5 =	vmul.f32 $8.000000000e+00, v5;
	v4 =	vld [tilespmem:s18+$0xE5E0]  }
.LBB2_7:
0xed: {  	s21 =	sshra.s32 s20, $0x2;
	p1 =	sne.s32 s20, $0xF800;
	[tilespmem:s18+$0xE580] =	vst v6;
	v1 =	vmul.f32 $8.000000000e+00, v1;
	v6 =	vld [tilespmem:s18+$0xE5F0]  }
0xee: {  	v7 =	vld [tilespmem:s21+$0xE400];
	[tilespmem:s18+$0xE590] =	vst v5;
	v0 =	vmul.f32 $8.000000000e+00, v0  }
0xef: {  	v5 =	vld [tilespmem:s21+$0xE410];
	[tilespmem:s18+$0xE5A0] =	vst v1;
	v1 =	vmul.f32 $8.000000000e+00, v2  }
0xf0: {  	v2 =	vld [tilespmem:s21+$0xE420];
	[tilespmem:s18+$0xE5B0] =	vst v0;
	v0 =	vmul.f32 $8.000000000e+00, v3  }
0xf1: {  	v3 =	vld [tilespmem:s21+$0xE430];
	[tilespmem:s18+$0xE5C0] =	vst v1;
	v1 =	vmul.f32 $8.000000000e+00, v4  }
0xf2: {  	v4 =	vld [tilespmem:s21+$0xE440];
	[tilespmem:s18+$0xE5D0] =	vst v0;
	v0 =	vmul.f32 $8.000000000e+00, v6  }
0xf3: {  	v6 =	vmul.f32 $8.000000000e+00, v7;
	v7 =	vld [tilespmem:s21+$0xE450];
	[tilespmem:s18+$0xE5E0] =	vst v1  }
0xf4: {  	v1 =	vmul.f32 $8.000000000e+00, v5;
	v5 =	vld [tilespmem:s21+$0xE460];
	[tilespmem:s18+$0xE5F0] =	vst v0;
	s18 =	smov.u32 s21  }
0xf5: {  	[tilespmem:s18+$0xE400] =	vst v6;
	v0 =	vmul.f32 $8.000000000e+00, v2;
	v2 =	vld [tilespmem:s18+$0xE470]  }
0xf6: {  	[tilespmem:s18+$0xE410] =	vst v1;
	v1 =	vmul.f32 $8.000000000e+00, v3;
	v3 =	vld [tilespmem:s18+$0xE480]  }
0xf7: {  	[tilespmem:s18+$0xE420] =	vst v0;
	v0 =	vmul.f32 $8.000000000e+00, v4;
	v4 =	vld [tilespmem:s18+$0xE490]  }
0xf8: {  	[tilespmem:s18+$0xE430] =	vst v1;
	v1 =	vmul.f32 $8.000000000e+00, v7;
	v6 =	vld [tilespmem:s18+$0xE4A0]  }
0xf9: {  	[tilespmem:s18+$0xE440] =	vst v0;
	v0 =	vmul.f32 $8.000000000e+00, v5;
	v5 =	vld [tilespmem:s18+$0xE4B0]  }
0xfa: {  	[tilespmem:s18+$0xE450] =	vst v1;
	v1 =	vmul.f32 $8.000000000e+00, v2;
	v2 =	vld [tilespmem:s18+$0xE4C0]  }
0xfb: {  	[tilespmem:s18+$0xE460] =	vst v0;
	v0 =	vmul.f32 $8.000000000e+00, v3;
	v3 =	vld [tilespmem:s18+$0xE4D0]  }
0xfc: {  	[tilespmem:s18+$0xE470] =	vst v1;
	v1 =	vmul.f32 $8.000000000e+00, v4;
	v4 =	vld [tilespmem:s18+$0xE4E0]  }
0xfd: {  	[tilespmem:s18+$0xE480] =	vst v0;
	v0 =	vmul.f32 $8.000000000e+00, v6;
	v6 =	vld [tilespmem:s18+$0xE4F0]  }
0xfe: {  	[tilespmem:s18+$0xE490] =	vst v1;
	v1 =	vmul.f32 $8.000000000e+00, v5;
	v5 =	vld [tilespmem:s18+$0xE500]  }
0xff: {  	[tilespmem:s18+$0xE4A0] =	vst v0;
	v0 =	vmul.f32 $8.000000000e+00, v2;
	v2 =	vld [tilespmem:s18+$0xE510]  }
0x100: {  	[tilespmem:s18+$0xE4B0] =	vst v1;
	v1 =	vmul.f32 $8.000000000e+00, v3;
	v3 =	vld [tilespmem:s18+$0xE520]  }
0x101: {  	[tilespmem:s18+$0xE4C0] =	vst v0;
	v0 =	vmul.f32 $8.000000000e+00, v4;
	v4 =	vld [tilespmem:s18+$0xE530]  }
0x102: {  	[tilespmem:s18+$0xE4D0] =	vst v1;
	v1 =	vmul.f32 $8.000000000e+00, v6;
	v6 =	vld [tilespmem:s18+$0xE540]  }
0x103: {  	[tilespmem:s18+$0xE4E0] =	vst v0;
	v0 =	vmul.f32 $8.000000000e+00, v5;
	v5 =	vld [tilespmem:s18+$0xE550]  }
0x104: {  	[tilespmem:s18+$0xE4F0] =	vst v1;
	v1 =	vmul.f32 $8.000000000e+00, v2;
	v2 =	vld [tilespmem:s18+$0xE560]  }
0x105: {  	[tilespmem:s18+$0xE500] =	vst v0;
	v0 =	vmul.f32 $8.000000000e+00, v3;
	v3 =	vld [tilespmem:s18+$0xE570]  }
0x106: {  	[tilespmem:s18+$0xE510] =	vst v1;
	v1 =	vmul.f32 $8.000000000e+00, v4;
	v4 =	vld [tilespmem:s18+$0xE580]  }
0x107: {  	[tilespmem:s18+$0xE520] =	vst v0;
	v0 =	vmul.f32 $8.000000000e+00, v6;
	v7 =	vld [tilespmem:s18+$0xE590]  }
.Ltmp2:
0x108: {  	[tilespmem:s18+$0xE530] =	vst v1;
	v5 =	vmul.f32 $8.000000000e+00, v5;
	v1 =	vld [tilespmem:s18+$0xE5A0];
	(pc) =	sbr.rel @p1 .LBB2_7-.Ltmp2, $4  }
0x109: {  	[tilespmem:s18+$0xE540] =	vst v0;
	v6 =	vmul.f32 $8.000000000e+00, v2;
	v0 =	vld [tilespmem:s18+$0xE5B0]  }
0x10a: {  	[tilespmem:s18+$0xE550] =	vst v5;
	v5 =	vmul.f32 $8.000000000e+00, v3;
	v2 =	vld [tilespmem:s18+$0xE5C0]  }
0x10b: {  	[tilespmem:s18+$0xE560] =	vst v6;
	v6 =	vmul.f32 $8.000000000e+00, v4;
	v3 =	vld [tilespmem:s18+$0xE5D0]  }
0x10c: {  	s20 =	sadd.s32 $0x800, s20;
	[tilespmem:s18+$0xE570] =	vst v5;
	v5 =	vmul.f32 $8.000000000e+00, v7;
	v4 =	vld [tilespmem:s18+$0xE5E0]  }
0x10d: {  	[tilespmem:s18+$0xE580] =	vst v6;
	v1 =	vmul.f32 $8.000000000e+00, v1;
	v6 =	vld [tilespmem:s18+$0xE5F0]  }
0x10e: {  	[tilespmem:s18+$0xE590] =	vst v5;
	v0 =	vmul.f32 $8.000000000e+00, v0  }
0x10f: {  	[tilespmem:s18+$0xE5A0] =	vst v1;
	v1 =	vmul.f32 $8.000000000e+00, v2  }
0x110: {  	[tilespmem:s18+$0xE5B0] =	vst v0;
	v0 =	vmul.f32 $8.000000000e+00, v3  }
0x111: {  	s17 =	sadd.s32 s17, s8;
	[tilespmem:s18+$0xE5C0] =	vst v1;
	v1 =	vmul.f32 $8.000000000e+00, v4  }
0x112: {  	s17 =	sshll.u32 s17, $0x3;
	[tilespmem:s18+$0xE5D0] =	vst v0;
	v0 =	vmul.f32 $8.000000000e+00, v6  }
0x113: {  	s17 =	sand.u32 $0x1FFFF000, s17;
	[tilespmem:s18+$0xE5E0] =	vst v1  }
0x114: {  	s17 =	sadd.s32 s2, s17;
	[tilespmem:s18+$0xE5F0] =	vst v0  }
0x115: {  	[hbm4b:s17+s3] =	stream.linear.scatter [tilespmem:s19], [sflag:$0x7], $0x4000, $0x38;
	[tilespmem:$0x16400] =	vst v63  }
0x116: {  	s17 =	simm.s32 @!p0 $0x7  }
0x117: {  	_ =	swait.ge @!p0 [sflag:s17], $0x4000  }
0x118: {  	s20 =	simm.s32 @!p0 $0xE400;
	[sflag:s17] =	ssyncset.done @!p0 $0x0  }
0x119: {  	s18 =	simm.s32 @!p0 $0x80;
	[sflag:s17] =	ssyncadd.s32 @!p0 $0xFFFFC000;
	s17 =	sadd.s32 @!p0 $0x600, s16  }
0x11a: {  	[tilespmem:s20], [sflag:$0x3] =	stream.indirect.gather @!p0 [hbm4b:s4+s18], $0x40, s17, s18, $0xb8;
	[tilespmem:$0x16400] =	vst v63  }
0x11b: {  	s16 =	sadd.s32 @!p0 $0x680, s16;
	s17 =	simm.s32 @!p0 $0x10400  }
0x11c: {  	[tilespmem:s17], [sflag:$0x3] =	stream.indirect.gather @!p0 [hbm4b:s4+s18], $0x40, s16, s18, $0xb8;
	[tilespmem:$0x16400] =	vst v63  }
0x11d: {  	_ =	swait.ge [sflag:s28], $0x4000  }
0x11e: {  	[sflag:s28] =	ssyncset.done $0x0  }
0x11f: {  	s16 =	simm.s32 $0x0;
	[sflag:s28] =	ssyncadd.s32 $0xFFFFC000  }
0x120: {  	v0 =	vld [tilespmem:s16+$0x12400]  }
0x121: {  	v1 =	vld [tilespmem:s16+$0x12410]  }
0x122: {  	v2 =	vld [tilespmem:s16+$0x12420]  }
0x123: {  	v3 =	vld [tilespmem:s16+$0x12430]  }
0x124: {  	v4 =	vld [tilespmem:s16+$0x12440]  }
0x125: {  	v5 =	vld [tilespmem:s16+$0x12450];
	v0 =	vmul.f32 $8.000000000e+00, v0  }
0x126: {  	v6 =	vld [tilespmem:s16+$0x12460];
	v1 =	vmul.f32 $8.000000000e+00, v1  }
0x127: {  	v2 =	vmul.f32 $8.000000000e+00, v2;
	[tilespmem:s16+$0x12400] =	vst v0;
	v0 =	vld [tilespmem:s16+$0x12470]  }
0x128: {  	v3 =	vmul.f32 $8.000000000e+00, v3;
	[tilespmem:s16+$0x12410] =	vst v1;
	v1 =	vld [tilespmem:s16+$0x12480]  }
0x129: {  	v4 =	vmul.f32 $8.000000000e+00, v4;
	[tilespmem:s16+$0x12420] =	vst v2;
	v2 =	vld [tilespmem:s16+$0x12490]  }
0x12a: {  	v5 =	vmul.f32 $8.000000000e+00, v5;
	[tilespmem:s16+$0x12430] =	vst v3;
	v3 =	vld [tilespmem:s16+$0x124A0]  }
0x12b: {  	v6 =	vmul.f32 $8.000000000e+00, v6;
	[tilespmem:s16+$0x12440] =	vst v4;
	v4 =	vld [tilespmem:s16+$0x124B0]  }
0x12c: {  	[tilespmem:s16+$0x12450] =	vst v5;
	v5 =	vld [tilespmem:s16+$0x124C0];
	v0 =	vmul.f32 $8.000000000e+00, v0  }
0x12d: {  	[tilespmem:s16+$0x12460] =	vst v6;
	v6 =	vld [tilespmem:s16+$0x124D0];
	v1 =	vmul.f32 $8.000000000e+00, v1  }
0x12e: {  	v2 =	vmul.f32 $8.000000000e+00, v2;
	[tilespmem:s16+$0x12470] =	vst v0;
	v0 =	vld [tilespmem:s16+$0x124E0]  }
0x12f: {  	v3 =	vmul.f32 $8.000000000e+00, v3;
	[tilespmem:s16+$0x12480] =	vst v1;
	v1 =	vld [tilespmem:s16+$0x124F0]  }
0x130: {  	v4 =	vmul.f32 $8.000000000e+00, v4;
	[tilespmem:s16+$0x12490] =	vst v2;
	v2 =	vld [tilespmem:s16+$0x12500]  }
0x131: {  	v5 =	vmul.f32 $8.000000000e+00, v5;
	[tilespmem:s16+$0x124A0] =	vst v3;
	v3 =	vld [tilespmem:s16+$0x12510]  }
0x132: {  	v6 =	vmul.f32 $8.000000000e+00, v6;
	[tilespmem:s16+$0x124B0] =	vst v4;
	v4 =	vld [tilespmem:s16+$0x12520]  }
0x133: {  	[tilespmem:s16+$0x124C0] =	vst v5;
	v5 =	vld [tilespmem:s16+$0x12530];
	v0 =	vmul.f32 $8.000000000e+00, v0  }
0x134: {  	[tilespmem:s16+$0x124D0] =	vst v6;
	v6 =	vld [tilespmem:s16+$0x12540]  }
0x135: {  	v1 =	vmul.f32 $8.000000000e+00, v1;
	[tilespmem:s16+$0x124E0] =	vst v0;
	v0 =	vld [tilespmem:s16+$0x12550]  }
0x136: {  	v2 =	vmul.f32 $8.000000000e+00, v2  }
0x137: {  	[tilespmem:s16+$0x124F0] =	vst v1;
	v1 =	vmul.f32 $8.000000000e+00, v3;
	v3 =	vld [tilespmem:s16+$0x12570]  }
0x138: {  	v7 =	vld [tilespmem:s16+$0x12560];
	[tilespmem:s16+$0x12500] =	vst v2;
	v2 =	vmul.f32 $8.000000000e+00, v4  }
0x139: {  	v4 =	vld [tilespmem:s16+$0x12580];
	[tilespmem:s16+$0x12510] =	vst v1;
	v1 =	vmul.f32 $8.000000000e+00, v5  }
0x13a: {  	[tilespmem:s16+$0x12520] =	vst v2;
	v5 =	vld [tilespmem:s16+$0x12590];
	v2 =	vmul.f32 $8.000000000e+00, v6;
	v6 =	vmul.f32 $8.000000000e+00, v0  }
0x13b: {  	[tilespmem:s16+$0x12530] =	vst v1;
	v1 =	vld [tilespmem:s16+$0x125A0]  }
0x13c: {  	v0 =	vld [tilespmem:s16+$0x125B0];
	[tilespmem:s16+$0x12550] =	vst v6;
	v6 =	vmul.f32 $8.000000000e+00, v3  }
0x13d: {  	v7 =	vmul.f32 $8.000000000e+00, v7;
	[tilespmem:s16+$0x12540] =	vst v2;
	v2 =	vld [tilespmem:s16+$0x125C0]  }
0x13e: {  	v3 =	vld [tilespmem:s16+$0x125D0];
	[tilespmem:s16+$0x12570] =	vst v6;
	v6 =	vmul.f32 $8.000000000e+00, v4  }
0x13f: {  	s17 =	simm.s32 $0x800;
	[tilespmem:s16+$0x12560] =	vst v7;
	v5 =	vmul.f32 $8.000000000e+00, v5;
	v4 =	vld [tilespmem:s16+$0x125E0]  }
.LBB2_9:
0x140: {  	s18 =	sshra.s32 s17, $0x2;
	p0 =	sne.s32 s17, $0xF800;
	[tilespmem:s16+$0x12580] =	vst v6;
	v1 =	vmul.f32 $8.000000000e+00, v1;
	v6 =	vld [tilespmem:s16+$0x125F0]  }
0x141: {  	v7 =	vld [tilespmem:s18+$0x12400];
	[tilespmem:s16+$0x12590] =	vst v5;
	v0 =	vmul.f32 $8.000000000e+00, v0  }
0x142: {  	v5 =	vld [tilespmem:s18+$0x12410];
	[tilespmem:s16+$0x125A0] =	vst v1;
	v1 =	vmul.f32 $8.000000000e+00, v2  }
0x143: {  	v2 =	vld [tilespmem:s18+$0x12420];
	[tilespmem:s16+$0x125B0] =	vst v0;
	v0 =	vmul.f32 $8.000000000e+00, v3  }
0x144: {  	v3 =	vld [tilespmem:s18+$0x12430];
	[tilespmem:s16+$0x125C0] =	vst v1;
	v1 =	vmul.f32 $8.000000000e+00, v4  }
0x145: {  	v4 =	vld [tilespmem:s18+$0x12440];
	[tilespmem:s16+$0x125D0] =	vst v0;
	v0 =	vmul.f32 $8.000000000e+00, v6  }
0x146: {  	v6 =	vmul.f32 $8.000000000e+00, v7;
	v7 =	vld [tilespmem:s18+$0x12450];
	[tilespmem:s16+$0x125E0] =	vst v1  }
0x147: {  	v1 =	vmul.f32 $8.000000000e+00, v5;
	v5 =	vld [tilespmem:s18+$0x12460];
	[tilespmem:s16+$0x125F0] =	vst v0;
	s16 =	smov.u32 s18  }
0x148: {  	[tilespmem:s16+$0x12400] =	vst v6;
	v0 =	vmul.f32 $8.000000000e+00, v2;
	v2 =	vld [tilespmem:s16+$0x12470]  }
0x149: {  	[tilespmem:s16+$0x12410] =	vst v1;
	v1 =	vmul.f32 $8.000000000e+00, v3;
	v3 =	vld [tilespmem:s16+$0x12480]  }
0x14a: {  	[tilespmem:s16+$0x12420] =	vst v0;
	v0 =	vmul.f32 $8.000000000e+00, v4;
	v4 =	vld [tilespmem:s16+$0x12490]  }
0x14b: {  	[tilespmem:s16+$0x12430] =	vst v1;
	v1 =	vmul.f32 $8.000000000e+00, v7;
	v6 =	vld [tilespmem:s16+$0x124A0]  }
0x14c: {  	[tilespmem:s16+$0x12440] =	vst v0;
	v0 =	vmul.f32 $8.000000000e+00, v5;
	v5 =	vld [tilespmem:s16+$0x124B0]  }
0x14d: {  	[tilespmem:s16+$0x12450] =	vst v1;
	v1 =	vmul.f32 $8.000000000e+00, v2;
	v2 =	vld [tilespmem:s16+$0x124C0]  }
0x14e: {  	[tilespmem:s16+$0x12460] =	vst v0;
	v0 =	vmul.f32 $8.000000000e+00, v3;
	v3 =	vld [tilespmem:s16+$0x124D0]  }
0x14f: {  	[tilespmem:s16+$0x12470] =	vst v1;
	v1 =	vmul.f32 $8.000000000e+00, v4;
	v4 =	vld [tilespmem:s16+$0x124E0]  }
0x150: {  	[tilespmem:s16+$0x12480] =	vst v0;
	v0 =	vmul.f32 $8.000000000e+00, v6;
	v6 =	vld [tilespmem:s16+$0x124F0]  }
0x151: {  	[tilespmem:s16+$0x12490] =	vst v1;
	v1 =	vmul.f32 $8.000000000e+00, v5;
	v5 =	vld [tilespmem:s16+$0x12500]  }
0x152: {  	[tilespmem:s16+$0x124A0] =	vst v0;
	v0 =	vmul.f32 $8.000000000e+00, v2;
	v2 =	vld [tilespmem:s16+$0x12510]  }
0x153: {  	[tilespmem:s16+$0x124B0] =	vst v1;
	v1 =	vmul.f32 $8.000000000e+00, v3;
	v3 =	vld [tilespmem:s16+$0x12520]  }
0x154: {  	[tilespmem:s16+$0x124C0] =	vst v0;
	v0 =	vmul.f32 $8.000000000e+00, v4;
	v4 =	vld [tilespmem:s16+$0x12530]  }
0x155: {  	[tilespmem:s16+$0x124D0] =	vst v1;
	v1 =	vmul.f32 $8.000000000e+00, v6;
	v6 =	vld [tilespmem:s16+$0x12540]  }
0x156: {  	[tilespmem:s16+$0x124E0] =	vst v0;
	v0 =	vmul.f32 $8.000000000e+00, v5;
	v5 =	vld [tilespmem:s16+$0x12550]  }
0x157: {  	[tilespmem:s16+$0x124F0] =	vst v1;
	v1 =	vmul.f32 $8.000000000e+00, v2;
	v2 =	vld [tilespmem:s16+$0x12560]  }
0x158: {  	[tilespmem:s16+$0x12500] =	vst v0;
	v0 =	vmul.f32 $8.000000000e+00, v3;
	v3 =	vld [tilespmem:s16+$0x12570]  }
0x159: {  	[tilespmem:s16+$0x12510] =	vst v1;
	v1 =	vmul.f32 $8.000000000e+00, v4;
	v4 =	vld [tilespmem:s16+$0x12580]  }
0x15a: {  	[tilespmem:s16+$0x12520] =	vst v0;
	v0 =	vmul.f32 $8.000000000e+00, v6;
	v7 =	vld [tilespmem:s16+$0x12590]  }
.Ltmp3:
0x15b: {  	[tilespmem:s16+$0x12530] =	vst v1;
	v5 =	vmul.f32 $8.000000000e+00, v5;
	v1 =	vld [tilespmem:s16+$0x125A0];
	(pc) =	sbr.rel @p0 .LBB2_9-.Ltmp3, $4  }
0x15c: {  	[tilespmem:s16+$0x12540] =	vst v0;
	v6 =	vmul.f32 $8.000000000e+00, v2;
	v0 =	vld [tilespmem:s16+$0x125B0]  }
0x15d: {  	[tilespmem:s16+$0x12550] =	vst v5;
	v5 =	vmul.f32 $8.000000000e+00, v3;
	v2 =	vld [tilespmem:s16+$0x125C0]  }
0x15e: {  	[tilespmem:s16+$0x12560] =	vst v6;
	v6 =	vmul.f32 $8.000000000e+00, v4;
	v3 =	vld [tilespmem:s16+$0x125D0]  }
0x15f: {  	s17 =	sadd.s32 $0x800, s17;
	[tilespmem:s16+$0x12570] =	vst v5;
	v5 =	vmul.f32 $8.000000000e+00, v7;
	v4 =	vld [tilespmem:s16+$0x125E0]  }
0x160: {  	[tilespmem:s16+$0x12580] =	vst v6;
	v1 =	vmul.f32 $8.000000000e+00, v1;
	v59 =	vld [tilespmem:s16+$0x125F0]  }
0x161: {  	[tilespmem:s16+$0x12590] =	vst v5;
	v0 =	vmul.f32 $8.000000000e+00, v0  }
0x162: {  	s13 =	sadd.s32 $0x1, s13;
	[tilespmem:s16+$0x125A0] =	vst v1;
	v60 =	vmul.f32 $8.000000000e+00, v2  }
0x163: {  	p0 =	sne.s32 s13, $0x19;
	[tilespmem:s16+$0x125B0] =	vst v0;
	v61 =	vmul.f32 $8.000000000e+00, v3  }
.Ltmp4:
0x164: {  	s14 =	sshll.u32 s14, $0xE;
	[tilespmem:s16+$0x125C0] =	vst v60;
	v62 =	vmul.f32 $8.000000000e+00, v4;
	(pc) =	sbr.rel @p0 .LBB2_2-.Ltmp4, $4  }
0x165: {  	s14 =	sadd.s32 s6, s14;
	[tilespmem:s16+$0x125D0] =	vst v61;
	v63 =	vmul.f32 $8.000000000e+00, v59  }
0x166: {  	s14 =	sshrl.u32 s14, $0x3;
	[tilespmem:s16+$0x125E0] =	vst v62  }
0x167: {  	s14 =	sadd.s32 s2, s14;
	[tilespmem:s16+$0x125F0] =	vst v63  }
0x168: {  	[hbm4b:s14+s3] =	stream.linear.scatter [tilespmem:s22], [sflag:$0x8], $0x4000, $0x38;
	[tilespmem:$0x16400] =	vst v63  }
0x169: {  	_ =	swait.ge [sflag:s29], $0x4000  }
0x16a: {  	[sflag:s29] =	ssyncset.done $0x0  }
0x16b: {  	[sflag:s29] =	ssyncadd.s32 $0xFFFFC000  }
0x16c: {  	_ =	swait.ge [sflag:s30], $0x4000  }
0x16d: {  	[sflag:s30] =	ssyncset.done $0x0  }
0x16e: {  	s0 =	sadd.s32 $0x1, s0;
	[sflag:s30] =	ssyncadd.s32 $0xFFFFC000  }
0x16f: {  	p0 =	sne.s32 s0, s9;
	_ =	swait.ge [sflag:s31], $0x4000  }
.Ltmp5:
0x170: {  	[sflag:s31] =	ssyncset.done $0x0;
	(pc) =	sbr.rel @p0 .LBB2_1-.Ltmp5, $4  }
0x171: {  	[sflag:s31] =	ssyncadd.s32 $0xFFFFC000  }
0x172: {  	_ =	swait.ge [sflag:s1], $0x4000  }
0x173: {  	[sflag:s1] =	ssyncset.done $0x0  }
0x174: {  	[sflag:s1] =	ssyncadd.s32 $0xFFFFC000  }
0x175: {  	_ =	sfence.sel $0x180000  }
0x176: {  	[bflag:$0x0] =	sbarrier.arrive $0xFFFF  }
0x177: {  	_ =	strace $0x90000047  }
0x178: {  	s0 =	stileid.u32;
	[bflag:$0x2] =	sbarrier.arrive $0xFFFF  }
0x179: {  	p0 =	sne.s32 s0, $0x0;
	s0 =	rddreg [dreg:$0x2]  }
0x17a: {  	s0 =	sadd.s32 @!p0 $0x100000, s0  }
0x17b: {  	[sflag:s0] =	ssyncadd.tile.s32 @!p0 $0x1;
	_ =	shalt  }
.Lfunc_end2:
_tile_overlayer_lowered:
.L_overlay_start_2:
0x17c: {  	(tag) =	ssettag $0x2  }
0x17d: {  	s0 =	rddreg [dreg:$0x0];
	s2 =	stileid.u32  }
0x17e: {  	s1 =	rddreg [dreg:$0x1];
	p0 =	sne.s32 s2, $0x0  }
0x17f: {  	s3 =	rddreg [dreg:$0x2];
	[bflag:$0x3] =	sbarrier.arrive $0xFFFF;
	s2 =	simm.s32 @!p0 $0x1C09  }
0x180: {  	[timem:s3], [sflag:s2] =	dma.local @!p0 [hbm:s0], s1  }
0x181: {  	s0 =	simm.s32 @!p0 $0x9  }
0x182: {  	_ =	swait.ge @!p0 [sflag:s0], s1  }
0x183: {  	s1 =	ssub.s32 @!p0 $0x0, s1;
	[sflag:s0] =	ssyncset.done @!p0 $0x0  }
0x184: {  	[sflag:s0] =	ssyncadd.s32 @!p0 s1  }
0x185: {  	[bflag:$0x3] =	sbarrier.arrive $0xFFFF  }
0x186: {  	_ =	shalt  }

// kernel: sparse-core-data-format-call.cloned.1.call-start
scs
called_computation_lowered:
.L_overlay_start_0:
0x0: {  	s2 =	sld [smem:$0x3FD9]  }
0x1: {  	s3 =	sld [smem:$0x3FFE];
	_ =	sdelay $0x1  }
0x2: {  	s1 =	srdreg.scid  }
0x3: {  	s0 =	sand.u32 $0x1, s1  }
0x4: {  	s18 =	sshll.u32 s0, $0xA;
	s2 =	sadd.s32 s3, s2  }
0x5: {  	s2 =	sadd.s32 s2, s18  }
0x6: {  	[smem:$0x3FC6] =	sst s2  }
0x7: {  	_ = 	snop  }
0x8: {  	s2 =	sld [smem:$0x3FD0];
	(tm) =	ssettm $0x1  }
0x9: {  	s19 =	sld [smem:$0x3FFB];
	_ =	sdelay $0x3  }
0xa: {  	_ =	strace s19  }
0xb: {  	s3 =	sld [smem:$0x3FFC];
	_ =	sdelay $0x3  }
0xc: {  	_ =	strace s3  }
0xd: {  	s3 =	sld [smem:$0x3FFD];
	_ =	sdelay $0x3  }
0xe: {  	_ =	strace s3  }
0xf: {  	_ =	strace $0x8FFFFFFF  }
0x10: {  	s20 =	sld [smem:$0x3FDB];
	_ =	sdelay $0x1  }
0x11: {  	s4 =	simm.s32 $_scs_section_size  }
0x12: {  	s5 =	simm.s32 $_size__tile_overlayer_lowered;
	s6 =	simm.s32 $_tile_overlayer_lowered  }
0x13: {  	s23 =	simm.s32 $0x1BFF;
	s22 =	sshll.u32 s6, $0x1;
	s3 =	sadd.s32 s4, s20  }
0x14: {  	s7 =	simm.s32 $0x0;
	s21 =	sshll.u32 s5, $0x1;
	s5 =	sadd.s32 s22, s3  }
0x15: {  	[timem:s7], [sflag:s23] =	dma.local [hbm:s5], s21  }
0x16: {  	_ =	swait.ge [sflag:s23], s21  }
0x17: {  	s4 =	ssub.s32 $0x0, s21;
	[sflag:s23] =	ssyncset.done $0x0  }
0x18: {  	[sflag:s23] =	ssyncadd.s32 s4;
	_ =	sdelay $0x1  }
0x19: {  	s24 =	simm.s32 $0x1B8B  }
0x1a: {  	_ =	swait.ge [sflag:s24], $0x1  }
0x1b: {  	[sflag:s24] =	ssyncset.done $0x0  }
0x1c: {  	s26 =	simm.s32 $0x1B8E;
	s25 =	sld [smem:$0x3FFE];
	[sflag:s24] =	ssyncadd.s32 $0xFFFFFFFF  }
0x1d: {  	s27 =	simm.s32 $execute0_lowered;
	[smem:$0x3FD2] =	sst s26  }
0x1e: {  	s5 =	sshll.u32 s27, $0x1;
	_ =	strace $0x80000049;
	[dreg:$0x1] =	wrdreg $0xFFFFFFFF  }
0x1f: {  	s28 =	simm.s32 $_size_execute0_lowered;
	s3 =	sadd.s32 s3, s5;
	[dreg:$0x0] =	wrdreg $0x0  }
0x20: {  	s5 =	sshll.u32 s28, $0x1;
	[dreg:$0x2] =	wrdreg s3  }
0x21: {  	[dreg:$0x3] =	wrdreg s5  }
0x22: {  	[dreg:$0x4] =	wrdreg $0xC0  }
0x23: {  	_ =	task [dreg:s7], $0x5FFFF  }
0x24: {  	[dreg:$0x1] =	wrdreg $0xFFFFFFFF  }
0x25: {  	[dreg:$0x0] =	wrdreg $0x60  }
0x26: {  	[dreg:$0x2] =	wrdreg s25  }
0x27: {  	[dreg:$0x3] =	wrdreg s2  }
0x28: {  	[dreg:$0x4] =	wrdreg $0x9  }
0x29: {  	_ =	task.clear_ibuf [dreg:s7], $0x5FFFF;
	_ =	strace $0x90000049  }
0x2a: {  	s29 =	simm.s32 $0x9;
	_ =	strace $0x8000004B  }
0x2b: {  	_ =	swait.ge [sflag:s29], $0x1  }
0x2c: {  	[sflag:s29] =	ssyncadd.s32 $0xFFFFFFFF  }
0x2d: {  	_ =	strace $0x9000004B  }
0x2e: {  	_ =	sfence  }
0x2f: {  	s30 =	sld [smem:$0x0];
	_ =	sdelay $0x2  }
0x30: {  	s31 =	sshll.u32 s1, $0xD;
	s1 =	sshrl.u32 s1, $0x2  }
0x31: {  	s3 =	sand.u32 $0x4000, s31;
	s1 =	sadd.s32 s1, s30  }
0x32: {  	s0 =	sor.u32 s3, s0;
	s1 =	sshll.u32 s1, $0x11  }
0x33: {  	s0 =	sor.u32 s1, s0  }
0x34: {  	s0 =	sadd.s32 $0x8F2B, s0  }
0x35: {  	[sflag:s0] =	ssyncadd.remote.s32 $0x1  }
0x36: {  	_ =	sfence.sel $0xFFFF  }
0x37: {  	[dreg:$0x0] =	wrdreg $0xFFFFFFFF;
	(pc) =	sbr.abs _section_cstart, $3  }
0x38: {  	[dreg:$0x1] =	wrdreg $0xFFFFFFFF  }
0x39: {  	_ =	task.clear_ibuf [dreg:s7], $0x2FFFF;
	_ =	strace $0x9FFFFFFF  }
0x3a: {  	(tm) =	ssettm $0x7FFFFFFF  }
0x3b: {  	_ =	shalt  }
tec
execute0_lowered:
.L_overlay_start_1:
0x0: {  	(tag) =	ssettag $0x1  }
0x1: {  	s0 =	srdreg.scid  }
0x2: {  	s1 =	sshll.u32 s0, $0x4  }
0x3: {  	s0 =	stileid.u32;
	s1 =	sand.u32 $0x10, s1  }
0x4: {  	s1 =	sor.u32 s0, s1  }
0x5: {  	s6 =	rddreg [dreg:$0x0];
	s4 =	simm.s32 $0x1;
	s2 =	sshll.u32 s1, $0x7  }
0x6: {  	s7 =	simm.s32 $0x2;
	s12 =	simm.s32 $0x0;
	s1 =	ssub.s32 $0x1000, s2  }
0x7: {  	s8 =	simm.s32 $0x8000;
	s13 =	simm.s32 $0x0;
	s3 =	sand.u32 $0xF80, s1  }
0x8: {  	s9 =	simm.s32 $0x0;
	s5 =	sshrl.u32 s1, $0xC;
	p0 =	sne.s32 s3, $0x0  }
.Ltmp0:
0x9: {  	s1 =	rddreg [dreg:$0x2];
	s4 =	simm.s32 @!p0 $0x0;
	(pc) =	sbr.rel .LBB1_1-.Ltmp0, $4  }
0xa: {  	s11 =	simm.s32 $0x0;
	s3 =	rddreg [dreg:$0x1];
	s5 =	sadd.s32 s4, s5  }
0xb: {  	_ =	strace $0x8000004A;
	s4 =	simm.s32 $0x1;
	s5 =	smul.u32 $0xC8, s5  }
0xc: {  	s6 =	sadd.s32 $0xA00, s6;
	s10 =	smov.u32 s2;
	[sflag:s4] =	ssyncpa.u1 $0x0  }
0xd: {  	p0 =	por $0x0, $0x0;
	[sflag:s7] =	ssyncpa.u1 $0x0;
	s7 =	sor.u32 $0x1, s5  }
.LBB1_4:
0xe: {  	s16 =	sshll.u32 s13, $0x3;
	s17 =	sand.u32 $0x78, s13  }
0xf: {  	s30 =	sand.u32 $0x7E00, s13;
	s12 =	sshll.u32 s12, $0xF;
	s16 =	sand.u32 $0xC00, s16  }
0x10: {  	[tilespmem:s15+$0x810 ss:$0x81] =	vst.msk $0xffff, v2;
	s31 =	sand.u32 $0x7, s13;
	s16 =	sor.u32 s17, s16;
	s17 =	sadd.s32 s3, s30  }
0x11: {  	[tilespmem:s15+$0x1020 ss:$0x81] =	vst.msk $0xffff, v0;
	s13 =	sshll.u32 s31, $0x12;
	s12 =	sadd.s32 s12, s17;
	s16 =	sshrl.u32 s16, $0x3  }
0x12: {  	[tilespmem:s15+$0x0 ss:$0x81] =	vst.msk $0xffff, v1;
	s13 =	sor.u32 $0x400, s13;
	s12 =	sadd.s32 s16, s12  }
0x13: {  	[hbm4b:s12+s13] =	stream.strided.scatter [tilespmem:s14], [sflag:$0x2], $0x2000, s8, s13, $0x20;
	[tilespmem:$0x8080] =	vst v63  }
.LBB1_5:
0x14: {  	s14 =	sadd.s32 $0x1, s9  }
0x15: {  	s12 =	sadd.s32 $0x1000, s10;
	s16 =	smov.u32 s10;
	p2 =	sgt.s32 s14, $0xC7  }
0x16: {  	s16 =	smov.u32 @p2 s12  }
0x17: {  	s14 =	simm.s32 @p2 $0x0;
	p2 =	sgt.s32 s16, $0xFFF  }
0x18: {  	s16 =	smov.u32 @p2 s2;
	p2 =	sne.s32 s11, s7  }
.Ltmp1:
0x19: {  	p1 =	slt.u32 s11, $0x2;
	(pc) =	sbr.rel @!p2 .LBB1_6-.Ltmp1, $4  }
0x1a: {  	s15 =	simm.s32 @!p1 $0x2  }
0x1b: {  	s13 =	smov.u32 s10;
	p0 =	por !p0, !p0;
	_ =	swait.ge @!p1 [sflag:s15], $0x2000  }
0x1c: {  	s12 =	smov.u32 s9;
	[sflag:s15] =	ssyncset.done @!p1 $0x0;
	s9 =	smov.u32 s14  }
0x1d: {  	s11 =	sadd.s32 $0x1, s11;
	[sflag:s15] =	ssyncadd.s32 @!p1 $0xFFFFE000;
	s10 =	smov.u32 s16  }
.LBB1_1:
0x1e: {  	p1 =	sge.u32 s11, s5  }
0x1f: {  	s14 =	sand.u32 @!p1 $0x1FFFFFF, s9  }
0x20: {  	s15 =	smulhi.u32 @!p1 $0x147AE15, s14;
	_ =	sdelay $0x1  }
0x21: {  	s15 =	smul.u32 @!p1 $0xC8, s15  }
0x22: {  	s16 =	sxor.u32 @!p1 $0xFFFFFFFF, s11;
	s17 =	smul.u32 @!p1 $0xC80, s10  }
0x23: {  	s31 =	sadd.s32 $0xFFFFFFFF, s11;
	s16 =	sshll.u32 @!p1 s16, $0xD;
	s14 =	ssub.s32 @!p1 s14, s15  }
0x24: {  	s15 =	sand.u32 @!p1 $0x2000, s16;
	s16 =	sadd.s32 @!p1 s6, s17;
	s14 =	sshll.u32 @!p1 s14, $0x4  }
0x25: {  	s17 =	simm.s32 @!p1 $0x6400;
	s14 =	sadd.s32 @!p1 s14, s16;
	s16 =	simm.s32 @!p1 $0x40  }
0x26: {  	[tilespmem:s15], [sflag:$0x1] =	stream.strided.gather @!p1 [hbm4b:s14+s16], $0x2000, s17, s16, $0x38;
	[tilespmem:$0x8080] =	vst v63  }
0x27: {  	p1 =	sge.u32 s31, s5  }
.Ltmp2:
0x28: {  	_ = 	snop;
	(pc) =	sbr.rel @p1 .LBB1_5-.Ltmp2, $1  }
0x29: {  	_ =	sdelay $0x3  }
0x2a: {  	s14 =	simm.s32 $0x1  }
0x2b: {  	_ =	swait.ge [sflag:s4], $0x2000;
	s14 =	simm.s32 @!p0 $0x0  }
0x2c: {  	[sflag:s4] =	ssyncset.done $0x0;
	s15 =	sshll.u32 s14, $0xD  }
0x2d: {  	[sflag:s4] =	ssyncadd.s32 $0xFFFFE000;
	s18 =	sor.u32 $0x20, s15  }
0x2e: {  	s14 =	smul.u32 $0x8100, s14;
	v3 =	vld [tilespmem:s18+$0x10]  }
0x2f: {  	s30 =	sand.u32 $0x1, s11;
	v2 =	vld [tilespmem:s18+$0xFFFFFFF0]  }
0x30: {  	s15 =	smul.u32 $0x8100, s30;
	s14 =	sshrl.u32 s14, $0x2;
	v0 =	vld [tilespmem:s18+$0x0]  }
0x31: {  	v1 =	vld [tilespmem:s18+$0xFFFFFFE0];
	s16 =	sor.u32 $0x4000, s14  }
0x32: {  	s31 =	sshrl.u32 s15, $0x2;
	s15 =	sadd.s32 $0x0, s16  }
0x33: {  	s17 =	simm.s32 $0x4;
	s18 =	sadd.s32 $0x40, s18;
	s14 =	sor.u32 $0x4000, s31;
	[tilespmem:s15+$0x1830 ss:$0x81] =	vst.msk $0xffff, v3  }
.LBB1_3:
0x34: {  	v3 =	vld [tilespmem:s18+$0x10];
	p1 =	sne.s32 s17, $0x1FC;
	[tilespmem:s15+$0x810 ss:$0x81] =	vst.msk $0xffff, v2;
	s19 =	smov.u32 s17;
	s17 =	sadd.s32 $0x4, s17  }
.Ltmp3:
0x35: {  	v2 =	vld [tilespmem:s18+$0xFFFFFFF0];
	[tilespmem:s15+$0x1020 ss:$0x81] =	vst.msk $0xffff, v0;
	(pc) =	sbr.rel @p1 .LBB1_3-.Ltmp3, $4  }
0x36: {  	v0 =	vld [tilespmem:s18+$0x0];
	[tilespmem:s15+$0x0 ss:$0x81] =	vst.msk $0xffff, v1  }
0x37: {  	s15 =	sshra.s32 s19, $0x2;
	v1 =	vld [tilespmem:s18+$0xFFFFFFE0]  }
0x38: {  	s15 =	sadd.s32 s15, s16  }
0x39: {  	s18 =	sadd.s32 $0x40, s18;
	[tilespmem:s15+$0x1830 ss:$0x81] =	vst.msk $0xffff, v3  }
.Ltmp4:
0x3a: {  	_ = 	snop;
	(pc) =	sbr.rel .LBB1_4-.Ltmp4, $1  }
0x3b: {  	_ =	sdelay $0x3  }
.LBB1_6:
0x3c: {  	_ =	sfence.sel $0x180000  }
0x3d: {  	s2 =	simm.s32 $0x1;
	[bflag:$0x0] =	sbarrier.arrive $0xFFFF  }
0x3e: {  	s31 =	simm.s32 $0x2;
	[sflag:s2] =	ssyncpa.u1 $0x1  }
0x3f: {  	[sflag:s31] =	ssyncpa.u1 $0x1  }
0x40: {  	p0 =	sne.s32 s0, $0x0;
	_ =	strace $0x9000004A  }
0x41: {  	s0 =	sadd.s32 @!p0 $0x100000, s1;
	[bflag:$0x2] =	sbarrier.arrive $0xFFFF  }
0x42: {  	[sflag:s0] =	ssyncadd.tile.s32 @!p0 $0x1;
	_ =	shalt  }
.Lfunc_end1:
_tile_overlayer_lowered:
.L_overlay_start_2:
0x43: {  	(tag) =	ssettag $0x2  }
0x44: {  	s0 =	rddreg [dreg:$0x0];
	s2 =	stileid.u32  }
0x45: {  	s1 =	rddreg [dreg:$0x1];
	p0 =	sne.s32 s2, $0x0  }
0x46: {  	s3 =	rddreg [dreg:$0x2];
	[bflag:$0x3] =	sbarrier.arrive $0xFFFF;
	s2 =	simm.s32 @!p0 $0x1C01  }
0x47: {  	[timem:s3], [sflag:s2] =	dma.local @!p0 [hbm:s0], s1  }
0x48: {  	s0 =	simm.s32 @!p0 $0x1  }
0x49: {  	_ =	swait.ge @!p0 [sflag:s0], s1  }
0x4a: {  	s1 =	ssub.s32 @!p0 $0x0, s1;
	[sflag:s0] =	ssyncset.done @!p0 $0x0  }
0x4b: {  	[sflag:s0] =	ssyncadd.s32 @!p0 s1  }
0x4c: {  	[bflag:$0x3] =	sbarrier.arrive $0xFFFF  }
0x4d: {  	_ =	shalt  }

</sc_bundles>
